<compile_context>
chip_gen: v7x
topology: tpu7x:2x2x1
jax: 0.10.2.dev20260603
libtpu: 0.0.44.dev20260713+nightly
codegen_flags: <defaults>
</compile_context>

<pallas_src>
import jax
import jax.numpy as jnp
from jax import lax
from jax.experimental import pallas as pl
from jax.experimental.pallas import tpu as pltpu
from jax.experimental.pallas import tpu_sc as plsc

_NUM_Q = 8
_K = 8192
_D = 32
_CC = 0.25
_N_TOK = 8192
_TILE = 1024
_GRID = _N_TOK // _TILE

_NC = 2
_NS = 16
_NW = _NC * _NS
_TPW = _N_TOK // _NW
_ICHUNK = 128
_LANES = 16
_WPAD = 128


def _tc_body(rho_ref, w2t_ref, wn_ref, rn_ref, idx_ref, loss_ref):
    rho = rho_ref[...]
    m2 = lax.dot_general(rho, w2t_ref[...],
                         (((1,), (0,)), ((), ())),
                         preferred_element_type=jnp.float32)
    dist = (rn_ref[0] + wn_ref[...]) - m2
    rowmin = jnp.min(dist, axis=1, keepdims=True)
    iota = lax.broadcasted_iota(jnp.int32, (_TILE, _K), 1)
    cand = jnp.where(dist == rowmin, iota, jnp.int32(_K))
    idx_ref[0] = jnp.min(cand, axis=1, keepdims=True)
    loss_ref[0] = jnp.sum(rowmin, keepdims=True)


def _tc_dist_argmin(rho, w2t, wn2, rn3):
    idx3, loss3 = pl.pallas_call(
        _tc_body,
        grid=(_GRID,),
        in_specs=[
            pl.BlockSpec((_TILE, _D), lambda i: (i, 0)),
            pl.BlockSpec((_D, _K), lambda i: (0, 0)),
            pl.BlockSpec((1, _K), lambda i: (0, 0)),
            pl.BlockSpec((1, _TILE, 1), lambda i: (i, 0, 0)),
        ],
        out_specs=[
            pl.BlockSpec((1, _TILE, 1), lambda i: (i, 0, 0)),
            pl.BlockSpec((1, 1, 1), lambda i: (i, 0, 0)),
        ],
        out_shape=[
            jax.ShapeDtypeStruct((_GRID, _TILE, 1), jnp.int32),
            jax.ShapeDtypeStruct((_GRID, 1, 1), jnp.float32),
        ],
    )(rho, w2t, wn2, rn3)
    return idx3.reshape(_N_TOK), loss3


def _sc_worker_id():
    return lax.axis_index("s") * _NC + lax.axis_index("c")


def _sc_gather_sub_body(w_hbm, idx_hbm, rho_hbm, out_hbm, idx_v, rows_v, rho_v):
    wid = _sc_worker_id()
    base = wid * _TPW
    nrow = _TPW // _ICHUNK
    pltpu.sync_copy(idx_hbm.at[pl.ds(wid * nrow, nrow)], idx_v)
    pltpu.sync_copy(rho_hbm.at[pl.ds(base, _TPW)], rho_v)
    for j in range(nrow):
        pltpu.sync_copy(w_hbm.at[idx_v.at[j]],
                        rows_v.at[pl.ds(j * _ICHUNK, _ICHUNK)])

    def sub(t, carry):
        for dd in range(0, _D, _LANES):
            sl = pl.ds(dd, _LANES)
            rho_v[t, sl] = rho_v[t, sl] - rows_v[t, sl]
        return carry

    lax.fori_loop(0, _TPW, sub, 0)
    pltpu.sync_copy(rho_v, out_hbm.at[pl.ds(base, _TPW)])


def _sc_gather_sub_final_body(w_hbm, idx_hbm, rho_hbm, x_hbm, out_hbm,
                              idx_v, rows_v, rho_v, x_v):
    wid = _sc_worker_id()
    base = wid * _TPW
    nrow = _TPW // _ICHUNK
    pltpu.sync_copy(idx_hbm.at[pl.ds(wid * nrow, nrow)], idx_v)
    pltpu.sync_copy(rho_hbm.at[pl.ds(base, _TPW)], rho_v)
    pltpu.sync_copy(x_hbm.at[pl.ds(base, _TPW)], x_v)
    for j in range(nrow):
        pltpu.sync_copy(w_hbm.at[idx_v.at[j]],
                        rows_v.at[pl.ds(j * _ICHUNK, _ICHUNK)])

    def sub(t, carry):
        for dd in range(0, _D, _LANES):
            sl = pl.ds(dd, _LANES)
            r = rho_v[t, sl] - rows_v[t, sl]
            rho_v[t, sl] = x_v[t, sl] - r
        return carry

    lax.fori_loop(0, _TPW, sub, 0)
    pltpu.sync_copy(rho_v, out_hbm.at[pl.ds(base, _TPW)])


import functools


@functools.lru_cache(maxsize=None)
def _sc_kernels():
    mesh = plsc.VectorSubcoreMesh(core_axis_name="c", subcore_axis_name="s")
    mid = pl.kernel(
        _sc_gather_sub_body,
        out_type=jax.ShapeDtypeStruct((_N_TOK, _D), jnp.float32),
        mesh=mesh,
        scratch_types=[
            pltpu.VMEM((_TPW // _ICHUNK, _ICHUNK), jnp.int32),
            pltpu.VMEM((_TPW, _WPAD), jnp.float32),
            pltpu.VMEM((_TPW, _D), jnp.float32),
        ],
    )
    final = pl.kernel(
        _sc_gather_sub_final_body,
        out_type=jax.ShapeDtypeStruct((_N_TOK, _D), jnp.float32),
        mesh=mesh,
        scratch_types=[
            pltpu.VMEM((_TPW // _ICHUNK, _ICHUNK), jnp.int32),
            pltpu.VMEM((_TPW, _WPAD), jnp.float32),
            pltpu.VMEM((_TPW, _D), jnp.float32),
            pltpu.VMEM((_TPW, _D), jnp.float32),
        ],
    )
    return mid, final


def kernel(x, W):
    B, T, D = x.shape
    flat = x.reshape(_N_TOK, D)
    w2t = jnp.swapaxes(2.0 * W, 1, 2)
    wn = jnp.sum(W ** 2, axis=2)
    wpad = jnp.pad(W, ((0, 0), (0, 0), (0, _WPAD - _D)))

    rho = flat
    total_loss = jnp.float32(0.0)
    all_idx = []
    inv_n = jnp.float32(1.0 / (_N_TOK * _D))
    out = None
    for i in range(_NUM_Q):
        rn = jnp.sum(rho ** 2, axis=1)
        idx, loss3 = _tc_dist_argmin(
            rho, w2t[i], wn[i].reshape(1, _K), rn.reshape(_GRID, _TILE, 1))
        idx2 = idx.reshape(_N_TOK // _ICHUNK, _ICHUNK)
        sc_mid, sc_final = _sc_kernels()
        if i + 1 < _NUM_Q:
            rho = sc_mid(wpad[i], idx2, rho)
        else:
            out = sc_final(wpad[i], idx2, rho, flat)
        m = jnp.sum(loss3) * inv_n
        total_loss = total_loss + (m + _CC * m)
        all_idx.append(idx.reshape(B, T))

    output = out.reshape(B, T, D)
    return output, total_loss, jnp.stack(all_idx, axis=0)

# --- scband reference (transcript-rebuilt; emitter-appended) ---
"""Pipeline reference for scband-residual-vq-81398220193961 (READ-ONLY COPY).

The authoritative reference and input builder live on the scoring server;
editing this copy changes nothing except your own understanding.
"""

import jax, jax.numpy as jnp
import numpy as np

NUM_Q = 8
K = 8192
D = 32
CC = 0.25
B = 8
T = 1024


def setup_inputs(seed: int = 0) -> dict:
    key = jax.random.key(seed)
    kx, kw = jax.random.split(key)
    x = jax.random.normal(kx, (B, T, D), dtype=jnp.float32)
    # one codebook per quantizer, init uniform(-1/K, 1/K) as in torch module
    W = jax.random.uniform(kw, (NUM_Q, K, D), dtype=jnp.float32, minval=-1.0 / K, maxval=1.0 / K)
    return {"x": x, "W": W}


def _quantize(x, w):
    flat = x.reshape(-1, D)
    dist = (jnp.sum(flat ** 2, axis=1, keepdims=True)
            + jnp.sum(w ** 2, axis=1)
            - 2.0 * flat @ w.T)
    idx = jnp.argmin(dist, axis=1)
    # one_hot @ W is mathematically identical to a gather of codebook rows
    quantized = jnp.take(w, idx, axis=0).reshape(x.shape)
    e_latent_loss = jnp.mean((jax.lax.stop_gradient(quantized) - x) ** 2)
    q_latent_loss = jnp.mean((quantized - jax.lax.stop_gradient(x)) ** 2)
    loss = q_latent_loss + CC * e_latent_loss
    quantized_st = x + jax.lax.stop_gradient(quantized - x)
    return quantized_st, loss, idx.reshape(x.shape[0], x.shape[1])


def reference(x, W):
    residual = x
    total_loss = jnp.asarray(0.0, dtype=jnp.float32)
    all_indices = []
    for i in range(NUM_Q):
        q, l, idx = _quantize(residual, W[i])
        residual = residual - q
        total_loss = total_loss + l
        all_indices.append(idx)
    output = x - residual
    return output, total_loss, jnp.stack(all_indices, axis=0)

if __name__ == "__main__":
    import jax
    _d = setup_inputs()
    print(jax.jit(kernel)(*tuple(_d.values())))

</pallas_src>

<mosaic_0001>
#map = affine_map<(d0, d1) -> (0, 0)>
module attributes {stable_mosaic.version = 14 : i64} {
  func.func @_sc_gather_sub_body(%arg0: i32, %arg1: i32, %arg2: memref<8192x128xf32, #tpu.memory_space<hbm>>, %arg3: memref<64x128xi32, #tpu.memory_space<hbm>>, %arg4: memref<8192x32xf32, #tpu.memory_space<hbm>>, %arg5: memref<8192x32xf32, #tpu.memory_space<hbm>>, %arg6: memref<2x128xi32, #tpu.memory_space<vmem>>, %arg7: memref<256x128xf32, #tpu.memory_space<vmem>>, %arg8: memref<256x32xf32, #tpu.memory_space<vmem>>) attributes {dimension_semantics = [#tpu.dimension_semantics<core_parallel>, #tpu.dimension_semantics<subcore_parallel>], iteration_bounds = array<i64: 2, 16>, scalar_prefetch = 0 : i64, scratch_operands = 3 : i64, tpu.core_type = #tpu.core_type<sc_vector_subcore>, window_params = [{transform_indices = #map}, {transform_indices = #map}, {transform_indices = #map}, {transform_indices = #map}]} {
    %mul3A = arith.constant 2 : i32
    %mul3A_0 = arith.muli %arg1, %mul3A : i32
    %add3A = arith.addi %mul3A_0, %arg0 : i32
    %mul3A_1 = arith.constant 256 : i32
    %mul3A_2 = arith.muli %add3A, %mul3A_1 : i32
    %mul3A_3 = arith.constant 2 : i32
    %mul3A_4 = arith.muli %add3A, %mul3A_3 : i32
    "tpu.region"() ({
      %run_scoped3A_11 = tpu.sem_alloc : memref<!tpu.dma_semaphore, #tpu.memory_space<semaphore_mem>>
      %dma_start3A = arith.constant 0 : i32
      %dma_start3A_12 = tpu.memref_slice %arg3[%mul3A_4, %dma_start3A] : memref<64x128xi32, #tpu.memory_space<hbm>> -> memref<2x128xi32, #tpu.memory_space<hbm>>
      %dma_start3A_13 = arith.constant 0 : i32
      %dma_start3A_14 = tpu.memref_slice %arg3[%mul3A_4, %dma_start3A_13] : memref<64x128xi32, #tpu.memory_space<hbm>> -> memref<2x128xi32, #tpu.memory_space<hbm>>
      tpu.enqueue_dma source(%dma_start3A_14 : memref<2x128xi32, #tpu.memory_space<hbm>>) target(%arg6 : memref<2x128xi32, #tpu.memory_space<vmem>>) target_semaphore(%run_scoped3A_11 : memref<!tpu.dma_semaphore, #tpu.memory_space<semaphore_mem>>)
      %dma_wait3A = arith.constant 0 : i32
      %dma_wait3A_15 = tpu.memref_slice %arg3[%mul3A_4, %dma_wait3A] : memref<64x128xi32, #tpu.memory_space<hbm>> -> memref<2x128xi32, #tpu.memory_space<hbm>>
      %dma_wait3A_16 = arith.constant 0 : i32
      %dma_wait3A_17 = tpu.memref_slice %arg3[%mul3A_4, %dma_wait3A_16] : memref<64x128xi32, #tpu.memory_space<hbm>> -> memref<2x128xi32, #tpu.memory_space<hbm>>
      tpu.wait_dma2 semaphore(%run_scoped3A_11 : memref<!tpu.dma_semaphore, #tpu.memory_space<semaphore_mem>>) src(%dma_wait3A_17 : memref<2x128xi32, #tpu.memory_space<hbm>>) dst(%arg6 : memref<2x128xi32, #tpu.memory_space<vmem>>)
      tpu.yield
    }) : () -> ()
    "tpu.region"() ({
      %run_scoped3A_11 = tpu.sem_alloc : memref<!tpu.dma_semaphore, #tpu.memory_space<semaphore_mem>>
      %dma_start3A = arith.constant 0 : i32
      %dma_start3A_12 = tpu.memref_slice %arg4[%mul3A_2, %dma_start3A] : memref<8192x32xf32, #tpu.memory_space<hbm>> -> memref<256x32xf32, #tpu.memory_space<hbm>>
      %dma_start3A_13 = arith.constant 0 : i32
      %dma_start3A_14 = tpu.memref_slice %arg4[%mul3A_2, %dma_start3A_13] : memref<8192x32xf32, #tpu.memory_space<hbm>> -> memref<256x32xf32, #tpu.memory_space<hbm>>
      tpu.enqueue_dma source(%dma_start3A_14 : memref<256x32xf32, #tpu.memory_space<hbm>>) target(%arg8 : memref<256x32xf32, #tpu.memory_space<vmem>>) target_semaphore(%run_scoped3A_11 : memref<!tpu.dma_semaphore, #tpu.memory_space<semaphore_mem>>)
      %dma_wait3A = arith.constant 0 : i32
      %dma_wait3A_15 = tpu.memref_slice %arg4[%mul3A_2, %dma_wait3A] : memref<8192x32xf32, #tpu.memory_space<hbm>> -> memref<256x32xf32, #tpu.memory_space<hbm>>
      %dma_wait3A_16 = arith.constant 0 : i32
      %dma_wait3A_17 = tpu.memref_slice %arg4[%mul3A_2, %dma_wait3A_16] : memref<8192x32xf32, #tpu.memory_space<hbm>> -> memref<256x32xf32, #tpu.memory_space<hbm>>
      tpu.wait_dma2 semaphore(%run_scoped3A_11 : memref<!tpu.dma_semaphore, #tpu.memory_space<semaphore_mem>>) src(%dma_wait3A_17 : memref<256x32xf32, #tpu.memory_space<hbm>>) dst(%arg8 : memref<256x32xf32, #tpu.memory_space<vmem>>)
      tpu.yield
    }) : () -> ()
    %run_scoped3A = arith.constant 0 : i32
    "tpu.region"() ({
      %run_scoped3A_11 = tpu.sem_alloc : memref<!tpu.dma_semaphore, #tpu.memory_space<semaphore_mem>>
      %dma_start3A = arith.constant 0 : i32
      %dma_start3A_12 = arith.constant 0 : i32
      %dma_start3A_13 = tpu.memref_slice %arg7[%dma_start3A, %dma_start3A_12] : memref<256x128xf32, #tpu.memory_space<vmem>> -> memref<128x128xf32, #tpu.memory_space<vmem>>
      %dma_start3A_14 = arith.constant 0 : i32
      %dma_start3A_15 = tpu.memref_slice %arg6[%run_scoped3A, %dma_start3A_14] : memref<2x128xi32, #tpu.memory_space<vmem>> -> memref<1x128xi32, #tpu.memory_space<vmem>>
      %dma_start3A_16 = tpu.memref_squeeze %dma_start3A_15 : memref<1x128xi32, #tpu.memory_space<vmem>> -> memref<128xi32, #tpu.memory_space<vmem>>
      %dma_start3A_17 = arith.constant 0 : i32
      %dma_start3A_18 = arith.constant 0 : i32
      %dma_start3A_19 = tpu.memref_slice %arg2[%dma_start3A_17, %dma_start3A_18] : memref<8192x128xf32, #tpu.memory_space<hbm>> -> memref<8192x128xf32, #tpu.memory_space<hbm>>
      tpu.enqueue_indirect_dma source(%dma_start3A_19 : memref<8192x128xf32, #tpu.memory_space<hbm>>) target(%dma_start3A_13 : memref<128x128xf32, #tpu.memory_space<vmem>>) offsets(%dma_start3A_16 : memref<128xi32, #tpu.memory_space<vmem>>) semaphore(%run_scoped3A_11 : memref<!tpu.dma_semaphore, #tpu.memory_space<semaphore_mem>>)
      %dma_wait3A = arith.constant 0 : i32
      %dma_wait3A_20 = arith.constant 0 : i32
      %dma_wait3A_21 = tpu.memref_slice %arg7[%dma_wait3A, %dma_wait3A_20] : memref<256x128xf32, #tpu.memory_space<vmem>> -> memref<128x128xf32, #tpu.memory_space<vmem>>
      %dma_wait3A_22 = arith.constant 0 : i32
      %dma_wait3A_23 = tpu.memref_slice %arg6[%run_scoped3A, %dma_wait3A_22] : memref<2x128xi32, #tpu.memory_space<vmem>> -> memref<1x128xi32, #tpu.memory_space<vmem>>
      %dma_wait3A_24 = tpu.memref_squeeze %dma_wait3A_23 : memref<1x128xi32, #tpu.memory_space<vmem>> -> memref<128xi32, #tpu.memory_space<vmem>>
      %dma_wait3A_25 = arith.constant 0 : i32
      %dma_wait3A_26 = arith.constant 0 : i32
      %dma_wait3A_27 = tpu.memref_slice %arg2[%dma_wait3A_25, %dma_wait3A_26] : memref<8192x128xf32, #tpu.memory_space<hbm>> -> memref<8192x128xf32, #tpu.memory_space<hbm>>
      tpu.wait_indirect_dma semaphore(%run_scoped3A_11 : memref<!tpu.dma_semaphore, #tpu.memory_space<semaphore_mem>>) src(%dma_wait3A_27 : memref<8192x128xf32, #tpu.memory_space<hbm>>) dst(%dma_wait3A_21 : memref<128x128xf32, #tpu.memory_space<vmem>>)
      tpu.yield
    }) : () -> ()
    %run_scoped3A_5 = arith.constant 1 : i32
    "tpu.region"() ({
      %run_scoped3A_11 = tpu.sem_alloc : memref<!tpu.dma_semaphore, #tpu.memory_space<semaphore_mem>>
      %dma_start3A = arith.constant 128 : i32
      %dma_start3A_12 = arith.constant 0 : i32
      %dma_start3A_13 = tpu.memref_slice %arg7[%dma_start3A, %dma_start3A_12] : memref<256x128xf32, #tpu.memory_space<vmem>> -> memref<128x128xf32, #tpu.memory_space<vmem>>
      %dma_start3A_14 = arith.constant 0 : i32
      %dma_start3A_15 = tpu.memref_slice %arg6[%run_scoped3A_5, %dma_start3A_14] : memref<2x128xi32, #tpu.memory_space<vmem>> -> memref<1x128xi32, #tpu.memory_space<vmem>>
      %dma_start3A_16 = tpu.memref_squeeze %dma_start3A_15 : memref<1x128xi32, #tpu.memory_space<vmem>> -> memref<128xi32, #tpu.memory_space<vmem>>
      %dma_start3A_17 = arith.constant 0 : i32
      %dma_start3A_18 = arith.constant 0 : i32
      %dma_start3A_19 = tpu.memref_slice %arg2[%dma_start3A_17, %dma_start3A_18] : memref<8192x128xf32, #tpu.memory_space<hbm>> -> memref<8192x128xf32, #tpu.memory_space<hbm>>
      tpu.enqueue_indirect_dma source(%dma_start3A_19 : memref<8192x128xf32, #tpu.memory_space<hbm>>) target(%dma_start3A_13 : memref<128x128xf32, #tpu.memory_space<vmem>>) offsets(%dma_start3A_16 : memref<128xi32, #tpu.memory_space<vmem>>) semaphore(%run_scoped3A_11 : memref<!tpu.dma_semaphore, #tpu.memory_space<semaphore_mem>>)
      %dma_wait3A = arith.constant 128 : i32
      %dma_wait3A_20 = arith.constant 0 : i32
      %dma_wait3A_21 = tpu.memref_slice %arg7[%dma_wait3A, %dma_wait3A_20] : memref<256x128xf32, #tpu.memory_space<vmem>> -> memref<128x128xf32, #tpu.memory_space<vmem>>
      %dma_wait3A_22 = arith.constant 0 : i32
      %dma_wait3A_23 = tpu.memref_slice %arg6[%run_scoped3A_5, %dma_wait3A_22] : memref<2x128xi32, #tpu.memory_space<vmem>> -> memref<1x128xi32, #tpu.memory_space<vmem>>
      %dma_wait3A_24 = tpu.memref_squeeze %dma_wait3A_23 : memref<1x128xi32, #tpu.memory_space<vmem>> -> memref<128xi32, #tpu.memory_space<vmem>>
      %dma_wait3A_25 = arith.constant 0 : i32
      %dma_wait3A_26 = arith.constant 0 : i32
      %dma_wait3A_27 = tpu.memref_slice %arg2[%dma_wait3A_25, %dma_wait3A_26] : memref<8192x128xf32, #tpu.memory_space<hbm>> -> memref<8192x128xf32, #tpu.memory_space<hbm>>
      tpu.wait_indirect_dma semaphore(%run_scoped3A_11 : memref<!tpu.dma_semaphore, #tpu.memory_space<semaphore_mem>>) src(%dma_wait3A_27 : memref<8192x128xf32, #tpu.memory_space<hbm>>) dst(%dma_wait3A_21 : memref<128x128xf32, #tpu.memory_space<vmem>>)
      tpu.yield
    }) : () -> ()
    %scan3A = arith.constant 0 : i32
    %scan3A_6 = arith.constant 0 : i32
    %scan3A_7 = arith.constant 256 : i32
    %scan3A_8 = arith.addi %scan3A_6, %scan3A_7 : i32
    %scan3A_9 = arith.constant 1 : i32
    scf.for %scan3A_11 = %scan3A_6 to %scan3A_8 step %scan3A_9  : i32 {
      %get3A = arith.index_cast %scan3A_11 : i32 to index
      %get3A_12 = arith.constant 0 : index
      %get3A_13 = tpu.vector_load %arg8[%get3A, %get3A_12] {strides = array<i32>} : memref<256x32xf32, #tpu.memory_space<vmem>>, vector<1x16xf32>,
      %get3A_14 = vector.shape_cast %get3A_13 : vector<1x16xf32> to vector<16xf32>
      %get3A_15 = arith.index_cast %scan3A_11 : i32 to index
      %get3A_16 = arith.constant 0 : index
      %get3A_17 = tpu.vector_load %arg7[%get3A_15, %get3A_16] {strides = array<i32>} : memref<256x128xf32, #tpu.memory_space<vmem>>, vector<1x16xf32>,
      %get3A_18 = vector.shape_cast %get3A_17 : vector<1x16xf32> to vector<16xf32>
      %sub3A = arith.subf %get3A_14, %get3A_18 : vector<16xf32>
      %swap3A = arith.index_cast %scan3A_11 : i32 to index
      %swap3A_19 = arith.constant 0 : index
      %swap3A_20 = tpu.vector_load %arg8[%swap3A, %swap3A_19] {strides = array<i32>} : memref<256x32xf32, #tpu.memory_space<vmem>>, vector<1x16xf32>,
      %swap3A_21 = vector.shape_cast %swap3A_20 : vector<1x16xf32> to vector<16xf32>
      %swap3A_22 = vector.shape_cast %sub3A : vector<16xf32> to vector<1x16xf32>
      tpu.vector_store %arg8[%swap3A, %swap3A_19], %swap3A_22 {strides = array<i32>} : memref<256x32xf32, #tpu.memory_space<vmem>>, vector<1x16xf32>,
      %get3A_23 = arith.index_cast %scan3A_11 : i32 to index
      %get3A_24 = arith.constant 16 : index
      %get3A_25 = tpu.vector_load %arg8[%get3A_23, %get3A_24] {strides = array<i32>} : memref<256x32xf32, #tpu.memory_space<vmem>>, vector<1x16xf32>,
      %get3A_26 = vector.shape_cast %get3A_25 : vector<1x16xf32> to vector<16xf32>
      %get3A_27 = arith.index_cast %scan3A_11 : i32 to index
      %get3A_28 = arith.constant 16 : index
      %get3A_29 = tpu.vector_load %arg7[%get3A_27, %get3A_28] {strides = array<i32>} : memref<256x128xf32, #tpu.memory_space<vmem>>, vector<1x16xf32>,
      %get3A_30 = vector.shape_cast %get3A_29 : vector<1x16xf32> to vector<16xf32>
      %sub3A_31 = arith.subf %get3A_26, %get3A_30 : vector<16xf32>
      %swap3A_32 = arith.index_cast %scan3A_11 : i32 to index
      %swap3A_33 = arith.constant 16 : index
      %swap3A_34 = tpu.vector_load %arg8[%swap3A_32, %swap3A_33] {strides = array<i32>} : memref<256x32xf32, #tpu.memory_space<vmem>>, vector<1x16xf32>,
      %swap3A_35 = vector.shape_cast %swap3A_34 : vector<1x16xf32> to vector<16xf32>
      %swap3A_36 = vector.shape_cast %sub3A_31 : vector<16xf32> to vector<1x16xf32>
      tpu.vector_store %arg8[%swap3A_32, %swap3A_33], %swap3A_36 {strides = array<i32>} : memref<256x32xf32, #tpu.memory_space<vmem>>, vector<1x16xf32>,
    }
    %scan3A_10 = arith.constant 256 : i32
    "tpu.region"() ({
      %run_scoped3A_11 = tpu.sem_alloc : memref<!tpu.dma_semaphore, #tpu.memory_space<semaphore_mem>>
      %dma_start3A = arith.constant 0 : i32
      %dma_start3A_12 = tpu.memref_slice %arg5[%mul3A_2, %dma_start3A] : memref<8192x32xf32, #tpu.memory_space<hbm>> -> memref<256x32xf32, #tpu.memory_space<hbm>>
      %dma_start3A_13 = arith.constant 0 : i32
      %dma_start3A_14 = tpu.memref_slice %arg5[%mul3A_2, %dma_start3A_13] : memref<8192x32xf32, #tpu.memory_space<hbm>> -> memref<256x32xf32, #tpu.memory_space<hbm>>
      tpu.enqueue_dma source(%arg8 : memref<256x32xf32, #tpu.memory_space<vmem>>) target(%dma_start3A_14 : memref<256x32xf32, #tpu.memory_space<hbm>>) target_semaphore(%run_scoped3A_11 : memref<!tpu.dma_semaphore, #tpu.memory_space<semaphore_mem>>)
      %dma_wait3A = arith.constant 0 : i32
      %dma_wait3A_15 = tpu.memref_slice %arg5[%mul3A_2, %dma_wait3A] : memref<8192x32xf32, #tpu.memory_space<hbm>> -> memref<256x32xf32, #tpu.memory_space<hbm>>
      %dma_wait3A_16 = arith.constant 0 : i32
      %dma_wait3A_17 = tpu.memref_slice %arg5[%mul3A_2, %dma_wait3A_16] : memref<8192x32xf32, #tpu.memory_space<hbm>> -> memref<256x32xf32, #tpu.memory_space<hbm>>
      tpu.wait_dma2 semaphore(%run_scoped3A_11 : memref<!tpu.dma_semaphore, #tpu.memory_space<semaphore_mem>>) src(%arg8 : memref<256x32xf32, #tpu.memory_space<vmem>>) dst(%dma_wait3A_17 : memref<256x32xf32, #tpu.memory_space<hbm>>)
      tpu.yield
    }) : () -> ()
    return
  }
}

#map = affine_map<(d0, d1) -> (0, 0)>
module attributes {stable_mosaic.version = 14 : i64} {
  func.func @_sc_gather_sub_body(%arg0: i32, %arg1: i32, %arg2: memref<8192x128xf32, #tpu.memory_space<hbm>>, %arg3: memref<64x128xi32, #tpu.memory_space<hbm>>, %arg4: memref<8192x32xf32, #tpu.memory_space<hbm>>, %arg5: memref<8192x32xf32, #tpu.memory_space<hbm>>, %arg6: memref<2x128xi32, #tpu.memory_space<vmem>>, %arg7: memref<256x128xf32, #tpu.memory_space<vmem>>, %arg8: memref<256x32xf32, #tpu.memory_space<vmem>>) attributes {dimension_semantics = [#tpu.dimension_semantics<core_parallel>, #tpu.dimension_semantics<subcore_parallel>], iteration_bounds = array<i64: 2, 16>, scalar_prefetch = 0 : i64, scratch_operands = 3 : i64, tpu.core_type = #tpu.core_type<sc_vector_subcore>, window_params = [{transform_indices = #map}, {transform_indices = #map}, {transform_indices = #map}, {transform_indices = #map}]} {
    %mul3A = arith.constant 2 : i32
    %mul3A_0 = arith.muli %arg1, %mul3A : i32
    %add3A = arith.addi %mul3A_0, %arg0 : i32
    %mul3A_1 = arith.constant 256 : i32
    %mul3A_2 = arith.muli %add3A, %mul3A_1 : i32
    %mul3A_3 = arith.constant 2 : i32
    %mul3A_4 = arith.muli %add3A, %mul3A_3 : i32
    "tpu.region"() ({
      %run_scoped3A_11 = tpu.sem_alloc : memref<!tpu.dma_semaphore, #tpu.memory_space<semaphore_mem>>
      %dma_start3A = arith.constant 0 : i32
      %dma_start3A_12 = tpu.memref_slice %arg3[%mul3A_4, %dma_start3A] : memref<64x128xi32, #tpu.memory_space<hbm>> -> memref<2x128xi32, #tpu.memory_space<hbm>>
      %dma_start3A_13 = arith.constant 0 : i32
      %dma_start3A_14 = tpu.memref_slice %arg3[%mul3A_4, %dma_start3A_13] : memref<64x128xi32, #tpu.memory_space<hbm>> -> memref<2x128xi32, #tpu.memory_space<hbm>>
      tpu.enqueue_dma source(%dma_start3A_14 : memref<2x128xi32, #tpu.memory_space<hbm>>) target(%arg6 : memref<2x128xi32, #tpu.memory_space<vmem>>) target_semaphore(%run_scoped3A_11 : memref<!tpu.dma_semaphore, #tpu.memory_space<semaphore_mem>>)
      %dma_wait3A = arith.constant 0 : i32
      %dma_wait3A_15 = tpu.memref_slice %arg3[%mul3A_4, %dma_wait3A] : memref<64x128xi32, #tpu.memory_space<hbm>> -> memref<2x128xi32, #tpu.memory_space<hbm>>
      %dma_wait3A_16 = arith.constant 0 : i32
      %dma_wait3A_17 = tpu.memref_slice %arg3[%mul3A_4, %dma_wait3A_16] : memref<64x128xi32, #tpu.memory_space<hbm>> -> memref<2x128xi32, #tpu.memory_space<hbm>>
      tpu.wait_dma2 semaphore(%run_scoped3A_11 : memref<!tpu.dma_semaphore, #tpu.memory_space<semaphore_mem>>) src(%dma_wait3A_17 : memref<2x128xi32, #tpu.memory_space<hbm>>) dst(%arg6 : memref<2x128xi32, #tpu.memory_space<vmem>>)
      tpu.yield
    }) : () -> ()
    "tpu.region"() ({
      %run_scoped3A_11 = tpu.sem_alloc : memref<!tpu.dma_semaphore, #tpu.memory_space<semaphore_mem>>
      %dma_start3A = arith.constant 0 : i32
      %dma_start3A_12 = tpu.memref_slice %arg4[%mul3A_2, %dma_start3A] : memref<8192x32xf32, #tpu.memory_space<hbm>> -> memref<256x32xf32, #tpu.memory_space<hbm>>
      %dma_start3A_13 = arith.constant 0 : i32
      %dma_start3A_14 = tpu.memref_slice %arg4[%mul3A_2, %dma_start3A_13] : memref<8192x32xf32, #tpu.memory_space<hbm>> -> memref<256x32xf32, #tpu.memory_space<hbm>>
      tpu.enqueue_dma source(%dma_start3A_14 : memref<256x32xf32, #tpu.memory_space<hbm>>) target(%arg8 : memref<256x32xf32, #tpu.memory_space<vmem>>) target_semaphore(%run_scoped3A_11 : memref<!tpu.dma_semaphore, #tpu.memory_space<semaphore_mem>>)
      %dma_wait3A = arith.constant 0 : i32
      %dma_wait3A_15 = tpu.memref_slice %arg4[%mul3A_2, %dma_wait3A] : memref<8192x32xf32, #tpu.memory_space<hbm>> -> memref<256x32xf32, #tpu.memory_space<hbm>>
      %dma_wait3A_16 = arith.constant 0 : i32
      %dma_wait3A_17 = tpu.memref_slice %arg4[%mul3A_2, %dma_wait3A_16] : memref<8192x32xf32, #tpu.memory_space<hbm>> -> memref<256x32xf32, #tpu.memory_space<hbm>>
      tpu.wait_dma2 semaphore(%run_scoped3A_11 : memref<!tpu.dma_semaphore, #tpu.memory_space<semaphore_mem>>) src(%dma_wait3A_17 : memref<256x32xf32, #tpu.memory_space<hbm>>) dst(%arg8 : memref<256x32xf32, #tpu.memory_space<vmem>>)
      tpu.yield
    }) : () -> ()
    %run_scoped3A = arith.constant 0 : i32
    "tpu.region"() ({
      %run_scoped3A_11 = tpu.sem_alloc : memref<!tpu.dma_semaphore, #tpu.memory_space<semaphore_mem>>
      %dma_start3A = arith.constant 0 : i32
      %dma_start3A_12 = arith.constant 0 : i32
      %dma_start3A_13 = tpu.memref_slice %arg7[%dma_start3A, %dma_start3A_12] : memref<256x128xf32, #tpu.memory_space<vmem>> -> memref<128x128xf32, #tpu.memory_space<vmem>>
      %dma_start3A_14 = arith.constant 0 : i32
      %dma_start3A_15 = tpu.memref_slice %arg6[%run_scoped3A, %dma_start3A_14] : memref<2x128xi32, #tpu.memory_space<vmem>> -> memref<1x128xi32, #tpu.memory_space<vmem>>
      %dma_start3A_16 = tpu.memref_squeeze %dma_start3A_15 : memref<1x128xi32, #tpu.memory_space<vmem>> -> memref<128xi32, #tpu.memory_space<vmem>>
      %dma_start3A_17 = arith.constant 0 : i32
      %dma_start3A_18 = arith.constant 0 : i32
      %dma_start3A_19 = tpu.memref_slice %arg2[%dma_start3A_17, %dma_start3A_18] : memref<8192x128xf32, #tpu.memory_space<hbm>> -> memref<8192x128xf32, #tpu.memory_space<hbm>>
      tpu.enqueue_indirect_dma source(%dma_start3A_19 : memref<8192x128xf32, #tpu.memory_space<hbm>>) target(%dma_start3A_13 : memref<128x128xf32, #tpu.memory_space<vmem>>) offsets(%dma_start3A_16 : memref<128xi32, #tpu.memory_space<vmem>>) semaphore(%run_scoped3A_11 : memref<!tpu.dma_semaphore, #tpu.memory_space<semaphore_mem>>)
      %dma_wait3A = arith.constant 0 : i32
      %dma_wait3A_20 = arith.constant 0 : i32
      %dma_wait3A_21 = tpu.memref_slice %arg7[%dma_wait3A, %dma_wait3A_20] : memref<256x128xf32, #tpu.memory_space<vmem>> -> memref<128x128xf32, #tpu.memory_space<vmem>>
      %dma_wait3A_22 = arith.constant 0 : i32
      %dma_wait3A_23 = tpu.memref_slice %arg6[%run_scoped3A, %dma_wait3A_22] : memref<2x128xi32, #tpu.memory_space<vmem>> -> memref<1x128xi32, #tpu.memory_space<vmem>>
      %dma_wait3A_24 = tpu.memref_squeeze %dma_wait3A_23 : memref<1x128xi32, #tpu.memory_space<vmem>> -> memref<128xi32, #tpu.memory_space<vmem>>
      %dma_wait3A_25 = arith.constant 0 : i32
      %dma_wait3A_26 = arith.constant 0 : i32
      %dma_wait3A_27 = tpu.memref_slice %arg2[%dma_wait3A_25, %dma_wait3A_26] : memref<8192x128xf32, #tpu.memory_space<hbm>> -> memref<8192x128xf32, #tpu.memory_space<hbm>>
      tpu.wait_indirect_dma semaphore(%run_scoped3A_11 : memref<!tpu.dma_semaphore, #tpu.memory_space<semaphore_mem>>) src(%dma_wait3A_27 : memref<8192x128xf32, #tpu.memory_space<hbm>>) dst(%dma_wait3A_21 : memref<128x128xf32, #tpu.memory_space<vmem>>)
      tpu.yield
    }) : () -> ()
    %run_scoped3A_5 = arith.constant 1 : i32
    "tpu.region"() ({
      %run_scoped3A_11 = tpu.sem_alloc : memref<!tpu.dma_semaphore, #tpu.memory_space<semaphore_mem>>
      %dma_start3A = arith.constant 128 : i32
      %dma_start3A_12 = arith.constant 0 : i32
      %dma_start3A_13 = tpu.memref_slice %arg7[%dma_start3A, %dma_start3A_12] : memref<256x128xf32, #tpu.memory_space<vmem>> -> memref<128x128xf32, #tpu.memory_space<vmem>>
      %dma_start3A_14 = arith.constant 0 : i32
      %dma_start3A_15 = tpu.memref_slice %arg6[%run_scoped3A_5, %dma_start3A_14] : memref<2x128xi32, #tpu.memory_space<vmem>> -> memref<1x128xi32, #tpu.memory_space<vmem>>
      %dma_start3A_16 = tpu.memref_squeeze %dma_start3A_15 : memref<1x128xi32, #tpu.memory_space<vmem>> -> memref<128xi32, #tpu.memory_space<vmem>>
      %dma_start3A_17 = arith.constant 0 : i32
      %dma_start3A_18 = arith.constant 0 : i32
      %dma_start3A_19 = tpu.memref_slice %arg2[%dma_start3A_17, %dma_start3A_18] : memref<8192x128xf32, #tpu.memory_space<hbm>> -> memref<8192x128xf32, #tpu.memory_space<hbm>>
      tpu.enqueue_indirect_dma source(%dma_start3A_19 : memref<8192x128xf32, #tpu.memory_space<hbm>>) target(%dma_start3A_13 : memref<128x128xf32, #tpu.memory_space<vmem>>) offsets(%dma_start3A_16 : memref<128xi32, #tpu.memory_space<vmem>>) semaphore(%run_scoped3A_11 : memref<!tpu.dma_semaphore, #tpu.memory_space<semaphore_mem>>)
      %dma_wait3A = arith.constant 128 : i32
      %dma_wait3A_20 = arith.constant 0 : i32
      %dma_wait3A_21 = tpu.memref_slice %arg7[%dma_wait3A, %dma_wait3A_20] : memref<256x128xf32, #tpu.memory_space<vmem>> -> memref<128x128xf32, #tpu.memory_space<vmem>>
      %dma_wait3A_22 = arith.constant 0 : i32
      %dma_wait3A_23 = tpu.memref_slice %arg6[%run_scoped3A_5, %dma_wait3A_22] : memref<2x128xi32, #tpu.memory_space<vmem>> -> memref<1x128xi32, #tpu.memory_space<vmem>>
      %dma_wait3A_24 = tpu.memref_squeeze %dma_wait3A_23 : memref<1x128xi32, #tpu.memory_space<vmem>> -> memref<128xi32, #tpu.memory_space<vmem>>
      %dma_wait3A_25 = arith.constant 0 : i32
      %dma_wait3A_26 = arith.constant 0 : i32
      %dma_wait3A_27 = tpu.memref_slice %arg2[%dma_wait3A_25, %dma_wait3A_26] : memref<8192x128xf32, #tpu.memory_space<hbm>> -> memref<8192x128xf32, #tpu.memory_space<hbm>>
      tpu.wait_indirect_dma semaphore(%run_scoped3A_11 : memref<!tpu.dma_semaphore, #tpu.memory_space<semaphore_mem>>) src(%dma_wait3A_27 : memref<8192x128xf32, #tpu.memory_space<hbm>>) dst(%dma_wait3A_21 : memref<128x128xf32, #tpu.memory_space<vmem>>)
      tpu.yield
    }) : () -> ()
    %scan3A = arith.constant 0 : i32
    %scan3A_6 = arith.constant 0 : i32
    %scan3A_7 = arith.constant 256 : i32
    %scan3A_8 = arith.addi %scan3A_6, %scan3A_7 : i32
    %scan3A_9 = arith.constant 1 : i32
    scf.for %scan3A_11 = %scan3A_6 to %scan3A_8 step %scan3A_9  : i32 {
      %get3A = arith.index_cast %scan3A_11 : i32 to index
      %get3A_12 = arith.constant 0 : index
      %get3A_13 = tpu.vector_load %arg8[%get3A, %get3A_12] {strides = array<i32>} : memref<256x32xf32, #tpu.memory_space<vmem>>, vector<1x16xf32>,
      %get3A_14 = vector.shape_cast %get3A_13 : vector<1x16xf32> to vector<16xf32>
      %get3A_15 = arith.index_cast %scan3A_11 : i32 to index
      %get3A_16 = arith.constant 0 : index
      %get3A_17 = tpu.vector_load %arg7[%get3A_15, %get3A_16] {strides = array<i32>} : memref<256x128xf32, #tpu.memory_space<vmem>>, vector<1x16xf32>,
      %get3A_18 = vector.shape_cast %get3A_17 : vector<1x16xf32> to vector<16xf32>
      %sub3A = arith.subf %get3A_14, %get3A_18 : vector<16xf32>
      %swap3A = arith.index_cast %scan3A_11 : i32 to index
      %swap3A_19 = arith.constant 0 : index
      %swap3A_20 = tpu.vector_load %arg8[%swap3A, %swap3A_19] {strides = array<i32>} : memref<256x32xf32, #tpu.memory_space<vmem>>, vector<1x16xf32>,
      %swap3A_21 = vector.shape_cast %swap3A_20 : vector<1x16xf32> to vector<16xf32>
      %swap3A_22 = vector.shape_cast %sub3A : vector<16xf32> to vector<1x16xf32>
      tpu.vector_store %arg8[%swap3A, %swap3A_19], %swap3A_22 {strides = array<i32>} : memref<256x32xf32, #tpu.memory_space<vmem>>, vector<1x16xf32>,
      %get3A_23 = arith.index_cast %scan3A_11 : i32 to index
      %get3A_24 = arith.constant 16 : index
      %get3A_25 = tpu.vector_load %arg8[%get3A_23, %get3A_24] {strides = array<i32>} : memref<256x32xf32, #tpu.memory_space<vmem>>, vector<1x16xf32>,
      %get3A_26 = vector.shape_cast %get3A_25 : vector<1x16xf32> to vector<16xf32>
      %get3A_27 = arith.index_cast %scan3A_11 : i32 to index
      %get3A_28 = arith.constant 16 : index
      %get3A_29 = tpu.vector_load %arg7[%get3A_27, %get3A_28] {strides = array<i32>} : memref<256x128xf32, #tpu.memory_space<vmem>>, vector<1x16xf32>,
      %get3A_30 = vector.shape_cast %get3A_29 : vector<1x16xf32> to vector<16xf32>
      %sub3A_31 = arith.subf %get3A_26, %get3A_30 : vector<16xf32>
      %swap3A_32 = arith.index_cast %scan3A_11 : i32 to index
      %swap3A_33 = arith.constant 16 : index
      %swap3A_34 = tpu.vector_load %arg8[%swap3A_32, %swap3A_33] {strides = array<i32>} : memref<256x32xf32, #tpu.memory_space<vmem>>, vector<1x16xf32>,
      %swap3A_35 = vector.shape_cast %swap3A_34 : vector<1x16xf32> to vector<16xf32>
      %swap3A_36 = vector.shape_cast %sub3A_31 : vector<16xf32> to vector<1x16xf32>
      tpu.vector_store %arg8[%swap3A_32, %swap3A_33], %swap3A_36 {strides = array<i32>} : memref<256x32xf32, #tpu.memory_space<vmem>>, vector<1x16xf32>,
    }
    %scan3A_10 = arith.constant 256 : i32
    "tpu.region"() ({
      %run_scoped3A_11 = tpu.sem_alloc : memref<!tpu.dma_semaphore, #tpu.memory_space<semaphore_mem>>
      %dma_start3A = arith.constant 0 : i32
      %dma_start3A_12 = tpu.memref_slice %arg5[%mul3A_2, %dma_start3A] : memref<8192x32xf32, #tpu.memory_space<hbm>> -> memref<256x32xf32, #tpu.memory_space<hbm>>
      %dma_start3A_13 = arith.constant 0 : i32
      %dma_start3A_14 = tpu.memref_slice %arg5[%mul3A_2, %dma_start3A_13] : memref<8192x32xf32, #tpu.memory_space<hbm>> -> memref<256x32xf32, #tpu.memory_space<hbm>>
      tpu.enqueue_dma source(%arg8 : memref<256x32xf32, #tpu.memory_space<vmem>>) target(%dma_start3A_14 : memref<256x32xf32, #tpu.memory_space<hbm>>) target_semaphore(%run_scoped3A_11 : memref<!tpu.dma_semaphore, #tpu.memory_space<semaphore_mem>>)
      %dma_wait3A = arith.constant 0 : i32
      %dma_wait3A_15 = tpu.memref_slice %arg5[%mul3A_2, %dma_wait3A] : memref<8192x32xf32, #tpu.memory_space<hbm>> -> memref<256x32xf32, #tpu.memory_space<hbm>>
      %dma_wait3A_16 = arith.constant 0 : i32
      %dma_wait3A_17 = tpu.memref_slice %arg5[%mul3A_2, %dma_wait3A_16] : memref<8192x32xf32, #tpu.memory_space<hbm>> -> memref<256x32xf32, #tpu.memory_space<hbm>>
      tpu.wait_dma2 semaphore(%run_scoped3A_11 : memref<!tpu.dma_semaphore, #tpu.memory_space<semaphore_mem>>) src(%arg8 : memref<256x32xf32, #tpu.memory_space<vmem>>) dst(%dma_wait3A_17 : memref<256x32xf32, #tpu.memory_space<hbm>>)
      tpu.yield
    }) : () -> ()
    return
  }
}

#map = affine_map<(d0, d1) -> (0, 0)>
module attributes {stable_mosaic.version = 14 : i64} {
  func.func @_sc_gather_sub_body(%arg0: i32, %arg1: i32, %arg2: memref<8192x128xf32, #tpu.memory_space<hbm>>, %arg3: memref<64x128xi32, #tpu.memory_space<hbm>>, %arg4: memref<8192x32xf32, #tpu.memory_space<hbm>>, %arg5: memref<8192x32xf32, #tpu.memory_space<hbm>>, %arg6: memref<2x128xi32, #tpu.memory_space<vmem>>, %arg7: memref<256x128xf32, #tpu.memory_space<vmem>>, %arg8: memref<256x32xf32, #tpu.memory_space<vmem>>) attributes {dimension_semantics = [#tpu.dimension_semantics<core_parallel>, #tpu.dimension_semantics<subcore_parallel>], iteration_bounds = array<i64: 2, 16>, scalar_prefetch = 0 : i64, scratch_operands = 3 : i64, tpu.core_type = #tpu.core_type<sc_vector_subcore>, window_params = [{transform_indices = #map}, {transform_indices = #map}, {transform_indices = #map}, {transform_indices = #map}]} {
    %mul3A = arith.constant 2 : i32
    %mul3A_0 = arith.muli %arg1, %mul3A : i32
    %add3A = arith.addi %mul3A_0, %arg0 : i32
    %mul3A_1 = arith.constant 256 : i32
    %mul3A_2 = arith.muli %add3A, %mul3A_1 : i32
    %mul3A_3 = arith.constant 2 : i32
    %mul3A_4 = arith.muli %add3A, %mul3A_3 : i32
    "tpu.region"() ({
      %run_scoped3A_11 = tpu.sem_alloc : memref<!tpu.dma_semaphore, #tpu.memory_space<semaphore_mem>>
      %dma_start3A = arith.constant 0 : i32
      %dma_start3A_12 = tpu.memref_slice %arg3[%mul3A_4, %dma_start3A] : memref<64x128xi32, #tpu.memory_space<hbm>> -> memref<2x128xi32, #tpu.memory_space<hbm>>
      %dma_start3A_13 = arith.constant 0 : i32
      %dma_start3A_14 = tpu.memref_slice %arg3[%mul3A_4, %dma_start3A_13] : memref<64x128xi32, #tpu.memory_space<hbm>> -> memref<2x128xi32, #tpu.memory_space<hbm>>
      tpu.enqueue_dma source(%dma_start3A_14 : memref<2x128xi32, #tpu.memory_space<hbm>>) target(%arg6 : memref<2x128xi32, #tpu.memory_space<vmem>>) target_semaphore(%run_scoped3A_11 : memref<!tpu.dma_semaphore, #tpu.memory_space<semaphore_mem>>)
      %dma_wait3A = arith.constant 0 : i32
      %dma_wait3A_15 = tpu.memref_slice %arg3[%mul3A_4, %dma_wait3A] : memref<64x128xi32, #tpu.memory_space<hbm>> -> memref<2x128xi32, #tpu.memory_space<hbm>>
      %dma_wait3A_16 = arith.constant 0 : i32
      %dma_wait3A_17 = tpu.memref_slice %arg3[%mul3A_4, %dma_wait3A_16] : memref<64x128xi32, #tpu.memory_space<hbm>> -> memref<2x128xi32, #tpu.memory_space<hbm>>
      tpu.wait_dma2 semaphore(%run_scoped3A_11 : memref<!tpu.dma_semaphore, #tpu.memory_space<semaphore_mem>>) src(%dma_wait3A_17 : memref<2x128xi32, #tpu.memory_space<hbm>>) dst(%arg6 : memref<2x128xi32, #tpu.memory_space<vmem>>)
      tpu.yield
    }) : () -> ()
    "tpu.region"() ({
      %run_scoped3A_11 = tpu.sem_alloc : memref<!tpu.dma_semaphore, #tpu.memory_space<semaphore_mem>>
      %dma_start3A = arith.constant 0 : i32
      %dma_start3A_12 = tpu.memref_slice %arg4[%mul3A_2, %dma_start3A] : memref<8192x32xf32, #tpu.memory_space<hbm>> -> memref<256x32xf32, #tpu.memory_space<hbm>>
      %dma_start3A_13 = arith.constant 0 : i32
      %dma_start3A_14 = tpu.memref_slice %arg4[%mul3A_2, %dma_start3A_13] : memref<8192x32xf32, #tpu.memory_space<hbm>> -> memref<256x32xf32, #tpu.memory_space<hbm>>
      tpu.enqueue_dma source(%dma_start3A_14 : memref<256x32xf32, #tpu.memory_space<hbm>>) target(%arg8 : memref<256x32xf32, #tpu.memory_space<vmem>>) target_semaphore(%run_scoped3A_11 : memref<!tpu.dma_semaphore, #tpu.memory_space<semaphore_mem>>)
      %dma_wait3A = arith.constant 0 : i32
      %dma_wait3A_15 = tpu.memref_slice %arg4[%mul3A_2, %dma_wait3A] : memref<8192x32xf32, #tpu.memory_space<hbm>> -> memref<256x32xf32, #tpu.memory_space<hbm>>
      %dma_wait3A_16 = arith.constant 0 : i32
      %dma_wait3A_17 = tpu.memref_slice %arg4[%mul3A_2, %dma_wait3A_16] : memref<8192x32xf32, #tpu.memory_space<hbm>> -> memref<256x32xf32, #tpu.memory_space<hbm>>
      tpu.wait_dma2 semaphore(%run_scoped3A_11 : memref<!tpu.dma_semaphore, #tpu.memory_space<semaphore_mem>>) src(%dma_wait3A_17 : memref<256x32xf32, #tpu.memory_space<hbm>>) dst(%arg8 : memref<256x32xf32, #tpu.memory_space<vmem>>)
      tpu.yield
    }) : () -> ()
    %run_scoped3A = arith.constant 0 : i32
    "tpu.region"() ({
      %run_scoped3A_11 = tpu.sem_alloc : memref<!tpu.dma_semaphore, #tpu.memory_space<semaphore_mem>>
      %dma_start3A = arith.constant 0 : i32
      %dma_start3A_12 = arith.constant 0 : i32
      %dma_start3A_13 = tpu.memref_slice %arg7[%dma_start3A, %dma_start3A_12] : memref<256x128xf32, #tpu.memory_space<vmem>> -> memref<128x128xf32, #tpu.memory_space<vmem>>
      %dma_start3A_14 = arith.constant 0 : i32
      %dma_start3A_15 = tpu.memref_slice %arg6[%run_scoped3A, %dma_start3A_14] : memref<2x128xi32, #tpu.memory_space<vmem>> -> memref<1x128xi32, #tpu.memory_space<vmem>>
      %dma_start3A_16 = tpu.memref_squeeze %dma_start3A_15 : memref<1x128xi32, #tpu.memory_space<vmem>> -> memref<128xi32, #tpu.memory_space<vmem>>
      %dma_start3A_17 = arith.constant 0 : i32
      %dma_start3A_18 = arith.constant 0 : i32
      %dma_start3A_19 = tpu.memref_slice %arg2[%dma_start3A_17, %dma_start3A_18] : memref<8192x128xf32, #tpu.memory_space<hbm>> -> memref<8192x128xf32, #tpu.memory_space<hbm>>
      tpu.enqueue_indirect_dma source(%dma_start3A_19 : memref<8192x128xf32, #tpu.memory_space<hbm>>) target(%dma_start3A_13 : memref<128x128xf32, #tpu.memory_space<vmem>>) offsets(%dma_start3A_16 : memref<128xi32, #tpu.memory_space<vmem>>) semaphore(%run_scoped3A_11 : memref<!tpu.dma_semaphore, #tpu.memory_space<semaphore_mem>>)
      %dma_wait3A = arith.constant 0 : i32
      %dma_wait3A_20 = arith.constant 0 : i32
      %dma_wait3A_21 = tpu.memref_slice %arg7[%dma_wait3A, %dma_wait3A_20] : memref<256x128xf32, #tpu.memory_space<vmem>> -> memref<128x128xf32, #tpu.memory_space<vmem>>
      %dma_wait3A_22 = arith.constant 0 : i32
      %dma_wait3A_23 = tpu.memref_slice %arg6[%run_scoped3A, %dma_wait3A_22] : memref<2x128xi32, #tpu.memory_space<vmem>> -> memref<1x128xi32, #tpu.memory_space<vmem>>
      %dma_wait3A_24 = tpu.memref_squeeze %dma_wait3A_23 : memref<1x128xi32, #tpu.memory_space<vmem>> -> memref<128xi32, #tpu.memory_space<vmem>>
      %dma_wait3A_25 = arith.constant 0 : i32
      %dma_wait3A_26 = arith.constant 0 : i32
      %dma_wait3A_27 = tpu.memref_slice %arg2[%dma_wait3A_25, %dma_wait3A_26] : memref<8192x128xf32, #tpu.memory_space<hbm>> -> memref<8192x128xf32, #tpu.memory_space<hbm>>
      tpu.wait_indirect_dma semaphore(%run_scoped3A_11 : memref<!tpu.dma_semaphore, #tpu.memory_space<semaphore_mem>>) src(%dma_wait3A_27 : memref<8192x128xf32, #tpu.memory_space<hbm>>) dst(%dma_wait3A_21 : memref<128x128xf32, #tpu.memory_space<vmem>>)
      tpu.yield
    }) : () -> ()
    %run_scoped3A_5 = arith.constant 1 : i32
    "tpu.region"() ({
      %run_scoped3A_11 = tpu.sem_alloc : memref<!tpu.dma_semaphore, #tpu.memory_space<semaphore_mem>>
      %dma_start3A = arith.constant 128 : i32
      %dma_start3A_12 = arith.constant 0 : i32
      %dma_start3A_13 = tpu.memref_slice %arg7[%dma_start3A, %dma_start3A_12] : memref<256x128xf32, #tpu.memory_space<vmem>> -> memref<128x128xf32, #tpu.memory_space<vmem>>
      %dma_start3A_14 = arith.constant 0 : i32
      %dma_start3A_15 = tpu.memref_slice %arg6[%run_scoped3A_5, %dma_start3A_14] : memref<2x128xi32, #tpu.memory_space<vmem>> -> memref<1x128xi32, #tpu.memory_space<vmem>>
      %dma_start3A_16 = tpu.memref_squeeze %dma_start3A_15 : memref<1x128xi32, #tpu.memory_space<vmem>> -> memref<128xi32, #tpu.memory_space<vmem>>
      %dma_start3A_17 = arith.constant 0 : i32
      %dma_start3A_18 = arith.constant 0 : i32
      %dma_start3A_19 = tpu.memref_slice %arg2[%dma_start3A_17, %dma_start3A_18] : memref<8192x128xf32, #tpu.memory_space<hbm>> -> memref<8192x128xf32, #tpu.memory_space<hbm>>
      tpu.enqueue_indirect_dma source(%dma_start3A_19 : memref<8192x128xf32, #tpu.memory_space<hbm>>) target(%dma_start3A_13 : memref<128x128xf32, #tpu.memory_space<vmem>>) offsets(%dma_start3A_16 : memref<128xi32, #tpu.memory_space<vmem>>) semaphore(%run_scoped3A_11 : memref<!tpu.dma_semaphore, #tpu.memory_space<semaphore_mem>>)
      %dma_wait3A = arith.constant 128 : i32
      %dma_wait3A_20 = arith.constant 0 : i32
      %dma_wait3A_21 = tpu.memref_slice %arg7[%dma_wait3A, %dma_wait3A_20] : memref<256x128xf32, #tpu.memory_space<vmem>> -> memref<128x128xf32, #tpu.memory_space<vmem>>
      %dma_wait3A_22 = arith.constant 0 : i32
      %dma_wait3A_23 = tpu.memref_slice %arg6[%run_scoped3A_5, %dma_wait3A_22] : memref<2x128xi32, #tpu.memory_space<vmem>> -> memref<1x128xi32, #tpu.memory_space<vmem>>
      %dma_wait3A_24 = tpu.memref_squeeze %dma_wait3A_23 : memref<1x128xi32, #tpu.memory_space<vmem>> -> memref<128xi32, #tpu.memory_space<vmem>>
      %dma_wait3A_25 = arith.constant 0 : i32
      %dma_wait3A_26 = arith.constant 0 : i32
      %dma_wait3A_27 = tpu.memref_slice %arg2[%dma_wait3A_25, %dma_wait3A_26] : memref<8192x128xf32, #tpu.memory_space<hbm>> -> memref<8192x128xf32, #tpu.memory_space<hbm>>
      tpu.wait_indirect_dma semaphore(%run_scoped3A_11 : memref<!tpu.dma_semaphore, #tpu.memory_space<semaphore_mem>>) src(%dma_wait3A_27 : memref<8192x128xf32, #tpu.memory_space<hbm>>) dst(%dma_wait3A_21 : memref<128x128xf32, #tpu.memory_space<vmem>>)
      tpu.yield
    }) : () -> ()
    %scan3A = arith.constant 0 : i32
    %scan3A_6 = arith.constant 0 : i32
    %scan3A_7 = arith.constant 256 : i32
    %scan3A_8 = arith.addi %scan3A_6, %scan3A_7 : i32
    %scan3A_9 = arith.constant 1 : i32
    scf.for %scan3A_11 = %scan3A_6 to %scan3A_8 step %scan3A_9  : i32 {
      %get3A = arith.index_cast %scan3A_11 : i32 to index
      %get3A_12 = arith.constant 0 : index
      %get3A_13 = tpu.vector_load %arg8[%get3A, %get3A_12] {strides = array<i32>} : memref<256x32xf32, #tpu.memory_space<vmem>>, vector<1x16xf32>,
      %get3A_14 = vector.shape_cast %get3A_13 : vector<1x16xf32> to vector<16xf32>
      %get3A_15 = arith.index_cast %scan3A_11 : i32 to index
      %get3A_16 = arith.constant 0 : index
      %get3A_17 = tpu.vector_load %arg7[%get3A_15, %get3A_16] {strides = array<i32>} : memref<256x128xf32, #tpu.memory_space<vmem>>, vector<1x16xf32>,
      %get3A_18 = vector.shape_cast %get3A_17 : vector<1x16xf32> to vector<16xf32>
      %sub3A = arith.subf %get3A_14, %get3A_18 : vector<16xf32>
      %swap3A = arith.index_cast %scan3A_11 : i32 to index
      %swap3A_19 = arith.constant 0 : index
      %swap3A_20 = tpu.vector_load %arg8[%swap3A, %swap3A_19] {strides = array<i32>} : memref<256x32xf32, #tpu.memory_space<vmem>>, vector<1x16xf32>,
      %swap3A_21 = vector.shape_cast %swap3A_20 : vector<1x16xf32> to vector<16xf32>
      %swap3A_22 = vector.shape_cast %sub3A : vector<16xf32> to vector<1x16xf32>
      tpu.vector_store %arg8[%swap3A, %swap3A_19], %swap3A_22 {strides = array<i32>} : memref<256x32xf32, #tpu.memory_space<vmem>>, vector<1x16xf32>,
      %get3A_23 = arith.index_cast %scan3A_11 : i32 to index
      %get3A_24 = arith.constant 16 : index
      %get3A_25 = tpu.vector_load %arg8[%get3A_23, %get3A_24] {strides = array<i32>} : memref<256x32xf32, #tpu.memory_space<vmem>>, vector<1x16xf32>,
      %get3A_26 = vector.shape_cast %get3A_25 : vector<1x16xf32> to vector<16xf32>
      %get3A_27 = arith.index_cast %scan3A_11 : i32 to index
      %get3A_28 = arith.constant 16 : index
      %get3A_29 = tpu.vector_load %arg7[%get3A_27, %get3A_28] {strides = array<i32>} : memref<256x128xf32, #tpu.memory_space<vmem>>, vector<1x16xf32>,
      %get3A_30 = vector.shape_cast %get3A_29 : vector<1x16xf32> to vector<16xf32>
      %sub3A_31 = arith.subf %get3A_26, %get3A_30 : vector<16xf32>
      %swap3A_32 = arith.index_cast %scan3A_11 : i32 to index
      %swap3A_33 = arith.constant 16 : index
      %swap3A_34 = tpu.vector_load %arg8[%swap3A_32, %swap3A_33] {strides = array<i32>} : memref<256x32xf32, #tpu.memory_space<vmem>>, vector<1x16xf32>,
      %swap3A_35 = vector.shape_cast %swap3A_34 : vector<1x16xf32> to vector<16xf32>
      %swap3A_36 = vector.shape_cast %sub3A_31 : vector<16xf32> to vector<1x16xf32>
      tpu.vector_store %arg8[%swap3A_32, %swap3A_33], %swap3A_36 {strides = array<i32>} : memref<256x32xf32, #tpu.memory_space<vmem>>, vector<1x16xf32>,
    }
    %scan3A_10 = arith.constant 256 : i32
    "tpu.region"() ({
      %run_scoped3A_11 = tpu.sem_alloc : memref<!tpu.dma_semaphore, #tpu.memory_space<semaphore_mem>>
      %dma_start3A = arith.constant 0 : i32
      %dma_start3A_12 = tpu.memref_slice %arg5[%mul3A_2, %dma_start3A] : memref<8192x32xf32, #tpu.memory_space<hbm>> -> memref<256x32xf32, #tpu.memory_space<hbm>>
      %dma_start3A_13 = arith.constant 0 : i32
      %dma_start3A_14 = tpu.memref_slice %arg5[%mul3A_2, %dma_start3A_13] : memref<8192x32xf32, #tpu.memory_space<hbm>> -> memref<256x32xf32, #tpu.memory_space<hbm>>
      tpu.enqueue_dma source(%arg8 : memref<256x32xf32, #tpu.memory_space<vmem>>) target(%dma_start3A_14 : memref<256x32xf32, #tpu.memory_space<hbm>>) target_semaphore(%run_scoped3A_11 : memref<!tpu.dma_semaphore, #tpu.memory_space<semaphore_mem>>)
      %dma_wait3A = arith.constant 0 : i32
      %dma_wait3A_15 = tpu.memref_slice %arg5[%mul3A_2, %dma_wait3A] : memref<8192x32xf32, #tpu.memory_space<hbm>> -> memref<256x32xf32, #tpu.memory_space<hbm>>
      %dma_wait3A_16 = arith.constant 0 : i32
      %dma_wait3A_17 = tpu.memref_slice %arg5[%mul3A_2, %dma_wait3A_16] : memref<8192x32xf32, #tpu.memory_space<hbm>> -> memref<256x32xf32, #tpu.memory_space<hbm>>
      tpu.wait_dma2 semaphore(%run_scoped3A_11 : memref<!tpu.dma_semaphore, #tpu.memory_space<semaphore_mem>>) src(%arg8 : memref<256x32xf32, #tpu.memory_space<vmem>>) dst(%dma_wait3A_17 : memref<256x32xf32, #tpu.memory_space<hbm>>)
      tpu.yield
    }) : () -> ()
    return
  }
}

#map = affine_map<(d0, d1) -> (0, 0)>
module attributes {stable_mosaic.version = 14 : i64} {
  func.func @_sc_gather_sub_body(%arg0: i32, %arg1: i32, %arg2: memref<8192x128xf32, #tpu.memory_space<hbm>>, %arg3: memref<64x128xi32, #tpu.memory_space<hbm>>, %arg4: memref<8192x32xf32, #tpu.memory_space<hbm>>, %arg5: memref<8192x32xf32, #tpu.memory_space<hbm>>, %arg6: memref<2x128xi32, #tpu.memory_space<vmem>>, %arg7: memref<256x128xf32, #tpu.memory_space<vmem>>, %arg8: memref<256x32xf32, #tpu.memory_space<vmem>>) attributes {dimension_semantics = [#tpu.dimension_semantics<core_parallel>, #tpu.dimension_semantics<subcore_parallel>], iteration_bounds = array<i64: 2, 16>, scalar_prefetch = 0 : i64, scratch_operands = 3 : i64, tpu.core_type = #tpu.core_type<sc_vector_subcore>, window_params = [{transform_indices = #map}, {transform_indices = #map}, {transform_indices = #map}, {transform_indices = #map}]} {
    %mul3A = arith.constant 2 : i32
    %mul3A_0 = arith.muli %arg1, %mul3A : i32
    %add3A = arith.addi %mul3A_0, %arg0 : i32
    %mul3A_1 = arith.constant 256 : i32
    %mul3A_2 = arith.muli %add3A, %mul3A_1 : i32
    %mul3A_3 = arith.constant 2 : i32
    %mul3A_4 = arith.muli %add3A, %mul3A_3 : i32
    "tpu.region"() ({
      %run_scoped3A_11 = tpu.sem_alloc : memref<!tpu.dma_semaphore, #tpu.memory_space<semaphore_mem>>
      %dma_start3A = arith.constant 0 : i32
      %dma_start3A_12 = tpu.memref_slice %arg3[%mul3A_4, %dma_start3A] : memref<64x128xi32, #tpu.memory_space<hbm>> -> memref<2x128xi32, #tpu.memory_space<hbm>>
      %dma_start3A_13 = arith.constant 0 : i32
      %dma_start3A_14 = tpu.memref_slice %arg3[%mul3A_4, %dma_start3A_13] : memref<64x128xi32, #tpu.memory_space<hbm>> -> memref<2x128xi32, #tpu.memory_space<hbm>>
      tpu.enqueue_dma source(%dma_start3A_14 : memref<2x128xi32, #tpu.memory_space<hbm>>) target(%arg6 : memref<2x128xi32, #tpu.memory_space<vmem>>) target_semaphore(%run_scoped3A_11 : memref<!tpu.dma_semaphore, #tpu.memory_space<semaphore_mem>>)
      %dma_wait3A = arith.constant 0 : i32
      %dma_wait3A_15 = tpu.memref_slice %arg3[%mul3A_4, %dma_wait3A] : memref<64x128xi32, #tpu.memory_space<hbm>> -> memref<2x128xi32, #tpu.memory_space<hbm>>
      %dma_wait3A_16 = arith.constant 0 : i32
      %dma_wait3A_17 = tpu.memref_slice %arg3[%mul3A_4, %dma_wait3A_16] : memref<64x128xi32, #tpu.memory_space<hbm>> -> memref<2x128xi32, #tpu.memory_space<hbm>>
      tpu.wait_dma2 semaphore(%run_scoped3A_11 : memref<!tpu.dma_semaphore, #tpu.memory_space<semaphore_mem>>) src(%dma_wait3A_17 : memref<2x128xi32, #tpu.memory_space<hbm>>) dst(%arg6 : memref<2x128xi32, #tpu.memory_space<vmem>>)
      tpu.yield
    }) : () -> ()
    "tpu.region"() ({
      %run_scoped3A_11 = tpu.sem_alloc : memref<!tpu.dma_semaphore, #tpu.memory_space<semaphore_mem>>
      %dma_start3A = arith.constant 0 : i32
      %dma_start3A_12 = tpu.memref_slice %arg4[%mul3A_2, %dma_start3A] : memref<8192x32xf32, #tpu.memory_space<hbm>> -> memref<256x32xf32, #tpu.memory_space<hbm>>
      %dma_start3A_13 = arith.constant 0 : i32
      %dma_start3A_14 = tpu.memref_slice %arg4[%mul3A_2, %dma_start3A_13] : memref<8192x32xf32, #tpu.memory_space<hbm>> -> memref<256x32xf32, #tpu.memory_space<hbm>>
      tpu.enqueue_dma source(%dma_start3A_14 : memref<256x32xf32, #tpu.memory_space<hbm>>) target(%arg8 : memref<256x32xf32, #tpu.memory_space<vmem>>) target_semaphore(%run_scoped3A_11 : memref<!tpu.dma_semaphore, #tpu.memory_space<semaphore_mem>>)
      %dma_wait3A = arith.constant 0 : i32
      %dma_wait3A_15 = tpu.memref_slice %arg4[%mul3A_2, %dma_wait3A] : memref<8192x32xf32, #tpu.memory_space<hbm>> -> memref<256x32xf32, #tpu.memory_space<hbm>>
      %dma_wait3A_16 = arith.constant 0 : i32
      %dma_wait3A_17 = tpu.memref_slice %arg4[%mul3A_2, %dma_wait3A_16] : memref<8192x32xf32, #tpu.memory_space<hbm>> -> memref<256x32xf32, #tpu.memory_space<hbm>>
      tpu.wait_dma2 semaphore(%run_scoped3A_11 : memref<!tpu.dma_semaphore, #tpu.memory_space<semaphore_mem>>) src(%dma_wait3A_17 : memref<256x32xf32, #tpu.memory_space<hbm>>) dst(%arg8 : memref<256x32xf32, #tpu.memory_space<vmem>>)
      tpu.yield
    }) : () -> ()
    %run_scoped3A = arith.constant 0 : i32
    "tpu.region"() ({
      %run_scoped3A_11 = tpu.sem_alloc : memref<!tpu.dma_semaphore, #tpu.memory_space<semaphore_mem>>
      %dma_start3A = arith.constant 0 : i32
      %dma_start3A_12 = arith.constant 0 : i32
      %dma_start3A_13 = tpu.memref_slice %arg7[%dma_start3A, %dma_start3A_12] : memref<256x128xf32, #tpu.memory_space<vmem>> -> memref<128x128xf32, #tpu.memory_space<vmem>>
      %dma_start3A_14 = arith.constant 0 : i32
      %dma_start3A_15 = tpu.memref_slice %arg6[%run_scoped3A, %dma_start3A_14] : memref<2x128xi32, #tpu.memory_space<vmem>> -> memref<1x128xi32, #tpu.memory_space<vmem>>
      %dma_start3A_16 = tpu.memref_squeeze %dma_start3A_15 : memref<1x128xi32, #tpu.memory_space<vmem>> -> memref<128xi32, #tpu.memory_space<vmem>>
      %dma_start3A_17 = arith.constant 0 : i32
      %dma_start3A_18 = arith.constant 0 : i32
      %dma_start3A_19 = tpu.memref_slice %arg2[%dma_start3A_17, %dma_start3A_18] : memref<8192x128xf32, #tpu.memory_space<hbm>> -> memref<8192x128xf32, #tpu.memory_space<hbm>>
      tpu.enqueue_indirect_dma source(%dma_start3A_19 : memref<8192x128xf32, #tpu.memory_space<hbm>>) target(%dma_start3A_13 : memref<128x128xf32, #tpu.memory_space<vmem>>) offsets(%dma_start3A_16 : memref<128xi32, #tpu.memory_space<vmem>>) semaphore(%run_scoped3A_11 : memref<!tpu.dma_semaphore, #tpu.memory_space<semaphore_mem>>)
      %dma_wait3A = arith.constant 0 : i32
      %dma_wait3A_20 = arith.constant 0 : i32
      %dma_wait3A_21 = tpu.memref_slice %arg7[%dma_wait3A, %dma_wait3A_20] : memref<256x128xf32, #tpu.memory_space<vmem>> -> memref<128x128xf32, #tpu.memory_space<vmem>>
      %dma_wait3A_22 = arith.constant 0 : i32
      %dma_wait3A_23 = tpu.memref_slice %arg6[%run_scoped3A, %dma_wait3A_22] : memref<2x128xi32, #tpu.memory_space<vmem>> -> memref<1x128xi32, #tpu.memory_space<vmem>>
      %dma_wait3A_24 = tpu.memref_squeeze %dma_wait3A_23 : memref<1x128xi32, #tpu.memory_space<vmem>> -> memref<128xi32, #tpu.memory_space<vmem>>
      %dma_wait3A_25 = arith.constant 0 : i32
      %dma_wait3A_26 = arith.constant 0 : i32
      %dma_wait3A_27 = tpu.memref_slice %arg2[%dma_wait3A_25, %dma_wait3A_26] : memref<8192x128xf32, #tpu.memory_space<hbm>> -> memref<8192x128xf32, #tpu.memory_space<hbm>>
      tpu.wait_indirect_dma semaphore(%run_scoped3A_11 : memref<!tpu.dma_semaphore, #tpu.memory_space<semaphore_mem>>) src(%dma_wait3A_27 : memref<8192x128xf32, #tpu.memory_space<hbm>>) dst(%dma_wait3A_21 : memref<128x128xf32, #tpu.memory_space<vmem>>)
      tpu.yield
    }) : () -> ()
    %run_scoped3A_5 = arith.constant 1 : i32
    "tpu.region"() ({
      %run_scoped3A_11 = tpu.sem_alloc : memref<!tpu.dma_semaphore, #tpu.memory_space<semaphore_mem>>
      %dma_start3A = arith.constant 128 : i32
      %dma_start3A_12 = arith.constant 0 : i32
      %dma_start3A_13 = tpu.memref_slice %arg7[%dma_start3A, %dma_start3A_12] : memref<256x128xf32, #tpu.memory_space<vmem>> -> memref<128x128xf32, #tpu.memory_space<vmem>>
      %dma_start3A_14 = arith.constant 0 : i32
      %dma_start3A_15 = tpu.memref_slice %arg6[%run_scoped3A_5, %dma_start3A_14] : memref<2x128xi32, #tpu.memory_space<vmem>> -> memref<1x128xi32, #tpu.memory_space<vmem>>
      %dma_start3A_16 = tpu.memref_squeeze %dma_start3A_15 : memref<1x128xi32, #tpu.memory_space<vmem>> -> memref<128xi32, #tpu.memory_space<vmem>>
      %dma_start3A_17 = arith.constant 0 : i32
      %dma_start3A_18 = arith.constant 0 : i32
      %dma_start3A_19 = tpu.memref_slice %arg2[%dma_start3A_17, %dma_start3A_18] : memref<8192x128xf32, #tpu.memory_space<hbm>> -> memref<8192x128xf32, #tpu.memory_space<hbm>>
      tpu.enqueue_indirect_dma source(%dma_start3A_19 : memref<8192x128xf32, #tpu.memory_space<hbm>>) target(%dma_start3A_13 : memref<128x128xf32, #tpu.memory_space<vmem>>) offsets(%dma_start3A_16 : memref<128xi32, #tpu.memory_space<vmem>>) semaphore(%run_scoped3A_11 : memref<!tpu.dma_semaphore, #tpu.memory_space<semaphore_mem>>)
      %dma_wait3A = arith.constant 128 : i32
      %dma_wait3A_20 = arith.constant 0 : i32
      %dma_wait3A_21 = tpu.memref_slice %arg7[%dma_wait3A, %dma_wait3A_20] : memref<256x128xf32, #tpu.memory_space<vmem>> -> memref<128x128xf32, #tpu.memory_space<vmem>>
      %dma_wait3A_22 = arith.constant 0 : i32
      %dma_wait3A_23 = tpu.memref_slice %arg6[%run_scoped3A_5, %dma_wait3A_22] : memref<2x128xi32, #tpu.memory_space<vmem>> -> memref<1x128xi32, #tpu.memory_space<vmem>>
      %dma_wait3A_24 = tpu.memref_squeeze %dma_wait3A_23 : memref<1x128xi32, #tpu.memory_space<vmem>> -> memref<128xi32, #tpu.memory_space<vmem>>
      %dma_wait3A_25 = arith.constant 0 : i32
      %dma_wait3A_26 = arith.constant 0 : i32
      %dma_wait3A_27 = tpu.memref_slice %arg2[%dma_wait3A_25, %dma_wait3A_26] : memref<8192x128xf32, #tpu.memory_space<hbm>> -> memref<8192x128xf32, #tpu.memory_space<hbm>>
      tpu.wait_indirect_dma semaphore(%run_scoped3A_11 : memref<!tpu.dma_semaphore, #tpu.memory_space<semaphore_mem>>) src(%dma_wait3A_27 : memref<8192x128xf32, #tpu.memory_space<hbm>>) dst(%dma_wait3A_21 : memref<128x128xf32, #tpu.memory_space<vmem>>)
      tpu.yield
    }) : () -> ()
    %scan3A = arith.constant 0 : i32
    %scan3A_6 = arith.constant 0 : i32
    %scan3A_7 = arith.constant 256 : i32
    %scan3A_8 = arith.addi %scan3A_6, %scan3A_7 : i32
    %scan3A_9 = arith.constant 1 : i32
    scf.for %scan3A_11 = %scan3A_6 to %scan3A_8 step %scan3A_9  : i32 {
      %get3A = arith.index_cast %scan3A_11 : i32 to index
      %get3A_12 = arith.constant 0 : index
      %get3A_13 = tpu.vector_load %arg8[%get3A, %get3A_12] {strides = array<i32>} : memref<256x32xf32, #tpu.memory_space<vmem>>, vector<1x16xf32>,
      %get3A_14 = vector.shape_cast %get3A_13 : vector<1x16xf32> to vector<16xf32>
      %get3A_15 = arith.index_cast %scan3A_11 : i32 to index
      %get3A_16 = arith.constant 0 : index
      %get3A_17 = tpu.vector_load %arg7[%get3A_15, %get3A_16] {strides = array<i32>} : memref<256x128xf32, #tpu.memory_space<vmem>>, vector<1x16xf32>,
      %get3A_18 = vector.shape_cast %get3A_17 : vector<1x16xf32> to vector<16xf32>
      %sub3A = arith.subf %get3A_14, %get3A_18 : vector<16xf32>
      %swap3A = arith.index_cast %scan3A_11 : i32 to index
      %swap3A_19 = arith.constant 0 : index
      %swap3A_20 = tpu.vector_load %arg8[%swap3A, %swap3A_19] {strides = array<i32>} : memref<256x32xf32, #tpu.memory_space<vmem>>, vector<1x16xf32>,
      %swap3A_21 = vector.shape_cast %swap3A_20 : vector<1x16xf32> to vector<16xf32>
      %swap3A_22 = vector.shape_cast %sub3A : vector<16xf32> to vector<1x16xf32>
      tpu.vector_store %arg8[%swap3A, %swap3A_19], %swap3A_22 {strides = array<i32>} : memref<256x32xf32, #tpu.memory_space<vmem>>, vector<1x16xf32>,
      %get3A_23 = arith.index_cast %scan3A_11 : i32 to index
      %get3A_24 = arith.constant 16 : index
      %get3A_25 = tpu.vector_load %arg8[%get3A_23, %get3A_24] {strides = array<i32>} : memref<256x32xf32, #tpu.memory_space<vmem>>, vector<1x16xf32>,
      %get3A_26 = vector.shape_cast %get3A_25 : vector<1x16xf32> to vector<16xf32>
      %get3A_27 = arith.index_cast %scan3A_11 : i32 to index
      %get3A_28 = arith.constant 16 : index
      %get3A_29 = tpu.vector_load %arg7[%get3A_27, %get3A_28] {strides = array<i32>} : memref<256x128xf32, #tpu.memory_space<vmem>>, vector<1x16xf32>,
      %get3A_30 = vector.shape_cast %get3A_29 : vector<1x16xf32> to vector<16xf32>
      %sub3A_31 = arith.subf %get3A_26, %get3A_30 : vector<16xf32>
      %swap3A_32 = arith.index_cast %scan3A_11 : i32 to index
      %swap3A_33 = arith.constant 16 : index
      %swap3A_34 = tpu.vector_load %arg8[%swap3A_32, %swap3A_33] {strides = array<i32>} : memref<256x32xf32, #tpu.memory_space<vmem>>, vector<1x16xf32>,
      %swap3A_35 = vector.shape_cast %swap3A_34 : vector<1x16xf32> to vector<16xf32>
      %swap3A_36 = vector.shape_cast %sub3A_31 : vector<16xf32> to vector<1x16xf32>
      tpu.vector_store %arg8[%swap3A_32, %swap3A_33], %swap3A_36 {strides = array<i32>} : memref<256x32xf32, #tpu.memory_space<vmem>>, vector<1x16xf32>,
    }
    %scan3A_10 = arith.constant 256 : i32
    "tpu.region"() ({
      %run_scoped3A_11 = tpu.sem_alloc : memref<!tpu.dma_semaphore, #tpu.memory_space<semaphore_mem>>
      %dma_start3A = arith.constant 0 : i32
      %dma_start3A_12 = tpu.memref_slice %arg5[%mul3A_2, %dma_start3A] : memref<8192x32xf32, #tpu.memory_space<hbm>> -> memref<256x32xf32, #tpu.memory_space<hbm>>
      %dma_start3A_13 = arith.constant 0 : i32
      %dma_start3A_14 = tpu.memref_slice %arg5[%mul3A_2, %dma_start3A_13] : memref<8192x32xf32, #tpu.memory_space<hbm>> -> memref<256x32xf32, #tpu.memory_space<hbm>>
      tpu.enqueue_dma source(%arg8 : memref<256x32xf32, #tpu.memory_space<vmem>>) target(%dma_start3A_14 : memref<256x32xf32, #tpu.memory_space<hbm>>) target_semaphore(%run_scoped3A_11 : memref<!tpu.dma_semaphore, #tpu.memory_space<semaphore_mem>>)
      %dma_wait3A = arith.constant 0 : i32
      %dma_wait3A_15 = tpu.memref_slice %arg5[%mul3A_2, %dma_wait3A] : memref<8192x32xf32, #tpu.memory_space<hbm>> -> memref<256x32xf32, #tpu.memory_space<hbm>>
      %dma_wait3A_16 = arith.constant 0 : i32
      %dma_wait3A_17 = tpu.memref_slice %arg5[%mul3A_2, %dma_wait3A_16] : memref<8192x32xf32, #tpu.memory_space<hbm>> -> memref<256x32xf32, #tpu.memory_space<hbm>>
      tpu.wait_dma2 semaphore(%run_scoped3A_11 : memref<!tpu.dma_semaphore, #tpu.memory_space<semaphore_mem>>) src(%arg8 : memref<256x32xf32, #tpu.memory_space<vmem>>) dst(%dma_wait3A_17 : memref<256x32xf32, #tpu.memory_space<hbm>>)
      tpu.yield
    }) : () -> ()
    return
  }
}

#map = affine_map<(d0, d1) -> (0, 0)>
module attributes {stable_mosaic.version = 14 : i64} {
  func.func @_sc_gather_sub_body(%arg0: i32, %arg1: i32, %arg2: memref<8192x128xf32, #tpu.memory_space<hbm>>, %arg3: memref<64x128xi32, #tpu.memory_space<hbm>>, %arg4: memref<8192x32xf32, #tpu.memory_space<hbm>>, %arg5: memref<8192x32xf32, #tpu.memory_space<hbm>>, %arg6: memref<2x128xi32, #tpu.memory_space<vmem>>, %arg7: memref<256x128xf32, #tpu.memory_space<vmem>>, %arg8: memref<256x32xf32, #tpu.memory_space<vmem>>) attributes {dimension_semantics = [#tpu.dimension_semantics<core_parallel>, #tpu.dimension_semantics<subcore_parallel>], iteration_bounds = array<i64: 2, 16>, scalar_prefetch = 0 : i64, scratch_operands = 3 : i64, tpu.core_type = #tpu.core_type<sc_vector_subcore>, window_params = [{transform_indices = #map}, {transform_indices = #map}, {transform_indices = #map}, {transform_indices = #map}]} {
    %mul3A = arith.constant 2 : i32
    %mul3A_0 = arith.muli %arg1, %mul3A : i32
    %add3A = arith.addi %mul3A_0, %arg0 : i32
    %mul3A_1 = arith.constant 256 : i32
    %mul3A_2 = arith.muli %add3A, %mul3A_1 : i32
    %mul3A_3 = arith.constant 2 : i32
    %mul3A_4 = arith.muli %add3A, %mul3A_3 : i32
    "tpu.region"() ({
      %run_scoped3A_11 = tpu.sem_alloc : memref<!tpu.dma_semaphore, #tpu.memory_space<semaphore_mem>>
      %dma_start3A = arith.constant 0 : i32
      %dma_start3A_12 = tpu.memref_slice %arg3[%mul3A_4, %dma_start3A] : memref<64x128xi32, #tpu.memory_space<hbm>> -> memref<2x128xi32, #tpu.memory_space<hbm>>
      %dma_start3A_13 = arith.constant 0 : i32
      %dma_start3A_14 = tpu.memref_slice %arg3[%mul3A_4, %dma_start3A_13] : memref<64x128xi32, #tpu.memory_space<hbm>> -> memref<2x128xi32, #tpu.memory_space<hbm>>
      tpu.enqueue_dma source(%dma_start3A_14 : memref<2x128xi32, #tpu.memory_space<hbm>>) target(%arg6 : memref<2x128xi32, #tpu.memory_space<vmem>>) target_semaphore(%run_scoped3A_11 : memref<!tpu.dma_semaphore, #tpu.memory_space<semaphore_mem>>)
      %dma_wait3A = arith.constant 0 : i32
      %dma_wait3A_15 = tpu.memref_slice %arg3[%mul3A_4, %dma_wait3A] : memref<64x128xi32, #tpu.memory_space<hbm>> -> memref<2x128xi32, #tpu.memory_space<hbm>>
      %dma_wait3A_16 = arith.constant 0 : i32
      %dma_wait3A_17 = tpu.memref_slice %arg3[%mul3A_4, %dma_wait3A_16] : memref<64x128xi32, #tpu.memory_space<hbm>> -> memref<2x128xi32, #tpu.memory_space<hbm>>
      tpu.wait_dma2 semaphore(%run_scoped3A_11 : memref<!tpu.dma_semaphore, #tpu.memory_space<semaphore_mem>>) src(%dma_wait3A_17 : memref<2x128xi32, #tpu.memory_space<hbm>>) dst(%arg6 : memref<2x128xi32, #tpu.memory_space<vmem>>)
      tpu.yield
    }) : () -> ()
    "tpu.region"() ({
      %run_scoped3A_11 = tpu.sem_alloc : memref<!tpu.dma_semaphore, #tpu.memory_space<semaphore_mem>>
      %dma_start3A = arith.constant 0 : i32
      %dma_start3A_12 = tpu.memref_slice %arg4[%mul3A_2, %dma_start3A] : memref<8192x32xf32, #tpu.memory_space<hbm>> -> memref<256x32xf32, #tpu.memory_space<hbm>>
      %dma_start3A_13 = arith.constant 0 : i32
      %dma_start3A_14 = tpu.memref_slice %arg4[%mul3A_2, %dma_start3A_13] : memref<8192x32xf32, #tpu.memory_space<hbm>> -> memref<256x32xf32, #tpu.memory_space<hbm>>
      tpu.enqueue_dma source(%dma_start3A_14 : memref<256x32xf32, #tpu.memory_space<hbm>>) target(%arg8 : memref<256x32xf32, #tpu.memory_space<vmem>>) target_semaphore(%run_scoped3A_11 : memref<!tpu.dma_semaphore, #tpu.memory_space<semaphore_mem>>)
      %dma_wait3A = arith.constant 0 : i32
      %dma_wait3A_15 = tpu.memref_slice %arg4[%mul3A_2, %dma_wait3A] : memref<8192x32xf32, #tpu.memory_space<hbm>> -> memref<256x32xf32, #tpu.memory_space<hbm>>
      %dma_wait3A_16 = arith.constant 0 : i32
      %dma_wait3A_17 = tpu.memref_slice %arg4[%mul3A_2, %dma_wait3A_16] : memref<8192x32xf32, #tpu.memory_space<hbm>> -> memref<256x32xf32, #tpu.memory_space<hbm>>
      tpu.wait_dma2 semaphore(%run_scoped3A_11 : memref<!tpu.dma_semaphore, #tpu.memory_space<semaphore_mem>>) src(%dma_wait3A_17 : memref<256x32xf32, #tpu.memory_space<hbm>>) dst(%arg8 : memref<256x32xf32, #tpu.memory_space<vmem>>)
      tpu.yield
    }) : () -> ()
    %run_scoped3A = arith.constant 0 : i32
    "tpu.region"() ({
      %run_scoped3A_11 = tpu.sem_alloc : memref<!tpu.dma_semaphore, #tpu.memory_space<semaphore_mem>>
      %dma_start3A = arith.constant 0 : i32
      %dma_start3A_12 = arith.constant 0 : i32
      %dma_start3A_13 = tpu.memref_slice %arg7[%dma_start3A, %dma_start3A_12] : memref<256x128xf32, #tpu.memory_space<vmem>> -> memref<128x128xf32, #tpu.memory_space<vmem>>
      %dma_start3A_14 = arith.constant 0 : i32
      %dma_start3A_15 = tpu.memref_slice %arg6[%run_scoped3A, %dma_start3A_14] : memref<2x128xi32, #tpu.memory_space<vmem>> -> memref<1x128xi32, #tpu.memory_space<vmem>>
      %dma_start3A_16 = tpu.memref_squeeze %dma_start3A_15 : memref<1x128xi32, #tpu.memory_space<vmem>> -> memref<128xi32, #tpu.memory_space<vmem>>
      %dma_start3A_17 = arith.constant 0 : i32
      %dma_start3A_18 = arith.constant 0 : i32
      %dma_start3A_19 = tpu.memref_slice %arg2[%dma_start3A_17, %dma_start3A_18] : memref<8192x128xf32, #tpu.memory_space<hbm>> -> memref<8192x128xf32, #tpu.memory_space<hbm>>
      tpu.enqueue_indirect_dma source(%dma_start3A_19 : memref<8192x128xf32, #tpu.memory_space<hbm>>) target(%dma_start3A_13 : memref<128x128xf32, #tpu.memory_space<vmem>>) offsets(%dma_start3A_16 : memref<128xi32, #tpu.memory_space<vmem>>) semaphore(%run_scoped3A_11 : memref<!tpu.dma_semaphore, #tpu.memory_space<semaphore_mem>>)
      %dma_wait3A = arith.constant 0 : i32
      %dma_wait3A_20 = arith.constant 0 : i32
      %dma_wait3A_21 = tpu.memref_slice %arg7[%dma_wait3A, %dma_wait3A_20] : memref<256x128xf32, #tpu.memory_space<vmem>> -> memref<128x128xf32, #tpu.memory_space<vmem>>
      %dma_wait3A_22 = arith.constant 0 : i32
      %dma_wait3A_23 = tpu.memref_slice %arg6[%run_scoped3A, %dma_wait3A_22] : memref<2x128xi32, #tpu.memory_space<vmem>> -> memref<1x128xi32, #tpu.memory_space<vmem>>
      %dma_wait3A_24 = tpu.memref_squeeze %dma_wait3A_23 : memref<1x128xi32, #tpu.memory_space<vmem>> -> memref<128xi32, #tpu.memory_space<vmem>>
      %dma_wait3A_25 = arith.constant 0 : i32
      %dma_wait3A_26 = arith.constant 0 : i32
      %dma_wait3A_27 = tpu.memref_slice %arg2[%dma_wait3A_25, %dma_wait3A_26] : memref<8192x128xf32, #tpu.memory_space<hbm>> -> memref<8192x128xf32, #tpu.memory_space<hbm>>
      tpu.wait_indirect_dma semaphore(%run_scoped3A_11 : memref<!tpu.dma_semaphore, #tpu.memory_space<semaphore_mem>>) src(%dma_wait3A_27 : memref<8192x128xf32, #tpu.memory_space<hbm>>) dst(%dma_wait3A_21 : memref<128x128xf32, #tpu.memory_space<vmem>>)
      tpu.yield
    }) : () -> ()
    %run_scoped3A_5 = arith.constant 1 : i32
    "tpu.region"() ({
      %run_scoped3A_11 = tpu.sem_alloc : memref<!tpu.dma_semaphore, #tpu.memory_space<semaphore_mem>>
      %dma_start3A = arith.constant 128 : i32
      %dma_start3A_12 = arith.constant 0 : i32
      %dma_start3A_13 = tpu.memref_slice %arg7[%dma_start3A, %dma_start3A_12] : memref<256x128xf32, #tpu.memory_space<vmem>> -> memref<128x128xf32, #tpu.memory_space<vmem>>
      %dma_start3A_14 = arith.constant 0 : i32
      %dma_start3A_15 = tpu.memref_slice %arg6[%run_scoped3A_5, %dma_start3A_14] : memref<2x128xi32, #tpu.memory_space<vmem>> -> memref<1x128xi32, #tpu.memory_space<vmem>>
      %dma_start3A_16 = tpu.memref_squeeze %dma_start3A_15 : memref<1x128xi32, #tpu.memory_space<vmem>> -> memref<128xi32, #tpu.memory_space<vmem>>
      %dma_start3A_17 = arith.constant 0 : i32
      %dma_start3A_18 = arith.constant 0 : i32
      %dma_start3A_19 = tpu.memref_slice %arg2[%dma_start3A_17, %dma_start3A_18] : memref<8192x128xf32, #tpu.memory_space<hbm>> -> memref<8192x128xf32, #tpu.memory_space<hbm>>
      tpu.enqueue_indirect_dma source(%dma_start3A_19 : memref<8192x128xf32, #tpu.memory_space<hbm>>) target(%dma_start3A_13 : memref<128x128xf32, #tpu.memory_space<vmem>>) offsets(%dma_start3A_16 : memref<128xi32, #tpu.memory_space<vmem>>) semaphore(%run_scoped3A_11 : memref<!tpu.dma_semaphore, #tpu.memory_space<semaphore_mem>>)
      %dma_wait3A = arith.constant 128 : i32
      %dma_wait3A_20 = arith.constant 0 : i32
      %dma_wait3A_21 = tpu.memref_slice %arg7[%dma_wait3A, %dma_wait3A_20] : memref<256x128xf32, #tpu.memory_space<vmem>> -> memref<128x128xf32, #tpu.memory_space<vmem>>
      %dma_wait3A_22 = arith.constant 0 : i32
      %dma_wait3A_23 = tpu.memref_slice %arg6[%run_scoped3A_5, %dma_wait3A_22] : memref<2x128xi32, #tpu.memory_space<vmem>> -> memref<1x128xi32, #tpu.memory_space<vmem>>
      %dma_wait3A_24 = tpu.memref_squeeze %dma_wait3A_23 : memref<1x128xi32, #tpu.memory_space<vmem>> -> memref<128xi32, #tpu.memory_space<vmem>>
      %dma_wait3A_25 = arith.constant 0 : i32
      %dma_wait3A_26 = arith.constant 0 : i32
      %dma_wait3A_27 = tpu.memref_slice %arg2[%dma_wait3A_25, %dma_wait3A_26] : memref<8192x128xf32, #tpu.memory_space<hbm>> -> memref<8192x128xf32, #tpu.memory_space<hbm>>
      tpu.wait_indirect_dma semaphore(%run_scoped3A_11 : memref<!tpu.dma_semaphore, #tpu.memory_space<semaphore_mem>>) src(%dma_wait3A_27 : memref<8192x128xf32, #tpu.memory_space<hbm>>) dst(%dma_wait3A_21 : memref<128x128xf32, #tpu.memory_space<vmem>>)
      tpu.yield
    }) : () -> ()
    %scan3A = arith.constant 0 : i32
    %scan3A_6 = arith.constant 0 : i32
    %scan3A_7 = arith.constant 256 : i32
    %scan3A_8 = arith.addi %scan3A_6, %scan3A_7 : i32
    %scan3A_9 = arith.constant 1 : i32
    scf.for %scan3A_11 = %scan3A_6 to %scan3A_8 step %scan3A_9  : i32 {
      %get3A = arith.index_cast %scan3A_11 : i32 to index
      %get3A_12 = arith.constant 0 : index
      %get3A_13 = tpu.vector_load %arg8[%get3A, %get3A_12] {strides = array<i32>} : memref<256x32xf32, #tpu.memory_space<vmem>>, vector<1x16xf32>,
      %get3A_14 = vector.shape_cast %get3A_13 : vector<1x16xf32> to vector<16xf32>
      %get3A_15 = arith.index_cast %scan3A_11 : i32 to index
      %get3A_16 = arith.constant 0 : index
      %get3A_17 = tpu.vector_load %arg7[%get3A_15, %get3A_16] {strides = array<i32>} : memref<256x128xf32, #tpu.memory_space<vmem>>, vector<1x16xf32>,
      %get3A_18 = vector.shape_cast %get3A_17 : vector<1x16xf32> to vector<16xf32>
      %sub3A = arith.subf %get3A_14, %get3A_18 : vector<16xf32>
      %swap3A = arith.index_cast %scan3A_11 : i32 to index
      %swap3A_19 = arith.constant 0 : index
      %swap3A_20 = tpu.vector_load %arg8[%swap3A, %swap3A_19] {strides = array<i32>} : memref<256x32xf32, #tpu.memory_space<vmem>>, vector<1x16xf32>,
      %swap3A_21 = vector.shape_cast %swap3A_20 : vector<1x16xf32> to vector<16xf32>
      %swap3A_22 = vector.shape_cast %sub3A : vector<16xf32> to vector<1x16xf32>
      tpu.vector_store %arg8[%swap3A, %swap3A_19], %swap3A_22 {strides = array<i32>} : memref<256x32xf32, #tpu.memory_space<vmem>>, vector<1x16xf32>,
      %get3A_23 = arith.index_cast %scan3A_11 : i32 to index
      %get3A_24 = arith.constant 16 : index
      %get3A_25 = tpu.vector_load %arg8[%get3A_23, %get3A_24] {strides = array<i32>} : memref<256x32xf32, #tpu.memory_space<vmem>>, vector<1x16xf32>,
      %get3A_26 = vector.shape_cast %get3A_25 : vector<1x16xf32> to vector<16xf32>
      %get3A_27 = arith.index_cast %scan3A_11 : i32 to index
      %get3A_28 = arith.constant 16 : index
      %get3A_29 = tpu.vector_load %arg7[%get3A_27, %get3A_28] {strides = array<i32>} : memref<256x128xf32, #tpu.memory_space<vmem>>, vector<1x16xf32>,
      %get3A_30 = vector.shape_cast %get3A_29 : vector<1x16xf32> to vector<16xf32>
      %sub3A_31 = arith.subf %get3A_26, %get3A_30 : vector<16xf32>
      %swap3A_32 = arith.index_cast %scan3A_11 : i32 to index
      %swap3A_33 = arith.constant 16 : index
      %swap3A_34 = tpu.vector_load %arg8[%swap3A_32, %swap3A_33] {strides = array<i32>} : memref<256x32xf32, #tpu.memory_space<vmem>>, vector<1x16xf32>,
      %swap3A_35 = vector.shape_cast %swap3A_34 : vector<1x16xf32> to vector<16xf32>
      %swap3A_36 = vector.shape_cast %sub3A_31 : vector<16xf32> to vector<1x16xf32>
      tpu.vector_store %arg8[%swap3A_32, %swap3A_33], %swap3A_36 {strides = array<i32>} : memref<256x32xf32, #tpu.memory_space<vmem>>, vector<1x16xf32>,
    }
    %scan3A_10 = arith.constant 256 : i32
    "tpu.region"() ({
      %run_scoped3A_11 = tpu.sem_alloc : memref<!tpu.dma_semaphore, #tpu.memory_space<semaphore_mem>>
      %dma_start3A = arith.constant 0 : i32
      %dma_start3A_12 = tpu.memref_slice %arg5[%mul3A_2, %dma_start3A] : memref<8192x32xf32, #tpu.memory_space<hbm>> -> memref<256x32xf32, #tpu.memory_space<hbm>>
      %dma_start3A_13 = arith.constant 0 : i32
      %dma_start3A_14 = tpu.memref_slice %arg5[%mul3A_2, %dma_start3A_13] : memref<8192x32xf32, #tpu.memory_space<hbm>> -> memref<256x32xf32, #tpu.memory_space<hbm>>
      tpu.enqueue_dma source(%arg8 : memref<256x32xf32, #tpu.memory_space<vmem>>) target(%dma_start3A_14 : memref<256x32xf32, #tpu.memory_space<hbm>>) target_semaphore(%run_scoped3A_11 : memref<!tpu.dma_semaphore, #tpu.memory_space<semaphore_mem>>)
      %dma_wait3A = arith.constant 0 : i32
      %dma_wait3A_15 = tpu.memref_slice %arg5[%mul3A_2, %dma_wait3A] : memref<8192x32xf32, #tpu.memory_space<hbm>> -> memref<256x32xf32, #tpu.memory_space<hbm>>
      %dma_wait3A_16 = arith.constant 0 : i32
      %dma_wait3A_17 = tpu.memref_slice %arg5[%mul3A_2, %dma_wait3A_16] : memref<8192x32xf32, #tpu.memory_space<hbm>> -> memref<256x32xf32, #tpu.memory_space<hbm>>
      tpu.wait_dma2 semaphore(%run_scoped3A_11 : memref<!tpu.dma_semaphore, #tpu.memory_space<semaphore_mem>>) src(%arg8 : memref<256x32xf32, #tpu.memory_space<vmem>>) dst(%dma_wait3A_17 : memref<256x32xf32, #tpu.memory_space<hbm>>)
      tpu.yield
    }) : () -> ()
    return
  }
}

#map = affine_map<(d0, d1) -> (0, 0)>
module attributes {stable_mosaic.version = 14 : i64} {
  func.func @_sc_gather_sub_body(%arg0: i32, %arg1: i32, %arg2: memref<8192x128xf32, #tpu.memory_space<hbm>>, %arg3: memref<64x128xi32, #tpu.memory_space<hbm>>, %arg4: memref<8192x32xf32, #tpu.memory_space<hbm>>, %arg5: memref<8192x32xf32, #tpu.memory_space<hbm>>, %arg6: memref<2x128xi32, #tpu.memory_space<vmem>>, %arg7: memref<256x128xf32, #tpu.memory_space<vmem>>, %arg8: memref<256x32xf32, #tpu.memory_space<vmem>>) attributes {dimension_semantics = [#tpu.dimension_semantics<core_parallel>, #tpu.dimension_semantics<subcore_parallel>], iteration_bounds = array<i64: 2, 16>, scalar_prefetch = 0 : i64, scratch_operands = 3 : i64, tpu.core_type = #tpu.core_type<sc_vector_subcore>, window_params = [{transform_indices = #map}, {transform_indices = #map}, {transform_indices = #map}, {transform_indices = #map}]} {
    %mul3A = arith.constant 2 : i32
    %mul3A_0 = arith.muli %arg1, %mul3A : i32
    %add3A = arith.addi %mul3A_0, %arg0 : i32
    %mul3A_1 = arith.constant 256 : i32
    %mul3A_2 = arith.muli %add3A, %mul3A_1 : i32
    %mul3A_3 = arith.constant 2 : i32
    %mul3A_4 = arith.muli %add3A, %mul3A_3 : i32
    "tpu.region"() ({
      %run_scoped3A_11 = tpu.sem_alloc : memref<!tpu.dma_semaphore, #tpu.memory_space<semaphore_mem>>
      %dma_start3A = arith.constant 0 : i32
      %dma_start3A_12 = tpu.memref_slice %arg3[%mul3A_4, %dma_start3A] : memref<64x128xi32, #tpu.memory_space<hbm>> -> memref<2x128xi32, #tpu.memory_space<hbm>>
      %dma_start3A_13 = arith.constant 0 : i32
      %dma_start3A_14 = tpu.memref_slice %arg3[%mul3A_4, %dma_start3A_13] : memref<64x128xi32, #tpu.memory_space<hbm>> -> memref<2x128xi32, #tpu.memory_space<hbm>>
      tpu.enqueue_dma source(%dma_start3A_14 : memref<2x128xi32, #tpu.memory_space<hbm>>) target(%arg6 : memref<2x128xi32, #tpu.memory_space<vmem>>) target_semaphore(%run_scoped3A_11 : memref<!tpu.dma_semaphore, #tpu.memory_space<semaphore_mem>>)
      %dma_wait3A = arith.constant 0 : i32
      %dma_wait3A_15 = tpu.memref_slice %arg3[%mul3A_4, %dma_wait3A] : memref<64x128xi32, #tpu.memory_space<hbm>> -> memref<2x128xi32, #tpu.memory_space<hbm>>
      %dma_wait3A_16 = arith.constant 0 : i32
      %dma_wait3A_17 = tpu.memref_slice %arg3[%mul3A_4, %dma_wait3A_16] : memref<64x128xi32, #tpu.memory_space<hbm>> -> memref<2x128xi32, #tpu.memory_space<hbm>>
      tpu.wait_dma2 semaphore(%run_scoped3A_11 : memref<!tpu.dma_semaphore, #tpu.memory_space<semaphore_mem>>) src(%dma_wait3A_17 : memref<2x128xi32, #tpu.memory_space<hbm>>) dst(%arg6 : memref<2x128xi32, #tpu.memory_space<vmem>>)
      tpu.yield
    }) : () -> ()
    "tpu.region"() ({
      %run_scoped3A_11 = tpu.sem_alloc : memref<!tpu.dma_semaphore, #tpu.memory_space<semaphore_mem>>
      %dma_start3A = arith.constant 0 : i32
      %dma_start3A_12 = tpu.memref_slice %arg4[%mul3A_2, %dma_start3A] : memref<8192x32xf32, #tpu.memory_space<hbm>> -> memref<256x32xf32, #tpu.memory_space<hbm>>
      %dma_start3A_13 = arith.constant 0 : i32
      %dma_start3A_14 = tpu.memref_slice %arg4[%mul3A_2, %dma_start3A_13] : memref<8192x32xf32, #tpu.memory_space<hbm>> -> memref<256x32xf32, #tpu.memory_space<hbm>>
      tpu.enqueue_dma source(%dma_start3A_14 : memref<256x32xf32, #tpu.memory_space<hbm>>) target(%arg8 : memref<256x32xf32, #tpu.memory_space<vmem>>) target_semaphore(%run_scoped3A_11 : memref<!tpu.dma_semaphore, #tpu.memory_space<semaphore_mem>>)
      %dma_wait3A = arith.constant 0 : i32
      %dma_wait3A_15 = tpu.memref_slice %arg4[%mul3A_2, %dma_wait3A] : memref<8192x32xf32, #tpu.memory_space<hbm>> -> memref<256x32xf32, #tpu.memory_space<hbm>>
      %dma_wait3A_16 = arith.constant 0 : i32
      %dma_wait3A_17 = tpu.memref_slice %arg4[%mul3A_2, %dma_wait3A_16] : memref<8192x32xf32, #tpu.memory_space<hbm>> -> memref<256x32xf32, #tpu.memory_space<hbm>>
      tpu.wait_dma2 semaphore(%run_scoped3A_11 : memref<!tpu.dma_semaphore, #tpu.memory_space<semaphore_mem>>) src(%dma_wait3A_17 : memref<256x32xf32, #tpu.memory_space<hbm>>) dst(%arg8 : memref<256x32xf32, #tpu.memory_space<vmem>>)
      tpu.yield
    }) : () -> ()
    %run_scoped3A = arith.constant 0 : i32
    "tpu.region"() ({
      %run_scoped3A_11 = tpu.sem_alloc : memref<!tpu.dma_semaphore, #tpu.memory_space<semaphore_mem>>
      %dma_start3A = arith.constant 0 : i32
      %dma_start3A_12 = arith.constant 0 : i32
      %dma_start3A_13 = tpu.memref_slice %arg7[%dma_start3A, %dma_start3A_12] : memref<256x128xf32, #tpu.memory_space<vmem>> -> memref<128x128xf32, #tpu.memory_space<vmem>>
      %dma_start3A_14 = arith.constant 0 : i32
      %dma_start3A_15 = tpu.memref_slice %arg6[%run_scoped3A, %dma_start3A_14] : memref<2x128xi32, #tpu.memory_space<vmem>> -> memref<1x128xi32, #tpu.memory_space<vmem>>
      %dma_start3A_16 = tpu.memref_squeeze %dma_start3A_15 : memref<1x128xi32, #tpu.memory_space<vmem>> -> memref<128xi32, #tpu.memory_space<vmem>>
      %dma_start3A_17 = arith.constant 0 : i32
      %dma_start3A_18 = arith.constant 0 : i32
      %dma_start3A_19 = tpu.memref_slice %arg2[%dma_start3A_17, %dma_start3A_18] : memref<8192x128xf32, #tpu.memory_space<hbm>> -> memref<8192x128xf32, #tpu.memory_space<hbm>>
      tpu.enqueue_indirect_dma source(%dma_start3A_19 : memref<8192x128xf32, #tpu.memory_space<hbm>>) target(%dma_start3A_13 : memref<128x128xf32, #tpu.memory_space<vmem>>) offsets(%dma_start3A_16 : memref<128xi32, #tpu.memory_space<vmem>>) semaphore(%run_scoped3A_11 : memref<!tpu.dma_semaphore, #tpu.memory_space<semaphore_mem>>)
      %dma_wait3A = arith.constant 0 : i32
      %dma_wait3A_20 = arith.constant 0 : i32
      %dma_wait3A_21 = tpu.memref_slice %arg7[%dma_wait3A, %dma_wait3A_20] : memref<256x128xf32, #tpu.memory_space<vmem>> -> memref<128x128xf32, #tpu.memory_space<vmem>>
      %dma_wait3A_22 = arith.constant 0 : i32
      %dma_wait3A_23 = tpu.memref_slice %arg6[%run_scoped3A, %dma_wait3A_22] : memref<2x128xi32, #tpu.memory_space<vmem>> -> memref<1x128xi32, #tpu.memory_space<vmem>>
      %dma_wait3A_24 = tpu.memref_squeeze %dma_wait3A_23 : memref<1x128xi32, #tpu.memory_space<vmem>> -> memref<128xi32, #tpu.memory_space<vmem>>
      %dma_wait3A_25 = arith.constant 0 : i32
      %dma_wait3A_26 = arith.constant 0 : i32
      %dma_wait3A_27 = tpu.memref_slice %arg2[%dma_wait3A_25, %dma_wait3A_26] : memref<8192x128xf32, #tpu.memory_space<hbm>> -> memref<8192x128xf32, #tpu.memory_space<hbm>>
      tpu.wait_indirect_dma semaphore(%run_scoped3A_11 : memref<!tpu.dma_semaphore, #tpu.memory_space<semaphore_mem>>) src(%dma_wait3A_27 : memref<8192x128xf32, #tpu.memory_space<hbm>>) dst(%dma_wait3A_21 : memref<128x128xf32, #tpu.memory_space<vmem>>)
      tpu.yield
    }) : () -> ()
    %run_scoped3A_5 = arith.constant 1 : i32
    "tpu.region"() ({
      %run_scoped3A_11 = tpu.sem_alloc : memref<!tpu.dma_semaphore, #tpu.memory_space<semaphore_mem>>
      %dma_start3A = arith.constant 128 : i32
      %dma_start3A_12 = arith.constant 0 : i32
      %dma_start3A_13 = tpu.memref_slice %arg7[%dma_start3A, %dma_start3A_12] : memref<256x128xf32, #tpu.memory_space<vmem>> -> memref<128x128xf32, #tpu.memory_space<vmem>>
      %dma_start3A_14 = arith.constant 0 : i32
      %dma_start3A_15 = tpu.memref_slice %arg6[%run_scoped3A_5, %dma_start3A_14] : memref<2x128xi32, #tpu.memory_space<vmem>> -> memref<1x128xi32, #tpu.memory_space<vmem>>
      %dma_start3A_16 = tpu.memref_squeeze %dma_start3A_15 : memref<1x128xi32, #tpu.memory_space<vmem>> -> memref<128xi32, #tpu.memory_space<vmem>>
      %dma_start3A_17 = arith.constant 0 : i32
      %dma_start3A_18 = arith.constant 0 : i32
      %dma_start3A_19 = tpu.memref_slice %arg2[%dma_start3A_17, %dma_start3A_18] : memref<8192x128xf32, #tpu.memory_space<hbm>> -> memref<8192x128xf32, #tpu.memory_space<hbm>>
      tpu.enqueue_indirect_dma source(%dma_start3A_19 : memref<8192x128xf32, #tpu.memory_space<hbm>>) target(%dma_start3A_13 : memref<128x128xf32, #tpu.memory_space<vmem>>) offsets(%dma_start3A_16 : memref<128xi32, #tpu.memory_space<vmem>>) semaphore(%run_scoped3A_11 : memref<!tpu.dma_semaphore, #tpu.memory_space<semaphore_mem>>)
      %dma_wait3A = arith.constant 128 : i32
      %dma_wait3A_20 = arith.constant 0 : i32
      %dma_wait3A_21 = tpu.memref_slice %arg7[%dma_wait3A, %dma_wait3A_20] : memref<256x128xf32, #tpu.memory_space<vmem>> -> memref<128x128xf32, #tpu.memory_space<vmem>>
      %dma_wait3A_22 = arith.constant 0 : i32
      %dma_wait3A_23 = tpu.memref_slice %arg6[%run_scoped3A_5, %dma_wait3A_22] : memref<2x128xi32, #tpu.memory_space<vmem>> -> memref<1x128xi32, #tpu.memory_space<vmem>>
      %dma_wait3A_24 = tpu.memref_squeeze %dma_wait3A_23 : memref<1x128xi32, #tpu.memory_space<vmem>> -> memref<128xi32, #tpu.memory_space<vmem>>
      %dma_wait3A_25 = arith.constant 0 : i32
      %dma_wait3A_26 = arith.constant 0 : i32
      %dma_wait3A_27 = tpu.memref_slice %arg2[%dma_wait3A_25, %dma_wait3A_26] : memref<8192x128xf32, #tpu.memory_space<hbm>> -> memref<8192x128xf32, #tpu.memory_space<hbm>>
      tpu.wait_indirect_dma semaphore(%run_scoped3A_11 : memref<!tpu.dma_semaphore, #tpu.memory_space<semaphore_mem>>) src(%dma_wait3A_27 : memref<8192x128xf32, #tpu.memory_space<hbm>>) dst(%dma_wait3A_21 : memref<128x128xf32, #tpu.memory_space<vmem>>)
      tpu.yield
    }) : () -> ()
    %scan3A = arith.constant 0 : i32
    %scan3A_6 = arith.constant 0 : i32
    %scan3A_7 = arith.constant 256 : i32
    %scan3A_8 = arith.addi %scan3A_6, %scan3A_7 : i32
    %scan3A_9 = arith.constant 1 : i32
    scf.for %scan3A_11 = %scan3A_6 to %scan3A_8 step %scan3A_9  : i32 {
      %get3A = arith.index_cast %scan3A_11 : i32 to index
      %get3A_12 = arith.constant 0 : index
      %get3A_13 = tpu.vector_load %arg8[%get3A, %get3A_12] {strides = array<i32>} : memref<256x32xf32, #tpu.memory_space<vmem>>, vector<1x16xf32>,
      %get3A_14 = vector.shape_cast %get3A_13 : vector<1x16xf32> to vector<16xf32>
      %get3A_15 = arith.index_cast %scan3A_11 : i32 to index
      %get3A_16 = arith.constant 0 : index
      %get3A_17 = tpu.vector_load %arg7[%get3A_15, %get3A_16] {strides = array<i32>} : memref<256x128xf32, #tpu.memory_space<vmem>>, vector<1x16xf32>,
      %get3A_18 = vector.shape_cast %get3A_17 : vector<1x16xf32> to vector<16xf32>
      %sub3A = arith.subf %get3A_14, %get3A_18 : vector<16xf32>
      %swap3A = arith.index_cast %scan3A_11 : i32 to index
      %swap3A_19 = arith.constant 0 : index
      %swap3A_20 = tpu.vector_load %arg8[%swap3A, %swap3A_19] {strides = array<i32>} : memref<256x32xf32, #tpu.memory_space<vmem>>, vector<1x16xf32>,
      %swap3A_21 = vector.shape_cast %swap3A_20 : vector<1x16xf32> to vector<16xf32>
      %swap3A_22 = vector.shape_cast %sub3A : vector<16xf32> to vector<1x16xf32>
      tpu.vector_store %arg8[%swap3A, %swap3A_19], %swap3A_22 {strides = array<i32>} : memref<256x32xf32, #tpu.memory_space<vmem>>, vector<1x16xf32>,
      %get3A_23 = arith.index_cast %scan3A_11 : i32 to index
      %get3A_24 = arith.constant 16 : index
      %get3A_25 = tpu.vector_load %arg8[%get3A_23, %get3A_24] {strides = array<i32>} : memref<256x32xf32, #tpu.memory_space<vmem>>, vector<1x16xf32>,
      %get3A_26 = vector.shape_cast %get3A_25 : vector<1x16xf32> to vector<16xf32>
      %get3A_27 = arith.index_cast %scan3A_11 : i32 to index
      %get3A_28 = arith.constant 16 : index
      %get3A_29 = tpu.vector_load %arg7[%get3A_27, %get3A_28] {strides = array<i32>} : memref<256x128xf32, #tpu.memory_space<vmem>>, vector<1x16xf32>,
      %get3A_30 = vector.shape_cast %get3A_29 : vector<1x16xf32> to vector<16xf32>
      %sub3A_31 = arith.subf %get3A_26, %get3A_30 : vector<16xf32>
      %swap3A_32 = arith.index_cast %scan3A_11 : i32 to index
      %swap3A_33 = arith.constant 16 : index
      %swap3A_34 = tpu.vector_load %arg8[%swap3A_32, %swap3A_33] {strides = array<i32>} : memref<256x32xf32, #tpu.memory_space<vmem>>, vector<1x16xf32>,
      %swap3A_35 = vector.shape_cast %swap3A_34 : vector<1x16xf32> to vector<16xf32>
      %swap3A_36 = vector.shape_cast %sub3A_31 : vector<16xf32> to vector<1x16xf32>
      tpu.vector_store %arg8[%swap3A_32, %swap3A_33], %swap3A_36 {strides = array<i32>} : memref<256x32xf32, #tpu.memory_space<vmem>>, vector<1x16xf32>,
    }
    %scan3A_10 = arith.constant 256 : i32
    "tpu.region"() ({
      %run_scoped3A_11 = tpu.sem_alloc : memref<!tpu.dma_semaphore, #tpu.memory_space<semaphore_mem>>
      %dma_start3A = arith.constant 0 : i32
      %dma_start3A_12 = tpu.memref_slice %arg5[%mul3A_2, %dma_start3A] : memref<8192x32xf32, #tpu.memory_space<hbm>> -> memref<256x32xf32, #tpu.memory_space<hbm>>
      %dma_start3A_13 = arith.constant 0 : i32
      %dma_start3A_14 = tpu.memref_slice %arg5[%mul3A_2, %dma_start3A_13] : memref<8192x32xf32, #tpu.memory_space<hbm>> -> memref<256x32xf32, #tpu.memory_space<hbm>>
      tpu.enqueue_dma source(%arg8 : memref<256x32xf32, #tpu.memory_space<vmem>>) target(%dma_start3A_14 : memref<256x32xf32, #tpu.memory_space<hbm>>) target_semaphore(%run_scoped3A_11 : memref<!tpu.dma_semaphore, #tpu.memory_space<semaphore_mem>>)
      %dma_wait3A = arith.constant 0 : i32
      %dma_wait3A_15 = tpu.memref_slice %arg5[%mul3A_2, %dma_wait3A] : memref<8192x32xf32, #tpu.memory_space<hbm>> -> memref<256x32xf32, #tpu.memory_space<hbm>>
      %dma_wait3A_16 = arith.constant 0 : i32
      %dma_wait3A_17 = tpu.memref_slice %arg5[%mul3A_2, %dma_wait3A_16] : memref<8192x32xf32, #tpu.memory_space<hbm>> -> memref<256x32xf32, #tpu.memory_space<hbm>>
      tpu.wait_dma2 semaphore(%run_scoped3A_11 : memref<!tpu.dma_semaphore, #tpu.memory_space<semaphore_mem>>) src(%arg8 : memref<256x32xf32, #tpu.memory_space<vmem>>) dst(%dma_wait3A_17 : memref<256x32xf32, #tpu.memory_space<hbm>>)
      tpu.yield
    }) : () -> ()
    return
  }
}

#map = affine_map<(d0, d1) -> (0, 0)>
module attributes {stable_mosaic.version = 14 : i64} {
  func.func @_sc_gather_sub_body(%arg0: i32, %arg1: i32, %arg2: memref<8192x128xf32, #tpu.memory_space<hbm>>, %arg3: memref<64x128xi32, #tpu.memory_space<hbm>>, %arg4: memref<8192x32xf32, #tpu.memory_space<hbm>>, %arg5: memref<8192x32xf32, #tpu.memory_space<hbm>>, %arg6: memref<2x128xi32, #tpu.memory_space<vmem>>, %arg7: memref<256x128xf32, #tpu.memory_space<vmem>>, %arg8: memref<256x32xf32, #tpu.memory_space<vmem>>) attributes {dimension_semantics = [#tpu.dimension_semantics<core_parallel>, #tpu.dimension_semantics<subcore_parallel>], iteration_bounds = array<i64: 2, 16>, scalar_prefetch = 0 : i64, scratch_operands = 3 : i64, tpu.core_type = #tpu.core_type<sc_vector_subcore>, window_params = [{transform_indices = #map}, {transform_indices = #map}, {transform_indices = #map}, {transform_indices = #map}]} {
    %mul3A = arith.constant 2 : i32
    %mul3A_0 = arith.muli %arg1, %mul3A : i32
    %add3A = arith.addi %mul3A_0, %arg0 : i32
    %mul3A_1 = arith.constant 256 : i32
    %mul3A_2 = arith.muli %add3A, %mul3A_1 : i32
    %mul3A_3 = arith.constant 2 : i32
    %mul3A_4 = arith.muli %add3A, %mul3A_3 : i32
    "tpu.region"() ({
      %run_scoped3A_11 = tpu.sem_alloc : memref<!tpu.dma_semaphore, #tpu.memory_space<semaphore_mem>>
      %dma_start3A = arith.constant 0 : i32
      %dma_start3A_12 = tpu.memref_slice %arg3[%mul3A_4, %dma_start3A] : memref<64x128xi32, #tpu.memory_space<hbm>> -> memref<2x128xi32, #tpu.memory_space<hbm>>
      %dma_start3A_13 = arith.constant 0 : i32
      %dma_start3A_14 = tpu.memref_slice %arg3[%mul3A_4, %dma_start3A_13] : memref<64x128xi32, #tpu.memory_space<hbm>> -> memref<2x128xi32, #tpu.memory_space<hbm>>
      tpu.enqueue_dma source(%dma_start3A_14 : memref<2x128xi32, #tpu.memory_space<hbm>>) target(%arg6 : memref<2x128xi32, #tpu.memory_space<vmem>>) target_semaphore(%run_scoped3A_11 : memref<!tpu.dma_semaphore, #tpu.memory_space<semaphore_mem>>)
      %dma_wait3A = arith.constant 0 : i32
      %dma_wait3A_15 = tpu.memref_slice %arg3[%mul3A_4, %dma_wait3A] : memref<64x128xi32, #tpu.memory_space<hbm>> -> memref<2x128xi32, #tpu.memory_space<hbm>>
      %dma_wait3A_16 = arith.constant 0 : i32
      %dma_wait3A_17 = tpu.memref_slice %arg3[%mul3A_4, %dma_wait3A_16] : memref<64x128xi32, #tpu.memory_space<hbm>> -> memref<2x128xi32, #tpu.memory_space<hbm>>
      tpu.wait_dma2 semaphore(%run_scoped3A_11 : memref<!tpu.dma_semaphore, #tpu.memory_space<semaphore_mem>>) src(%dma_wait3A_17 : memref<2x128xi32, #tpu.memory_space<hbm>>) dst(%arg6 : memref<2x128xi32, #tpu.memory_space<vmem>>)
      tpu.yield
    }) : () -> ()
    "tpu.region"() ({
      %run_scoped3A_11 = tpu.sem_alloc : memref<!tpu.dma_semaphore, #tpu.memory_space<semaphore_mem>>
      %dma_start3A = arith.constant 0 : i32
      %dma_start3A_12 = tpu.memref_slice %arg4[%mul3A_2, %dma_start3A] : memref<8192x32xf32, #tpu.memory_space<hbm>> -> memref<256x32xf32, #tpu.memory_space<hbm>>
      %dma_start3A_13 = arith.constant 0 : i32
      %dma_start3A_14 = tpu.memref_slice %arg4[%mul3A_2, %dma_start3A_13] : memref<8192x32xf32, #tpu.memory_space<hbm>> -> memref<256x32xf32, #tpu.memory_space<hbm>>
      tpu.enqueue_dma source(%dma_start3A_14 : memref<256x32xf32, #tpu.memory_space<hbm>>) target(%arg8 : memref<256x32xf32, #tpu.memory_space<vmem>>) target_semaphore(%run_scoped3A_11 : memref<!tpu.dma_semaphore, #tpu.memory_space<semaphore_mem>>)
      %dma_wait3A = arith.constant 0 : i32
      %dma_wait3A_15 = tpu.memref_slice %arg4[%mul3A_2, %dma_wait3A] : memref<8192x32xf32, #tpu.memory_space<hbm>> -> memref<256x32xf32, #tpu.memory_space<hbm>>
      %dma_wait3A_16 = arith.constant 0 : i32
      %dma_wait3A_17 = tpu.memref_slice %arg4[%mul3A_2, %dma_wait3A_16] : memref<8192x32xf32, #tpu.memory_space<hbm>> -> memref<256x32xf32, #tpu.memory_space<hbm>>
      tpu.wait_dma2 semaphore(%run_scoped3A_11 : memref<!tpu.dma_semaphore, #tpu.memory_space<semaphore_mem>>) src(%dma_wait3A_17 : memref<256x32xf32, #tpu.memory_space<hbm>>) dst(%arg8 : memref<256x32xf32, #tpu.memory_space<vmem>>)
      tpu.yield
    }) : () -> ()
    %run_scoped3A = arith.constant 0 : i32
    "tpu.region"() ({
      %run_scoped3A_11 = tpu.sem_alloc : memref<!tpu.dma_semaphore, #tpu.memory_space<semaphore_mem>>
      %dma_start3A = arith.constant 0 : i32
      %dma_start3A_12 = arith.constant 0 : i32
      %dma_start3A_13 = tpu.memref_slice %arg7[%dma_start3A, %dma_start3A_12] : memref<256x128xf32, #tpu.memory_space<vmem>> -> memref<128x128xf32, #tpu.memory_space<vmem>>
      %dma_start3A_14 = arith.constant 0 : i32
      %dma_start3A_15 = tpu.memref_slice %arg6[%run_scoped3A, %dma_start3A_14] : memref<2x128xi32, #tpu.memory_space<vmem>> -> memref<1x128xi32, #tpu.memory_space<vmem>>
      %dma_start3A_16 = tpu.memref_squeeze %dma_start3A_15 : memref<1x128xi32, #tpu.memory_space<vmem>> -> memref<128xi32, #tpu.memory_space<vmem>>
      %dma_start3A_17 = arith.constant 0 : i32
      %dma_start3A_18 = arith.constant 0 : i32
      %dma_start3A_19 = tpu.memref_slice %arg2[%dma_start3A_17, %dma_start3A_18] : memref<8192x128xf32, #tpu.memory_space<hbm>> -> memref<8192x128xf32, #tpu.memory_space<hbm>>
      tpu.enqueue_indirect_dma source(%dma_start3A_19 : memref<8192x128xf32, #tpu.memory_space<hbm>>) target(%dma_start3A_13 : memref<128x128xf32, #tpu.memory_space<vmem>>) offsets(%dma_start3A_16 : memref<128xi32, #tpu.memory_space<vmem>>) semaphore(%run_scoped3A_11 : memref<!tpu.dma_semaphore, #tpu.memory_space<semaphore_mem>>)
      %dma_wait3A = arith.constant 0 : i32
      %dma_wait3A_20 = arith.constant 0 : i32
      %dma_wait3A_21 = tpu.memref_slice %arg7[%dma_wait3A, %dma_wait3A_20] : memref<256x128xf32, #tpu.memory_space<vmem>> -> memref<128x128xf32, #tpu.memory_space<vmem>>
      %dma_wait3A_22 = arith.constant 0 : i32
      %dma_wait3A_23 = tpu.memref_slice %arg6[%run_scoped3A, %dma_wait3A_22] : memref<2x128xi32, #tpu.memory_space<vmem>> -> memref<1x128xi32, #tpu.memory_space<vmem>>
      %dma_wait3A_24 = tpu.memref_squeeze %dma_wait3A_23 : memref<1x128xi32, #tpu.memory_space<vmem>> -> memref<128xi32, #tpu.memory_space<vmem>>
      %dma_wait3A_25 = arith.constant 0 : i32
      %dma_wait3A_26 = arith.constant 0 : i32
      %dma_wait3A_27 = tpu.memref_slice %arg2[%dma_wait3A_25, %dma_wait3A_26] : memref<8192x128xf32, #tpu.memory_space<hbm>> -> memref<8192x128xf32, #tpu.memory_space<hbm>>
      tpu.wait_indirect_dma semaphore(%run_scoped3A_11 : memref<!tpu.dma_semaphore, #tpu.memory_space<semaphore_mem>>) src(%dma_wait3A_27 : memref<8192x128xf32, #tpu.memory_space<hbm>>) dst(%dma_wait3A_21 : memref<128x128xf32, #tpu.memory_space<vmem>>)
      tpu.yield
    }) : () -> ()
    %run_scoped3A_5 = arith.constant 1 : i32
    "tpu.region"() ({
      %run_scoped3A_11 = tpu.sem_alloc : memref<!tpu.dma_semaphore, #tpu.memory_space<semaphore_mem>>
      %dma_start3A = arith.constant 128 : i32
      %dma_start3A_12 = arith.constant 0 : i32
      %dma_start3A_13 = tpu.memref_slice %arg7[%dma_start3A, %dma_start3A_12] : memref<256x128xf32, #tpu.memory_space<vmem>> -> memref<128x128xf32, #tpu.memory_space<vmem>>
      %dma_start3A_14 = arith.constant 0 : i32
      %dma_start3A_15 = tpu.memref_slice %arg6[%run_scoped3A_5, %dma_start3A_14] : memref<2x128xi32, #tpu.memory_space<vmem>> -> memref<1x128xi32, #tpu.memory_space<vmem>>
      %dma_start3A_16 = tpu.memref_squeeze %dma_start3A_15 : memref<1x128xi32, #tpu.memory_space<vmem>> -> memref<128xi32, #tpu.memory_space<vmem>>
      %dma_start3A_17 = arith.constant 0 : i32
      %dma_start3A_18 = arith.constant 0 : i32
      %dma_start3A_19 = tpu.memref_slice %arg2[%dma_start3A_17, %dma_start3A_18] : memref<8192x128xf32, #tpu.memory_space<hbm>> -> memref<8192x128xf32, #tpu.memory_space<hbm>>
      tpu.enqueue_indirect_dma source(%dma_start3A_19 : memref<8192x128xf32, #tpu.memory_space<hbm>>) target(%dma_start3A_13 : memref<128x128xf32, #tpu.memory_space<vmem>>) offsets(%dma_start3A_16 : memref<128xi32, #tpu.memory_space<vmem>>) semaphore(%run_scoped3A_11 : memref<!tpu.dma_semaphore, #tpu.memory_space<semaphore_mem>>)
      %dma_wait3A = arith.constant 128 : i32
      %dma_wait3A_20 = arith.constant 0 : i32
      %dma_wait3A_21 = tpu.memref_slice %arg7[%dma_wait3A, %dma_wait3A_20] : memref<256x128xf32, #tpu.memory_space<vmem>> -> memref<128x128xf32, #tpu.memory_space<vmem>>
      %dma_wait3A_22 = arith.constant 0 : i32
      %dma_wait3A_23 = tpu.memref_slice %arg6[%run_scoped3A_5, %dma_wait3A_22] : memref<2x128xi32, #tpu.memory_space<vmem>> -> memref<1x128xi32, #tpu.memory_space<vmem>>
      %dma_wait3A_24 = tpu.memref_squeeze %dma_wait3A_23 : memref<1x128xi32, #tpu.memory_space<vmem>> -> memref<128xi32, #tpu.memory_space<vmem>>
      %dma_wait3A_25 = arith.constant 0 : i32
      %dma_wait3A_26 = arith.constant 0 : i32
      %dma_wait3A_27 = tpu.memref_slice %arg2[%dma_wait3A_25, %dma_wait3A_26] : memref<8192x128xf32, #tpu.memory_space<hbm>> -> memref<8192x128xf32, #tpu.memory_space<hbm>>
      tpu.wait_indirect_dma semaphore(%run_scoped3A_11 : memref<!tpu.dma_semaphore, #tpu.memory_space<semaphore_mem>>) src(%dma_wait3A_27 : memref<8192x128xf32, #tpu.memory_space<hbm>>) dst(%dma_wait3A_21 : memref<128x128xf32, #tpu.memory_space<vmem>>)
      tpu.yield
    }) : () -> ()
    %scan3A = arith.constant 0 : i32
    %scan3A_6 = arith.constant 0 : i32
    %scan3A_7 = arith.constant 256 : i32
    %scan3A_8 = arith.addi %scan3A_6, %scan3A_7 : i32
    %scan3A_9 = arith.constant 1 : i32
    scf.for %scan3A_11 = %scan3A_6 to %scan3A_8 step %scan3A_9  : i32 {
      %get3A = arith.index_cast %scan3A_11 : i32 to index
      %get3A_12 = arith.constant 0 : index
      %get3A_13 = tpu.vector_load %arg8[%get3A, %get3A_12] {strides = array<i32>} : memref<256x32xf32, #tpu.memory_space<vmem>>, vector<1x16xf32>,
      %get3A_14 = vector.shape_cast %get3A_13 : vector<1x16xf32> to vector<16xf32>
      %get3A_15 = arith.index_cast %scan3A_11 : i32 to index
      %get3A_16 = arith.constant 0 : index
      %get3A_17 = tpu.vector_load %arg7[%get3A_15, %get3A_16] {strides = array<i32>} : memref<256x128xf32, #tpu.memory_space<vmem>>, vector<1x16xf32>,
      %get3A_18 = vector.shape_cast %get3A_17 : vector<1x16xf32> to vector<16xf32>
      %sub3A = arith.subf %get3A_14, %get3A_18 : vector<16xf32>
      %swap3A = arith.index_cast %scan3A_11 : i32 to index
      %swap3A_19 = arith.constant 0 : index
      %swap3A_20 = tpu.vector_load %arg8[%swap3A, %swap3A_19] {strides = array<i32>} : memref<256x32xf32, #tpu.memory_space<vmem>>, vector<1x16xf32>,
      %swap3A_21 = vector.shape_cast %swap3A_20 : vector<1x16xf32> to vector<16xf32>
      %swap3A_22 = vector.shape_cast %sub3A : vector<16xf32> to vector<1x16xf32>
      tpu.vector_store %arg8[%swap3A, %swap3A_19], %swap3A_22 {strides = array<i32>} : memref<256x32xf32, #tpu.memory_space<vmem>>, vector<1x16xf32>,
      %get3A_23 = arith.index_cast %scan3A_11 : i32 to index
      %get3A_24 = arith.constant 16 : index
      %get3A_25 = tpu.vector_load %arg8[%get3A_23, %get3A_24] {strides = array<i32>} : memref<256x32xf32, #tpu.memory_space<vmem>>, vector<1x16xf32>,
      %get3A_26 = vector.shape_cast %get3A_25 : vector<1x16xf32> to vector<16xf32>
      %get3A_27 = arith.index_cast %scan3A_11 : i32 to index
      %get3A_28 = arith.constant 16 : index
      %get3A_29 = tpu.vector_load %arg7[%get3A_27, %get3A_28] {strides = array<i32>} : memref<256x128xf32, #tpu.memory_space<vmem>>, vector<1x16xf32>,
      %get3A_30 = vector.shape_cast %get3A_29 : vector<1x16xf32> to vector<16xf32>
      %sub3A_31 = arith.subf %get3A_26, %get3A_30 : vector<16xf32>
      %swap3A_32 = arith.index_cast %scan3A_11 : i32 to index
      %swap3A_33 = arith.constant 16 : index
      %swap3A_34 = tpu.vector_load %arg8[%swap3A_32, %swap3A_33] {strides = array<i32>} : memref<256x32xf32, #tpu.memory_space<vmem>>, vector<1x16xf32>,
      %swap3A_35 = vector.shape_cast %swap3A_34 : vector<1x16xf32> to vector<16xf32>
      %swap3A_36 = vector.shape_cast %sub3A_31 : vector<16xf32> to vector<1x16xf32>
      tpu.vector_store %arg8[%swap3A_32, %swap3A_33], %swap3A_36 {strides = array<i32>} : memref<256x32xf32, #tpu.memory_space<vmem>>, vector<1x16xf32>,
    }
    %scan3A_10 = arith.constant 256 : i32
    "tpu.region"() ({
      %run_scoped3A_11 = tpu.sem_alloc : memref<!tpu.dma_semaphore, #tpu.memory_space<semaphore_mem>>
      %dma_start3A = arith.constant 0 : i32
      %dma_start3A_12 = tpu.memref_slice %arg5[%mul3A_2, %dma_start3A] : memref<8192x32xf32, #tpu.memory_space<hbm>> -> memref<256x32xf32, #tpu.memory_space<hbm>>
      %dma_start3A_13 = arith.constant 0 : i32
      %dma_start3A_14 = tpu.memref_slice %arg5[%mul3A_2, %dma_start3A_13] : memref<8192x32xf32, #tpu.memory_space<hbm>> -> memref<256x32xf32, #tpu.memory_space<hbm>>
      tpu.enqueue_dma source(%arg8 : memref<256x32xf32, #tpu.memory_space<vmem>>) target(%dma_start3A_14 : memref<256x32xf32, #tpu.memory_space<hbm>>) target_semaphore(%run_scoped3A_11 : memref<!tpu.dma_semaphore, #tpu.memory_space<semaphore_mem>>)
      %dma_wait3A = arith.constant 0 : i32
      %dma_wait3A_15 = tpu.memref_slice %arg5[%mul3A_2, %dma_wait3A] : memref<8192x32xf32, #tpu.memory_space<hbm>> -> memref<256x32xf32, #tpu.memory_space<hbm>>
      %dma_wait3A_16 = arith.constant 0 : i32
      %dma_wait3A_17 = tpu.memref_slice %arg5[%mul3A_2, %dma_wait3A_16] : memref<8192x32xf32, #tpu.memory_space<hbm>> -> memref<256x32xf32, #tpu.memory_space<hbm>>
      tpu.wait_dma2 semaphore(%run_scoped3A_11 : memref<!tpu.dma_semaphore, #tpu.memory_space<semaphore_mem>>) src(%arg8 : memref<256x32xf32, #tpu.memory_space<vmem>>) dst(%dma_wait3A_17 : memref<256x32xf32, #tpu.memory_space<hbm>>)
      tpu.yield
    }) : () -> ()
    return
  }
}

#map = affine_map<(d0, d1) -> (0, 0)>
module attributes {stable_mosaic.version = 14 : i64} {
  func.func @_sc_gather_sub_final_body(%arg0: i32, %arg1: i32, %arg2: memref<8192x128xf32, #tpu.memory_space<hbm>>, %arg3: memref<64x128xi32, #tpu.memory_space<hbm>>, %arg4: memref<8192x32xf32, #tpu.memory_space<hbm>>, %arg5: memref<8192x32xf32, #tpu.memory_space<hbm>>, %arg6: memref<8192x32xf32, #tpu.memory_space<hbm>>, %arg7: memref<2x128xi32, #tpu.memory_space<vmem>>, %arg8: memref<256x128xf32, #tpu.memory_space<vmem>>, %arg9: memref<256x32xf32, #tpu.memory_space<vmem>>, %arg10: memref<256x32xf32, #tpu.memory_space<vmem>>) attributes {dimension_semantics = [#tpu.dimension_semantics<core_parallel>, #tpu.dimension_semantics<subcore_parallel>], iteration_bounds = array<i64: 2, 16>, scalar_prefetch = 0 : i64, scratch_operands = 4 : i64, tpu.core_type = #tpu.core_type<sc_vector_subcore>, window_params = [{transform_indices = #map}, {transform_indices = #map}, {transform_indices = #map}, {transform_indices = #map}, {transform_indices = #map}]} {
    %mul3A = arith.constant 2 : i32
    %mul3A_0 = arith.muli %arg1, %mul3A : i32
    %add3A = arith.addi %mul3A_0, %arg0 : i32
    %mul3A_1 = arith.constant 256 : i32
    %mul3A_2 = arith.muli %add3A, %mul3A_1 : i32
    %mul3A_3 = arith.constant 2 : i32
    %mul3A_4 = arith.muli %add3A, %mul3A_3 : i32
    "tpu.region"() ({
      %run_scoped3A_11 = tpu.sem_alloc : memref<!tpu.dma_semaphore, #tpu.memory_space<semaphore_mem>>
      %dma_start3A = arith.constant 0 : i32
      %dma_start3A_12 = tpu.memref_slice %arg3[%mul3A_4, %dma_start3A] : memref<64x128xi32, #tpu.memory_space<hbm>> -> memref<2x128xi32, #tpu.memory_space<hbm>>
      %dma_start3A_13 = arith.constant 0 : i32
      %dma_start3A_14 = tpu.memref_slice %arg3[%mul3A_4, %dma_start3A_13] : memref<64x128xi32, #tpu.memory_space<hbm>> -> memref<2x128xi32, #tpu.memory_space<hbm>>
      tpu.enqueue_dma source(%dma_start3A_14 : memref<2x128xi32, #tpu.memory_space<hbm>>) target(%arg7 : memref<2x128xi32, #tpu.memory_space<vmem>>) target_semaphore(%run_scoped3A_11 : memref<!tpu.dma_semaphore, #tpu.memory_space<semaphore_mem>>)
      %dma_wait3A = arith.constant 0 : i32
      %dma_wait3A_15 = tpu.memref_slice %arg3[%mul3A_4, %dma_wait3A] : memref<64x128xi32, #tpu.memory_space<hbm>> -> memref<2x128xi32, #tpu.memory_space<hbm>>
      %dma_wait3A_16 = arith.constant 0 : i32
      %dma_wait3A_17 = tpu.memref_slice %arg3[%mul3A_4, %dma_wait3A_16] : memref<64x128xi32, #tpu.memory_space<hbm>> -> memref<2x128xi32, #tpu.memory_space<hbm>>
      tpu.wait_dma2 semaphore(%run_scoped3A_11 : memref<!tpu.dma_semaphore, #tpu.memory_space<semaphore_mem>>) src(%dma_wait3A_17 : memref<2x128xi32, #tpu.memory_space<hbm>>) dst(%arg7 : memref<2x128xi32, #tpu.memory_space<vmem>>)
      tpu.yield
    }) : () -> ()
    "tpu.region"() ({
      %run_scoped3A_11 = tpu.sem_alloc : memref<!tpu.dma_semaphore, #tpu.memory_space<semaphore_mem>>
      %dma_start3A = arith.constant 0 : i32
      %dma_start3A_12 = tpu.memref_slice %arg4[%mul3A_2, %dma_start3A] : memref<8192x32xf32, #tpu.memory_space<hbm>> -> memref<256x32xf32, #tpu.memory_space<hbm>>
      %dma_start3A_13 = arith.constant 0 : i32
      %dma_start3A_14 = tpu.memref_slice %arg4[%mul3A_2, %dma_start3A_13] : memref<8192x32xf32, #tpu.memory_space<hbm>> -> memref<256x32xf32, #tpu.memory_space<hbm>>
      tpu.enqueue_dma source(%dma_start3A_14 : memref<256x32xf32, #tpu.memory_space<hbm>>) target(%arg9 : memref<256x32xf32, #tpu.memory_space<vmem>>) target_semaphore(%run_scoped3A_11 : memref<!tpu.dma_semaphore, #tpu.memory_space<semaphore_mem>>)
      %dma_wait3A = arith.constant 0 : i32
      %dma_wait3A_15 = tpu.memref_slice %arg4[%mul3A_2, %dma_wait3A] : memref<8192x32xf32, #tpu.memory_space<hbm>> -> memref<256x32xf32, #tpu.memory_space<hbm>>
      %dma_wait3A_16 = arith.constant 0 : i32
      %dma_wait3A_17 = tpu.memref_slice %arg4[%mul3A_2, %dma_wait3A_16] : memref<8192x32xf32, #tpu.memory_space<hbm>> -> memref<256x32xf32, #tpu.memory_space<hbm>>
      tpu.wait_dma2 semaphore(%run_scoped3A_11 : memref<!tpu.dma_semaphore, #tpu.memory_space<semaphore_mem>>) src(%dma_wait3A_17 : memref<256x32xf32, #tpu.memory_space<hbm>>) dst(%arg9 : memref<256x32xf32, #tpu.memory_space<vmem>>)
      tpu.yield
    }) : () -> ()
    "tpu.region"() ({
      %run_scoped3A_11 = tpu.sem_alloc : memref<!tpu.dma_semaphore, #tpu.memory_space<semaphore_mem>>
      %dma_start3A = arith.constant 0 : i32
      %dma_start3A_12 = tpu.memref_slice %arg5[%mul3A_2, %dma_start3A] : memref<8192x32xf32, #tpu.memory_space<hbm>> -> memref<256x32xf32, #tpu.memory_space<hbm>>
      %dma_start3A_13 = arith.constant 0 : i32
      %dma_start3A_14 = tpu.memref_slice %arg5[%mul3A_2, %dma_start3A_13] : memref<8192x32xf32, #tpu.memory_space<hbm>> -> memref<256x32xf32, #tpu.memory_space<hbm>>
      tpu.enqueue_dma source(%dma_start3A_14 : memref<256x32xf32, #tpu.memory_space<hbm>>) target(%arg10 : memref<256x32xf32, #tpu.memory_space<vmem>>) target_semaphore(%run_scoped3A_11 : memref<!tpu.dma_semaphore, #tpu.memory_space<semaphore_mem>>)
      %dma_wait3A = arith.constant 0 : i32
      %dma_wait3A_15 = tpu.memref_slice %arg5[%mul3A_2, %dma_wait3A] : memref<8192x32xf32, #tpu.memory_space<hbm>> -> memref<256x32xf32, #tpu.memory_space<hbm>>
      %dma_wait3A_16 = arith.constant 0 : i32
      %dma_wait3A_17 = tpu.memref_slice %arg5[%mul3A_2, %dma_wait3A_16] : memref<8192x32xf32, #tpu.memory_space<hbm>> -> memref<256x32xf32, #tpu.memory_space<hbm>>
      tpu.wait_dma2 semaphore(%run_scoped3A_11 : memref<!tpu.dma_semaphore, #tpu.memory_space<semaphore_mem>>) src(%dma_wait3A_17 : memref<256x32xf32, #tpu.memory_space<hbm>>) dst(%arg10 : memref<256x32xf32, #tpu.memory_space<vmem>>)
      tpu.yield
    }) : () -> ()
    %run_scoped3A = arith.constant 0 : i32
    "tpu.region"() ({
      %run_scoped3A_11 = tpu.sem_alloc : memref<!tpu.dma_semaphore, #tpu.memory_space<semaphore_mem>>
      %dma_start3A = arith.constant 0 : i32
      %dma_start3A_12 = arith.constant 0 : i32
      %dma_start3A_13 = tpu.memref_slice %arg8[%dma_start3A, %dma_start3A_12] : memref<256x128xf32, #tpu.memory_space<vmem>> -> memref<128x128xf32, #tpu.memory_space<vmem>>
      %dma_start3A_14 = arith.constant 0 : i32
      %dma_start3A_15 = tpu.memref_slice %arg7[%run_scoped3A, %dma_start3A_14] : memref<2x128xi32, #tpu.memory_space<vmem>> -> memref<1x128xi32, #tpu.memory_space<vmem>>
      %dma_start3A_16 = tpu.memref_squeeze %dma_start3A_15 : memref<1x128xi32, #tpu.memory_space<vmem>> -> memref<128xi32, #tpu.memory_space<vmem>>
      %dma_start3A_17 = arith.constant 0 : i32
      %dma_start3A_18 = arith.constant 0 : i32
      %dma_start3A_19 = tpu.memref_slice %arg2[%dma_start3A_17, %dma_start3A_18] : memref<8192x128xf32, #tpu.memory_space<hbm>> -> memref<8192x128xf32, #tpu.memory_space<hbm>>
      tpu.enqueue_indirect_dma source(%dma_start3A_19 : memref<8192x128xf32, #tpu.memory_space<hbm>>) target(%dma_start3A_13 : memref<128x128xf32, #tpu.memory_space<vmem>>) offsets(%dma_start3A_16 : memref<128xi32, #tpu.memory_space<vmem>>) semaphore(%run_scoped3A_11 : memref<!tpu.dma_semaphore, #tpu.memory_space<semaphore_mem>>)
      %dma_wait3A = arith.constant 0 : i32
      %dma_wait3A_20 = arith.constant 0 : i32
      %dma_wait3A_21 = tpu.memref_slice %arg8[%dma_wait3A, %dma_wait3A_20] : memref<256x128xf32, #tpu.memory_space<vmem>> -> memref<128x128xf32, #tpu.memory_space<vmem>>
      %dma_wait3A_22 = arith.constant 0 : i32
      %dma_wait3A_23 = tpu.memref_slice %arg7[%run_scoped3A, %dma_wait3A_22] : memref<2x128xi32, #tpu.memory_space<vmem>> -> memref<1x128xi32, #tpu.memory_space<vmem>>
      %dma_wait3A_24 = tpu.memref_squeeze %dma_wait3A_23 : memref<1x128xi32, #tpu.memory_space<vmem>> -> memref<128xi32, #tpu.memory_space<vmem>>
      %dma_wait3A_25 = arith.constant 0 : i32
      %dma_wait3A_26 = arith.constant 0 : i32
      %dma_wait3A_27 = tpu.memref_slice %arg2[%dma_wait3A_25, %dma_wait3A_26] : memref<8192x128xf32, #tpu.memory_space<hbm>> -> memref<8192x128xf32, #tpu.memory_space<hbm>>
      tpu.wait_indirect_dma semaphore(%run_scoped3A_11 : memref<!tpu.dma_semaphore, #tpu.memory_space<semaphore_mem>>) src(%dma_wait3A_27 : memref<8192x128xf32, #tpu.memory_space<hbm>>) dst(%dma_wait3A_21 : memref<128x128xf32, #tpu.memory_space<vmem>>)
      tpu.yield
    }) : () -> ()
    %run_scoped3A_5 = arith.constant 1 : i32
    "tpu.region"() ({
      %run_scoped3A_11 = tpu.sem_alloc : memref<!tpu.dma_semaphore, #tpu.memory_space<semaphore_mem>>
      %dma_start3A = arith.constant 128 : i32
      %dma_start3A_12 = arith.constant 0 : i32
      %dma_start3A_13 = tpu.memref_slice %arg8[%dma_start3A, %dma_start3A_12] : memref<256x128xf32, #tpu.memory_space<vmem>> -> memref<128x128xf32, #tpu.memory_space<vmem>>
      %dma_start3A_14 = arith.constant 0 : i32
      %dma_start3A_15 = tpu.memref_slice %arg7[%run_scoped3A_5, %dma_start3A_14] : memref<2x128xi32, #tpu.memory_space<vmem>> -> memref<1x128xi32, #tpu.memory_space<vmem>>
      %dma_start3A_16 = tpu.memref_squeeze %dma_start3A_15 : memref<1x128xi32, #tpu.memory_space<vmem>> -> memref<128xi32, #tpu.memory_space<vmem>>
      %dma_start3A_17 = arith.constant 0 : i32
      %dma_start3A_18 = arith.constant 0 : i32
      %dma_start3A_19 = tpu.memref_slice %arg2[%dma_start3A_17, %dma_start3A_18] : memref<8192x128xf32, #tpu.memory_space<hbm>> -> memref<8192x128xf32, #tpu.memory_space<hbm>>
      tpu.enqueue_indirect_dma source(%dma_start3A_19 : memref<8192x128xf32, #tpu.memory_space<hbm>>) target(%dma_start3A_13 : memref<128x128xf32, #tpu.memory_space<vmem>>) offsets(%dma_start3A_16 : memref<128xi32, #tpu.memory_space<vmem>>) semaphore(%run_scoped3A_11 : memref<!tpu.dma_semaphore, #tpu.memory_space<semaphore_mem>>)
      %dma_wait3A = arith.constant 128 : i32
      %dma_wait3A_20 = arith.constant 0 : i32
      %dma_wait3A_21 = tpu.memref_slice %arg8[%dma_wait3A, %dma_wait3A_20] : memref<256x128xf32, #tpu.memory_space<vmem>> -> memref<128x128xf32, #tpu.memory_space<vmem>>
      %dma_wait3A_22 = arith.constant 0 : i32
      %dma_wait3A_23 = tpu.memref_slice %arg7[%run_scoped3A_5, %dma_wait3A_22] : memref<2x128xi32, #tpu.memory_space<vmem>> -> memref<1x128xi32, #tpu.memory_space<vmem>>
      %dma_wait3A_24 = tpu.memref_squeeze %dma_wait3A_23 : memref<1x128xi32, #tpu.memory_space<vmem>> -> memref<128xi32, #tpu.memory_space<vmem>>
      %dma_wait3A_25 = arith.constant 0 : i32
      %dma_wait3A_26 = arith.constant 0 : i32
      %dma_wait3A_27 = tpu.memref_slice %arg2[%dma_wait3A_25, %dma_wait3A_26] : memref<8192x128xf32, #tpu.memory_space<hbm>> -> memref<8192x128xf32, #tpu.memory_space<hbm>>
      tpu.wait_indirect_dma semaphore(%run_scoped3A_11 : memref<!tpu.dma_semaphore, #tpu.memory_space<semaphore_mem>>) src(%dma_wait3A_27 : memref<8192x128xf32, #tpu.memory_space<hbm>>) dst(%dma_wait3A_21 : memref<128x128xf32, #tpu.memory_space<vmem>>)
      tpu.yield
    }) : () -> ()
    %scan3A = arith.constant 0 : i32
    %scan3A_6 = arith.constant 0 : i32
    %scan3A_7 = arith.constant 256 : i32
    %scan3A_8 = arith.addi %scan3A_6, %scan3A_7 : i32
    %scan3A_9 = arith.constant 1 : i32
    scf.for %scan3A_11 = %scan3A_6 to %scan3A_8 step %scan3A_9  : i32 {
      %get3A = arith.index_cast %scan3A_11 : i32 to index
      %get3A_12 = arith.constant 0 : index
      %get3A_13 = tpu.vector_load %arg9[%get3A, %get3A_12] {strides = array<i32>} : memref<256x32xf32, #tpu.memory_space<vmem>>, vector<1x16xf32>,
      %get3A_14 = vector.shape_cast %get3A_13 : vector<1x16xf32> to vector<16xf32>
      %get3A_15 = arith.index_cast %scan3A_11 : i32 to index
      %get3A_16 = arith.constant 0 : index
      %get3A_17 = tpu.vector_load %arg8[%get3A_15, %get3A_16] {strides = array<i32>} : memref<256x128xf32, #tpu.memory_space<vmem>>, vector<1x16xf32>,
      %get3A_18 = vector.shape_cast %get3A_17 : vector<1x16xf32> to vector<16xf32>
      %sub3A = arith.subf %get3A_14, %get3A_18 : vector<16xf32>
      %get3A_19 = arith.index_cast %scan3A_11 : i32 to index
      %get3A_20 = arith.constant 0 : index
      %get3A_21 = tpu.vector_load %arg10[%get3A_19, %get3A_20] {strides = array<i32>} : memref<256x32xf32, #tpu.memory_space<vmem>>, vector<1x16xf32>,
      %get3A_22 = vector.shape_cast %get3A_21 : vector<1x16xf32> to vector<16xf32>
      %sub3A_23 = arith.subf %get3A_22, %sub3A : vector<16xf32>
      %swap3A = arith.index_cast %scan3A_11 : i32 to index
      %swap3A_24 = arith.constant 0 : index
      %swap3A_25 = tpu.vector_load %arg9[%swap3A, %swap3A_24] {strides = array<i32>} : memref<256x32xf32, #tpu.memory_space<vmem>>, vector<1x16xf32>,
      %swap3A_26 = vector.shape_cast %swap3A_25 : vector<1x16xf32> to vector<16xf32>
      %swap3A_27 = vector.shape_cast %sub3A_23 : vector<16xf32> to vector<1x16xf32>
      tpu.vector_store %arg9[%swap3A, %swap3A_24], %swap3A_27 {strides = array<i32>} : memref<256x32xf32, #tpu.memory_space<vmem>>, vector<1x16xf32>,
      %get3A_28 = arith.index_cast %scan3A_11 : i32 to index
      %get3A_29 = arith.constant 16 : index
      %get3A_30 = tpu.vector_load %arg9[%get3A_28, %get3A_29] {strides = array<i32>} : memref<256x32xf32, #tpu.memory_space<vmem>>, vector<1x16xf32>,
      %get3A_31 = vector.shape_cast %get3A_30 : vector<1x16xf32> to vector<16xf32>
      %get3A_32 = arith.index_cast %scan3A_11 : i32 to index
      %get3A_33 = arith.constant 16 : index
      %get3A_34 = tpu.vector_load %arg8[%get3A_32, %get3A_33] {strides = array<i32>} : memref<256x128xf32, #tpu.memory_space<vmem>>, vector<1x16xf32>,
      %get3A_35 = vector.shape_cast %get3A_34 : vector<1x16xf32> to vector<16xf32>
      %sub3A_36 = arith.subf %get3A_31, %get3A_35 : vector<16xf32>
      %get3A_37 = arith.index_cast %scan3A_11 : i32 to index
      %get3A_38 = arith.constant 16 : index
      %get3A_39 = tpu.vector_load %arg10[%get3A_37, %get3A_38] {strides = array<i32>} : memref<256x32xf32, #tpu.memory_space<vmem>>, vector<1x16xf32>,
      %get3A_40 = vector.shape_cast %get3A_39 : vector<1x16xf32> to vector<16xf32>
      %sub3A_41 = arith.subf %get3A_40, %sub3A_36 : vector<16xf32>
      %swap3A_42 = arith.index_cast %scan3A_11 : i32 to index
      %swap3A_43 = arith.constant 16 : index
      %swap3A_44 = tpu.vector_load %arg9[%swap3A_42, %swap3A_43] {strides = array<i32>} : memref<256x32xf32, #tpu.memory_space<vmem>>, vector<1x16xf32>,
      %swap3A_45 = vector.shape_cast %swap3A_44 : vector<1x16xf32> to vector<16xf32>
      %swap3A_46 = vector.shape_cast %sub3A_41 : vector<16xf32> to vector<1x16xf32>
      tpu.vector_store %arg9[%swap3A_42, %swap3A_43], %swap3A_46 {strides = array<i32>} : memref<256x32xf32, #tpu.memory_space<vmem>>, vector<1x16xf32>,
    }
    %scan3A_10 = arith.constant 256 : i32
    "tpu.region"() ({
      %run_scoped3A_11 = tpu.sem_alloc : memref<!tpu.dma_semaphore, #tpu.memory_space<semaphore_mem>>
      %dma_start3A = arith.constant 0 : i32
      %dma_start3A_12 = tpu.memref_slice %arg6[%mul3A_2, %dma_start3A] : memref<8192x32xf32, #tpu.memory_space<hbm>> -> memref<256x32xf32, #tpu.memory_space<hbm>>
      %dma_start3A_13 = arith.constant 0 : i32
      %dma_start3A_14 = tpu.memref_slice %arg6[%mul3A_2, %dma_start3A_13] : memref<8192x32xf32, #tpu.memory_space<hbm>> -> memref<256x32xf32, #tpu.memory_space<hbm>>
      tpu.enqueue_dma source(%arg9 : memref<256x32xf32, #tpu.memory_space<vmem>>) target(%dma_start3A_14 : memref<256x32xf32, #tpu.memory_space<hbm>>) target_semaphore(%run_scoped3A_11 : memref<!tpu.dma_semaphore, #tpu.memory_space<semaphore_mem>>)
      %dma_wait3A = arith.constant 0 : i32
      %dma_wait3A_15 = tpu.memref_slice %arg6[%mul3A_2, %dma_wait3A] : memref<8192x32xf32, #tpu.memory_space<hbm>> -> memref<256x32xf32, #tpu.memory_space<hbm>>
      %dma_wait3A_16 = arith.constant 0 : i32
      %dma_wait3A_17 = tpu.memref_slice %arg6[%mul3A_2, %dma_wait3A_16] : memref<8192x32xf32, #tpu.memory_space<hbm>> -> memref<256x32xf32, #tpu.memory_space<hbm>>
      tpu.wait_dma2 semaphore(%run_scoped3A_11 : memref<!tpu.dma_semaphore, #tpu.memory_space<semaphore_mem>>) src(%arg9 : memref<256x32xf32, #tpu.memory_space<vmem>>) dst(%dma_wait3A_17 : memref<256x32xf32, #tpu.memory_space<hbm>>)
      tpu.yield
    }) : () -> ()
    return
  }
}

module attributes {stable_mosaic.version = 14 : i64} {
  func.func @_tc_body(%arg0: i32, %arg1: memref<1024x32xf32, #tpu.memory_space<vmem>>, %arg2: memref<32x8192xf32, #tpu.memory_space<vmem>>, %arg3: memref<1x8192xf32, #tpu.memory_space<vmem>>, %arg4: memref<1x1024x1xf32, #tpu.memory_space<vmem>>, %arg5: memref<1x1024x1xi32, #tpu.memory_space<vmem>>, %arg6: memref<1x1x1xf32, #tpu.memory_space<vmem>>) attributes {dimension_semantics = [#tpu.dimension_semantics<arbitrary>], iteration_bounds = array<i64: 8>, scalar_prefetch = 0 : i64, scratch_operands = 0 : i64, tpu.core_type = #tpu.core_type<tc>, window_params = [{transform_indices = @transform_0, window_bounds = array<i64: 1024, 32>}, {pipeline_mode = #tpu.pipeline_mode<synchronous>, transform_indices = @transform_1, window_bounds = array<i64: 32, 8192>}, {pipeline_mode = #tpu.pipeline_mode<synchronous>, transform_indices = @transform_2, window_bounds = array<i64: 1, 8192>}, {transform_indices = @transform_3, window_bounds = array<i64: 1, 1024, 1>}, {transform_indices = @transform_4, window_bounds = array<i64: 1, 1024, 1>}, {transform_indices = @transform_5, window_bounds = array<i64: 1, 1, 1>}]} {
    %get3A = arith.constant 0 : index
    %get3A_0 = arith.constant 0 : index
    %get3A_1 = vector.load %arg1[%get3A, %get3A_0] : memref<1024x32xf32, #tpu.memory_space<vmem>>, vector<1024x32xf32>
    %get3A_2 = arith.constant 0 : index
    %get3A_3 = arith.constant 0 : index
    %get3A_4 = vector.load %arg2[%get3A_2, %get3A_3] : memref<32x8192xf32, #tpu.memory_space<vmem>>, vector<32x8192xf32>
    %dot_general3A = arith.constant dense<0.000000e+00> : vector<1024x8192xf32>
    %dot_general3A_5 = tpu.matmul %get3A_1, %get3A_4, %dot_general3A {dimension_numbers = #tpu.dot_dimension_numbers<[1], [0], [0], [1], [0, 0, 1, 1], [], []>, transpose_lhs_hint = false} : vector<1024x32xf32>, vector<32x8192xf32>, vector<1024x8192xf32> -> vector<1024x8192xf32>
    %get3A_6 = arith.constant 0 : index
    %get3A_7 = arith.constant 0 : index
    %get3A_8 = arith.constant 0 : index
    %get3A_9 = vector.load %arg4[%get3A_6, %get3A_7, %get3A_8] : memref<1x1024x1xf32, #tpu.memory_space<vmem>>, vector<1x1024x1xf32>
    %get3A_10 = vector.shape_cast %get3A_9 : vector<1x1024x1xf32> to vector<1024x1xf32>
    %get3A_11 = arith.constant 0 : index
    %get3A_12 = arith.constant 0 : index
    %get3A_13 = vector.load %arg3[%get3A_11, %get3A_12] : memref<1x8192xf32, #tpu.memory_space<vmem>>, vector<1x8192xf32>
    %add3A = vector.broadcast %get3A_10 : vector<1024x1xf32> to vector<1024x8192xf32>
    %add3A_14 = vector.broadcast %get3A_13 : vector<1x8192xf32> to vector<1024x8192xf32>
    %add3A_15 = arith.addf %add3A, %add3A_14 : vector<1024x8192xf32>
    %sub3A = arith.subf %add3A_15, %dot_general3A_5 : vector<1024x8192xf32>
    %reduce_min3A = arith.constant dense<0x7F800000> : vector<1024xf32>
    %reduce_min3A_16 = vector.multi_reduction <minimumf>, %sub3A, %reduce_min3A [1] : vector<1024x8192xf32> to vector<1024xf32>
    %broadcast_in_dim3A = vector.shape_cast %reduce_min3A_16 : vector<1024xf32> to vector<1024x1xf32>
    %iota3A = tpu.iota {dimensions = array<i32: 1>} : vector<1024x8192xi32>
    %eq3A = vector.broadcast %broadcast_in_dim3A : vector<1024x1xf32> to vector<1024x8192xf32>
    %eq3A_17 = arith.cmpf oeq, %sub3A, %eq3A : vector<1024x8192xf32>
    %jit3A = arith.constant 8192 : i32
    %broadcast_in_dim3A_18 = vector.broadcast %jit3A : i32 to vector<1024x8192xi32>
    %select_n3A = arith.select %eq3A_17, %iota3A, %broadcast_in_dim3A_18 : vector<1024x8192xi1>, vector<1024x8192xi32>
    %reduce_min3A_19 = arith.constant dense<2147483647> : vector<1024xi32>
    %reduce_min3A_20 = vector.multi_reduction <minsi>, %select_n3A, %reduce_min3A_19 [1] : vector<1024x8192xi32> to vector<1024xi32>
    %broadcast_in_dim3A_21 = vector.shape_cast %reduce_min3A_20 : vector<1024xi32> to vector<1024x1xi32>
    %swap3A = arith.constant 0 : index
    %swap3A_22 = arith.constant 0 : index
    %swap3A_23 = arith.constant 0 : index
    %swap3A_24 = vector.load %arg5[%swap3A, %swap3A_22, %swap3A_23] : memref<1x1024x1xi32, #tpu.memory_space<vmem>>, vector<1x1024x1xi32>
    %swap3A_25 = vector.shape_cast %swap3A_24 : vector<1x1024x1xi32> to vector<1024x1xi32>
    %swap3A_26 = vector.shape_cast %broadcast_in_dim3A_21 : vector<1024x1xi32> to vector<1x1024x1xi32>
    tpu.vector_store %arg5[%swap3A, %swap3A_22, %swap3A_23], %swap3A_26 {strides = array<i32>} : memref<1x1024x1xi32, #tpu.memory_space<vmem>>, vector<1x1024x1xi32>,
    %reduce_sum3A = vector.shape_cast %broadcast_in_dim3A : vector<1024x1xf32> to vector<1x1024x1xf32>
    %reduce_sum3A_27 = arith.constant dense<0.000000e+00> : vector<1xf32>
    %reduce_sum3A_28 = vector.multi_reduction <add>, %reduce_sum3A, %reduce_sum3A_27 [1, 2] : vector<1x1024x1xf32> to vector<1xf32>
    %reduce_sum3A_29 = vector.shape_cast %reduce_sum3A_28 : vector<1xf32> to vector<1x1x1xf32>
    %reduce_sum3A_30 = vector.extract %reduce_sum3A_29[0, 0, 0] : f32 from vector<1x1x1xf32>
    %broadcast_in_dim3A_31 = vector.broadcast %reduce_sum3A_30 : f32 to vector<1x1xf32>
    %swap3A_32 = arith.constant 0 : index
    %swap3A_33 = arith.constant 0 : index
    %swap3A_34 = arith.constant 0 : index
    %swap3A_35 = vector.load %arg6[%swap3A_32, %swap3A_33, %swap3A_34] : memref<1x1x1xf32, #tpu.memory_space<vmem>>, vector<1x1x1xf32>
    %swap3A_36 = vector.shape_cast %swap3A_35 : vector<1x1x1xf32> to vector<1x1xf32>
    %swap3A_37 = vector.shape_cast %broadcast_in_dim3A_31 : vector<1x1xf32> to vector<1x1x1xf32>
    tpu.vector_store %arg6[%swap3A_32, %swap3A_33, %swap3A_34], %swap3A_37 {strides = array<i32>} : memref<1x1x1xf32, #tpu.memory_space<vmem>>, vector<1x1x1xf32>,
    return
  }
  func.func @transform_0(%arg0: i32) -> (i32, i32) {
    %c0_i32 = arith.constant 0 : i32
    %c0_i32_0 = arith.constant 0 : i32
    return %arg0, %c0_i32 : i32, i32
  }
  func.func @transform_1(%arg0: i32) -> (i32, i32) {
    %c0_i32 = arith.constant 0 : i32
    %c0_i32_0 = arith.constant 0 : i32
    %c0_i32_1 = arith.constant 0 : i32
    return %c0_i32, %c0_i32_0 : i32, i32
  }
  func.func @transform_2(%arg0: i32) -> (i32, i32) {
    %c0_i32 = arith.constant 0 : i32
    %c0_i32_0 = arith.constant 0 : i32
    %c0_i32_1 = arith.constant 0 : i32
    return %c0_i32, %c0_i32_0 : i32, i32
  }
  func.func @transform_3(%arg0: i32) -> (i32, i32, i32) {
    %c0_i32 = arith.constant 0 : i32
    %c0_i32_0 = arith.constant 0 : i32
    %c0_i32_1 = arith.constant 0 : i32
    return %arg0, %c0_i32, %c0_i32_0 : i32, i32, i32
  }
  func.func @transform_4(%arg0: i32) -> (i32, i32, i32) {
    %c0_i32 = arith.constant 0 : i32
    %c0_i32_0 = arith.constant 0 : i32
    %c0_i32_1 = arith.constant 0 : i32
    return %arg0, %c0_i32, %c0_i32_0 : i32, i32, i32
  }
  func.func @transform_5(%arg0: i32) -> (i32, i32, i32) {
    %c0_i32 = arith.constant 0 : i32
    %c0_i32_0 = arith.constant 0 : i32
    %c0_i32_1 = arith.constant 0 : i32
    return %arg0, %c0_i32, %c0_i32_0 : i32, i32, i32
  }
}

</mosaic_0001>

<sc_bundles>
// kernel: kernel.18.cloned.1.call-start
scs
__scs_entry_jumppad:
0x0: {  	(pc) =	sbr.rel $0x88, $3  }
0x1: {  	(tag) =	ssettag $0x0;
	lr =	simm.s32 $0x1  }
0x2: {  	[smem:$0x3F9F] =	sst lr;
	_ =	strace $0xD0000000  }
0x3: {  	_ = 	snop  }
0x4: {  	_ = 	snop  }
0x5: {  	_ = 	snop  }
0x6: {  	_ = 	snop  }
0x7: {  	_ = 	snop  }
__scs_overlays_trampoline_lowered:
0x8: {  	[smem:$0x3FAE] =	sst s0  }
0x9: {  	[smem:$0x3FAF] =	sst s1  }
0xa: {  	[smem:$0x3FB0] =	sst s2  }
0xb: {  	[smem:$0x3FB1] =	sst s3  }
0xc: {  	[smem:$0x3FB2] =	sst s4  }
0xd: {  	[smem:$0x3FB3] =	sst s5  }
0xe: {  	[smem:$0x3FB4] =	sst s6  }
0xf: {  	[smem:$0x3FB5] =	sst s7  }
0x10: {  	[smem:$0x3FB6] =	sst s8  }
0x11: {  	[smem:$0x3FB7] =	sst s9;
	s0 =	simm.s32 @!p0 $0x0  }
0x12: {  	s1 =	sld [smem:$0x3F9D];
	s0 =	simm.s32 @p0 $0x1  }
0x13: {  	[smem:$0x3FB8] =	sst s0;
	s0 =	simm.s32 @!p1 $0x0  }
0x14: {  	s2 =	sld [smem:$0x3F9C];
	s0 =	simm.s32 @p1 $0x1  }
0x15: {  	[smem:$0x3FB9] =	sst s0;
	s0 =	simm.s32 @!p2 $0x0  }
0x16: {  	s3 =	sld [smem:$0x3FDB];
	s0 =	simm.s32 @p2 $0x1  }
0x17: {  	s4 =	simm.s32 $0x1BF5;
	[smem:$0x3FBB] =	sst s0  }
0x18: {  	s0 =	sld [smem:$0x3F9E];
	_ =	swait.ge [sflag:s4], $0x0  }
0x19: {  	s7 =	sld [smem:$0x3F9F]  }
0x1a: {  	s8 =	sadd.s32 $0xFFFFE003, lr  }
0x1b: {  	s9 =	sadd.s32 $0xFFFFFEF7, lr;
	s5 =	simm.s32 $0xFFFFFFFF;
	p2 =	slt.u32 s8, $0xFFFFF086  }
0x1c: {  	p1 =	slt.u32 s9, $0xF7A;
	s5 =	simm.s32 @!p2 $0x0  }
0x1d: {  	s5 =	simm.s32 @p1 $0x1;
	p0 =	seq.s32 s7, s2  }
0x1e: {  	s7 =	smul.u32 @!p0 $0xF7A, s2;
	p2 =	seq.s32 @!p0 s5, $0x0  }
0x1f: {  	s9 =	smul.u32 $0xF7A, s1;
	s8 =	simm.s32 @!p0 $0x1BF5;
	p2 =	por !p2, p0  }
0x20: {  	[sflag:s8] =	ssyncset.s32 @!p0 $0xFFFFF086;
	s6 =	sadd.s32 @!p0 s3, s7;
	s7 =	simm.s32 @!p0 $0x108  }
0x21: {  	s3 =	sadd.s32 s3, s9;
	s6 =	sadd.s32 @!p0 $0x88, s6;
	s7 =	simm.s32 @p2 $0x1082  }
0x22: {  	[simem:s7], [sflag:s8] =	dma.local @!p0 [hbm:s6], $0xF7A  }
0x23: {  	s9 =	sor.u32 $0xD0000000, s2;
	s6 =	simm.s32 $0x108;
	_ =	swait.ge @!p0 [sflag:s8], $0x0  }
0x24: {  	s3 =	sadd.s32 $0x88, s3;
	s6 =	simm.s32 @!p1 $0x1082;
	[sflag:s4] =	ssyncset.s32 $0xFFFFF086  }
0x25: {  	[simem:s6], [sflag:s4] =	dma.local [hbm:s3], $0xF7A  }
0x26: {  	[smem:$0x3F9F] =	sst s1;
	(tag) =	ssettag s2;
	_ =	strace s9  }
0x27: {  	s1 =	sld [smem:$0x3FAF]  }
0x28: {  	s2 =	sld [smem:$0x3FB0]  }
0x29: {  	s4 =	sld [smem:$0x3FB2]  }
0x2a: {  	p0 =	seq.s32 s5, $0x0;
	s5 =	sld [smem:$0x3FB3]  }
0x2b: {  	s6 =	sld [smem:$0x3FB4]  }
0x2c: {  	s7 =	sld [smem:$0x3FB5]  }
0x2d: {  	s3 =	simm.s32 $0x108;
	s8 =	sld [smem:$0x3FB6]  }
0x2e: {  	s3 =	simm.s32 @!p0 $0x1082;
	s9 =	sld [smem:$0x3FB7]  }
0x2f: {  	lr =	sadd.s32 s0, s3;
	s0 =	sld [smem:$0x3FAE]  }
0x30: {  	s3 =	sld [smem:$0x3FB1]  }
0x31: {  	[smem:$0x3FBA] =	sst s10  }
0x32: {  	s10 =	sld [smem:$0x3FB8];
	_ =	sdelay $0x3  }
0x33: {  	p0 =	seq.s32 s10, $0x1;
	s10 =	sld [smem:$0x3FBA];
	_ =	sdelay $0x3  }
0x34: {  	[smem:$0x3FBA] =	sst s10  }
0x35: {  	s10 =	sld [smem:$0x3FB9];
	_ =	sdelay $0x3  }
0x36: {  	p1 =	seq.s32 s10, $0x1;
	s10 =	sld [smem:$0x3FBA];
	_ =	sdelay $0x3  }
0x37: {  	[smem:$0x3FBA] =	sst s10  }
0x38: {  	s10 =	sld [smem:$0x3FBB]  }
0x39: {  	_ = 	snop;
	(pc) =	sbr.ind lr, $3  }
0x3a: {  	_ = 	snop  }
0x3b: {  	_ = 	snop  }
0x3c: {  	p2 =	seq.s32 s10, $0x1;
	s10 =	sld [smem:$0x3FBA]  }
0x3d: {  	_ =	shalt  }
0x3e: {  	_ =	shalt  }
0x3f: {  	_ =	shalt  }
0x40: {  	_ =	shalt  }
0x41: {  	_ =	shalt  }
0x42: {  	_ =	shalt  }
0x43: {  	_ =	shalt  }
0x44: {  	_ =	shalt  }
0x45: {  	_ =	shalt  }
0x46: {  	_ =	shalt  }
0x47: {  	_ =	shalt  }
0x48: {  	_ =	shalt  }
0x49: {  	_ =	shalt  }
0x4a: {  	_ =	shalt  }
0x4b: {  	_ =	shalt  }
0x4c: {  	_ =	shalt  }
0x4d: {  	_ =	shalt  }
0x4e: {  	_ =	shalt  }
0x4f: {  	_ =	shalt  }
0x50: {  	_ =	shalt  }
0x51: {  	_ =	shalt  }
0x52: {  	_ =	shalt  }
0x53: {  	_ =	shalt  }
0x54: {  	_ =	shalt  }
0x55: {  	_ =	shalt  }
0x56: {  	_ =	shalt  }
0x57: {  	_ =	shalt  }
0x58: {  	_ =	shalt  }
0x59: {  	_ =	shalt  }
0x5a: {  	_ =	shalt  }
0x5b: {  	_ =	shalt  }
0x5c: {  	_ =	shalt  }
0x5d: {  	_ =	shalt  }
0x5e: {  	_ =	shalt  }
0x5f: {  	_ =	shalt  }
0x60: {  	_ =	shalt  }
0x61: {  	_ =	shalt  }
0x62: {  	_ =	shalt  }
0x63: {  	_ =	shalt  }
0x64: {  	_ =	shalt  }
0x65: {  	_ =	shalt  }
0x66: {  	_ =	shalt  }
0x67: {  	_ =	shalt  }
0x68: {  	_ =	shalt  }
0x69: {  	_ =	shalt  }
0x6a: {  	_ =	shalt  }
0x6b: {  	_ =	shalt  }
0x6c: {  	_ =	shalt  }
0x6d: {  	_ =	shalt  }
0x6e: {  	_ =	shalt  }
0x6f: {  	_ =	shalt  }
0x70: {  	_ =	shalt  }
0x71: {  	_ =	shalt  }
0x72: {  	_ =	shalt  }
0x73: {  	_ =	shalt  }
0x74: {  	_ =	shalt  }
0x75: {  	_ =	shalt  }
0x76: {  	_ =	shalt  }
0x77: {  	_ =	shalt  }
0x78: {  	_ =	shalt  }
0x79: {  	_ =	shalt  }
0x7a: {  	_ =	shalt  }
0x7b: {  	_ =	shalt  }
0x7c: {  	_ =	shalt  }
0x7d: {  	_ =	shalt  }
0x7e: {  	_ =	shalt  }
0x7f: {  	_ =	shalt  }
0x80: {  	_ =	shalt  }
0x81: {  	_ =	shalt  }
0x82: {  	_ =	shalt  }
0x83: {  	_ =	shalt  }
0x84: {  	_ =	shalt  }
0x85: {  	_ =	shalt  }
0x86: {  	_ =	shalt  }
0x87: {  	_ =	shalt  }
.Lfunc_end0:
.L_simem_size_0:
called_computation_lowered:
.L_overlay_start_0:
0x88: {  	s2 =	sld [smem:$0x3FD9]  }
0x89: {  	s3 =	sld [smem:$0x3FFE];
	_ =	sdelay $0x1  }
0x8a: {  	s1 =	srdreg.scid  }
0x8b: {  	s0 =	sand.u32 $0x1, s1  }
0x8c: {  	s14 =	sshll.u32 s0, $0xA;
	s2 =	sadd.s32 s3, s2  }
0x8d: {  	s2 =	sadd.s32 s2, s14  }
0x8e: {  	[smem:$0x3FC6] =	sst s2  }
0x8f: {  	_ = 	snop  }
0x90: {  	s2 =	sld [smem:$0x3FD0];
	_ =	sdelay $0x2  }
0x91: {  	s15 =	simm.s32 $0xA;
	s4 =	simm.s32 $0x10  }
0x92: {  	[smem:s4], [sflag:s15] =	dma.local [hbm:s2], $0x1  }
0x93: {  	_ =	swait.eq [sflag:s15], $0x1  }
0x94: {  	[sflag:s15] =	ssyncset.done $0x0  }
0x95: {  	[sflag:s15] =	ssyncadd.s32 $0xFFFFFFFF  }
0x96: {  	s16 =	sld [smem:$0x12];
	(tm) =	ssettm $0x1  }
0x97: {  	s17 =	sld [smem:$0x3FFB];
	_ =	sdelay $0x3  }
0x98: {  	_ =	strace s17  }
0x99: {  	s3 =	sld [smem:$0x3FFC];
	_ =	sdelay $0x3  }
0x9a: {  	_ =	strace s3  }
0x9b: {  	s3 =	sld [smem:$0x3FFD];
	_ =	sdelay $0x3  }
0x9c: {  	_ =	strace s3  }
0x9d: {  	_ =	strace $0x8FFFFFFF  }
0x9e: {  	s18 =	sld [smem:$0x3FDB];
	_ =	sdelay $0x1  }
0x9f: {  	s19 =	simm.s32 $_scs_section_size  }
0xa0: {  	s5 =	simm.s32 $_size__tile_overlayer_lowered;
	s6 =	simm.s32 $_tile_overlayer_lowered  }
0xa1: {  	s22 =	simm.s32 $0x1BFF;
	s21 =	sshll.u32 s6, $0x1;
	s3 =	sadd.s32 s19, s18  }
0xa2: {  	s7 =	simm.s32 $0x0;
	s20 =	sshll.u32 s5, $0x1;
	s5 =	sadd.s32 s21, s3  }
0xa3: {  	[timem:s7], [sflag:s22] =	dma.local [hbm:s5], s20  }
0xa4: {  	_ =	swait.ge [sflag:s22], s20  }
0xa5: {  	s4 =	ssub.s32 $0x0, s20;
	[sflag:s22] =	ssyncset.done $0x0  }
0xa6: {  	[sflag:s22] =	ssyncadd.s32 s4;
	_ =	sdelay $0x1  }
0xa7: {  	s23 =	simm.s32 $0x1B8B  }
0xa8: {  	_ =	swait.ge [sflag:s23], $0x1  }
0xa9: {  	[sflag:s23] =	ssyncset.done $0x0  }
0xaa: {  	s25 =	simm.s32 $0x1B8E;
	s24 =	sld [smem:$0x3FFE];
	[sflag:s23] =	ssyncadd.s32 $0xFFFFFFFF  }
0xab: {  	s26 =	simm.s32 $execute0_lowered;
	[smem:$0x3FD2] =	sst s25  }
0xac: {  	s5 =	sshll.u32 s26, $0x1;
	_ =	strace $0x80000046;
	[dreg:$0x1] =	wrdreg $0xFFFFFFFF  }
0xad: {  	s28 =	simm.s32 $_size_execute0_lowered;
	s3 =	sadd.s32 s3, s5;
	[dreg:$0x0] =	wrdreg $0x0  }
0xae: {  	s5 =	sshll.u32 s28, $0x1;
	[dreg:$0x2] =	wrdreg s3  }
0xaf: {  	[dreg:$0x3] =	wrdreg s5  }
0xb0: {  	[dreg:$0x4] =	wrdreg $0xC0  }
0xb1: {  	_ =	task [dreg:s7], $0x5FFFF  }
0xb2: {  	[dreg:$0x1] =	wrdreg $0xFFFFFFFF  }
0xb3: {  	[dreg:$0x0] =	wrdreg $0x60  }
0xb4: {  	[dreg:$0x2] =	wrdreg s24  }
0xb5: {  	[dreg:$0x3] =	wrdreg s16  }
0xb6: {  	[dreg:$0x4] =	wrdreg $0x9  }
0xb7: {  	_ =	task.clear_ibuf [dreg:s7], $0x5FFFF;
	_ =	strace $0x90000046  }
0xb8: {  	s29 =	simm.s32 $0x9;
	_ =	strace $0x80000048  }
0xb9: {  	_ =	swait.ge [sflag:s29], $0x1  }
0xba: {  	[sflag:s29] =	ssyncadd.s32 $0xFFFFFFFF  }
0xbb: {  	_ =	strace $0x90000048  }
0xbc: {  	_ =	sfence  }
0xbd: {  	s30 =	sld [smem:$0x0];
	_ =	sdelay $0x2  }
0xbe: {  	s31 =	sshll.u32 s1, $0xD;
	s1 =	sshrl.u32 s1, $0x2  }
0xbf: {  	s3 =	sand.u32 $0x4000, s31;
	s1 =	sadd.s32 s1, s30  }
0xc0: {  	s0 =	sor.u32 s3, s0;
	s1 =	sshll.u32 s1, $0x11  }
0xc1: {  	s0 =	sor.u32 s1, s0  }
0xc2: {  	s0 =	sadd.s32 $0x8F2B, s0  }
0xc3: {  	[sflag:s0] =	ssyncadd.remote.s32 $0x1  }
0xc4: {  	_ =	sfence.sel $0xFFFF  }
0xc5: {  	[dreg:$0x0] =	wrdreg $0xFFFFFFFF;
	(pc) =	sbr.abs _section_cstart, $3  }
0xc6: {  	[dreg:$0x1] =	wrdreg $0xFFFFFFFF  }
0xc7: {  	_ =	task.clear_ibuf [dreg:s7], $0x2FFFF;
	_ =	strace $0x9FFFFFFF  }
0xc8: {  	(tm) =	ssettm $0x7FFFFFFF  }
0xc9: {  	_ =	shalt  }
tec
execute0_lowered:
.L_overlay_start_1:
0x0: {  	(tag) =	ssettag $0x1  }
0x1: {  	s4 =	rddreg [dreg:$0x0]  }
0x2: {  	s5 =	rddreg [dreg:$0x1]  }
0x3: {  	s0 =	rddreg [dreg:$0x2]  }
0x4: {  	s2 =	simm.s32 $0x0;
	s3 =	srdreg.scid;
	s1 =	stileid.u32  }
0x5: {  	s10 =	simm.s32 $0x80;
	s11 =	simm.s32 $0x100;
	s12 =	simm.s32 $0x4100  }
0x6: {  	s13 =	simm.s32 $0x0;
	[smem:$0x7FF] =	sst s2;
	s3 =	sand.u32 $0x1, s3  }
0x7: {  	s6 =	sshll.u32 s1, $0x1;
	_ =	strace $0x80000047;
	s7 =	ssub.s32 $0x2, s3  }
0x8: {  	s6 =	sor.u32 s3, s6;
	s3 =	sadd.s32 $0x120000, s4;
	s8 =	sshrl.u32 s7, $0x1  }
0x9: {  	s9 =	sshll.u32 s6, $0xC;
	s6 =	sshll.u32 s6, $0x5;
	s7 =	ssub.s32 s7, s8  }
0xa: {  	s4 =	sadd.s32 s4, s9;
	s5 =	sadd.s32 s5, s6;
	s8 =	simm.s32 $0x1  }
0xb: {  	s9 =	simm.s32 $0x8100;
	s6 =	sadd.s32 $0x100000, s4;
	s7 =	smax.u32 s7, $0x1  }
.LBB2_1:
0xc: {  	[tilespmem:s2], [sflag:$0x1] =	stream.linear.gather [hbm4b:s5+s2], $0x100, $0x38;
	[tilespmem:$0x10100] =	vst v63  }
0xd: {  	_ =	swait.ge [sflag:s8], $0x100  }
0xe: {  	[sflag:s8] =	ssyncset.done $0x0  }
0xf: {  	[sflag:s8] =	ssyncadd.s32 $0xFFFFFF00  }
0x10: {  	[tilespmem:s9], [sflag:$0x1] =	stream.linear.gather [hbm4b:s6+s2], $0x8000, $0x38;
	[tilespmem:$0x10100] =	vst v63  }
0x11: {  	_ =	swait.ge [sflag:s8], $0x8000  }
0x12: {  	[sflag:s8] =	ssyncset.done $0x0  }
0x13: {  	[sflag:s8] =	ssyncadd.s32 $0xFFFF8000  }
0x14: {  	[tilespmem:s11], [sflag:$0x1] =	stream.indirect.gather [hbm4b:s3+s10], $0x80, s2, s10, $0xb8;
	[tilespmem:$0x10100] =	vst v63  }
0x15: {  	_ =	swait.ge [sflag:s8], $0x4000  }
0x16: {  	[sflag:s8] =	ssyncset.done $0x0  }
0x17: {  	[sflag:s8] =	ssyncadd.s32 $0xFFFFC000  }
0x18: {  	[tilespmem:s12], [sflag:$0x1] =	stream.indirect.gather [hbm4b:s3+s10], $0x80, s10, s10, $0xb8;
	[tilespmem:$0x10100] =	vst v63  }
0x19: {  	_ =	swait.ge [sflag:s8], $0x4000  }
0x1a: {  	[sflag:s8] =	ssyncset.done $0x0  }
0x1b: {  	s14 =	simm.s32 $0x0;
	[sflag:s8] =	ssyncadd.s32 $0xFFFFC000  }
0x1c: {  	v0 =	vld [tilespmem:s14+$0x100]  }
0x1d: {  	v1 =	vld [tilespmem:s14+$0x110]  }
0x1e: {  	s15 =	simm.s32 $0x200;
	v2 =	vld [tilespmem:s14+$0x8100]  }
.LBB2_2:
0x1f: {  	p0 =	sne.s32 s15, $0x1FE00;
	v3 =	vld [tilespmem:s14+$0x8110];
	_ =	sdelay $0x2  }
.Ltmp0:
0x20: {  	(pc) =	sbr.rel @p0 .LBB2_2-.Ltmp0, $4  }
0x21: {  	s16 =	sshra.s32 s15, $0x2;
	v2 =	vsub.f32 v2, v0  }
0x22: {  	v0 =	vld [tilespmem:s16+$0x100];
	v3 =	vsub.f32 v3, v1  }
0x23: {  	v1 =	vld [tilespmem:s16+$0x110];
	[tilespmem:s14+$0x8100] =	vst v2  }
0x24: {  	s15 =	sadd.s32 $0x200, s15;
	v2 =	vld [tilespmem:s16+$0x8100];
	[tilespmem:s14+$0x8110] =	vst v3;
	s14 =	smov.u32 s16  }
0x25: {  	v3 =	vld [tilespmem:s14+$0x8110];
	_ =	sdelay $0x3  }
0x26: {  	v0 =	vsub.f32 v2, v0  }
0x27: {  	s13 =	sadd.s32 $0x1, s13;
	v1 =	vsub.f32 v3, v1  }
0x28: {  	p0 =	sne.s32 s13, s7;
	[tilespmem:s14+$0x8100] =	vst v0  }
.Ltmp1:
0x29: {  	[tilespmem:s14+$0x8110] =	vst v1;
	(pc) =	sbr.rel @p0 .LBB2_1-.Ltmp1, $4  }
0x2a: {  	[hbm4b:s4+s2] =	stream.linear.scatter [tilespmem:s9], [sflag:$0x1], $0x8000, $0x38;
	[tilespmem:$0x10100] =	vst v63  }
0x2b: {  	_ =	swait.ge [sflag:s8], $0x8000  }
0x2c: {  	[sflag:s8] =	ssyncset.done $0x0  }
0x2d: {  	[sflag:s8] =	ssyncadd.s32 $0xFFFF8000  }
0x2e: {  	_ =	sfence.sel $0x180000  }
0x2f: {  	[bflag:$0x0] =	sbarrier.arrive $0xFFFF  }
0x30: {  	p0 =	sne.s32 s1, $0x0;
	_ =	strace $0x90000047  }
0x31: {  	s0 =	sadd.s32 @!p0 $0x100000, s0;
	[bflag:$0x2] =	sbarrier.arrive $0xFFFF  }
0x32: {  	[sflag:s0] =	ssyncadd.tile.s32 @!p0 $0x1;
	_ =	shalt  }
.Lfunc_end2:
_tile_overlayer_lowered:
.L_overlay_start_2:
0x33: {  	(tag) =	ssettag $0x2  }
0x34: {  	s0 =	rddreg [dreg:$0x0];
	s2 =	stileid.u32  }
0x35: {  	s1 =	rddreg [dreg:$0x1];
	p0 =	sne.s32 s2, $0x0  }
0x36: {  	s3 =	rddreg [dreg:$0x2];
	[bflag:$0x3] =	sbarrier.arrive $0xFFFF;
	s2 =	simm.s32 @!p0 $0x1C01  }
0x37: {  	[timem:s3], [sflag:s2] =	dma.local @!p0 [hbm:s0], s1  }
0x38: {  	s0 =	simm.s32 @!p0 $0x1  }
0x39: {  	_ =	swait.ge @!p0 [sflag:s0], s1  }
0x3a: {  	s1 =	ssub.s32 @!p0 $0x0, s1;
	[sflag:s0] =	ssyncset.done @!p0 $0x0  }
0x3b: {  	[sflag:s0] =	ssyncadd.s32 @!p0 s1  }
0x3c: {  	[bflag:$0x3] =	sbarrier.arrive $0xFFFF  }
0x3d: {  	_ =	shalt  }

// kernel: kernel.21.cloned.1.call-start
scs
__scs_entry_jumppad:
0x0: {  	(pc) =	sbr.rel $0x88, $3  }
0x1: {  	(tag) =	ssettag $0x0;
	lr =	simm.s32 $0x1  }
0x2: {  	[smem:$0x3F9F] =	sst lr;
	_ =	strace $0xD0000000  }
0x3: {  	_ = 	snop  }
0x4: {  	_ = 	snop  }
0x5: {  	_ = 	snop  }
0x6: {  	_ = 	snop  }
0x7: {  	_ = 	snop  }
__scs_overlays_trampoline_lowered:
0x8: {  	[smem:$0x3FAE] =	sst s0  }
0x9: {  	[smem:$0x3FAF] =	sst s1  }
0xa: {  	[smem:$0x3FB0] =	sst s2  }
0xb: {  	[smem:$0x3FB1] =	sst s3  }
0xc: {  	[smem:$0x3FB2] =	sst s4  }
0xd: {  	[smem:$0x3FB3] =	sst s5  }
0xe: {  	[smem:$0x3FB4] =	sst s6  }
0xf: {  	[smem:$0x3FB5] =	sst s7  }
0x10: {  	[smem:$0x3FB6] =	sst s8  }
0x11: {  	[smem:$0x3FB7] =	sst s9;
	s0 =	simm.s32 @!p0 $0x0  }
0x12: {  	s1 =	sld [smem:$0x3F9D];
	s0 =	simm.s32 @p0 $0x1  }
0x13: {  	[smem:$0x3FB8] =	sst s0;
	s0 =	simm.s32 @!p1 $0x0  }
0x14: {  	s2 =	sld [smem:$0x3F9C];
	s0 =	simm.s32 @p1 $0x1  }
0x15: {  	[smem:$0x3FB9] =	sst s0;
	s0 =	simm.s32 @!p2 $0x0  }
0x16: {  	s3 =	sld [smem:$0x3FDB];
	s0 =	simm.s32 @p2 $0x1  }
0x17: {  	s4 =	simm.s32 $0x1BF5;
	[smem:$0x3FBB] =	sst s0  }
0x18: {  	s0 =	sld [smem:$0x3F9E];
	_ =	swait.ge [sflag:s4], $0x0  }
0x19: {  	s7 =	sld [smem:$0x3F9F]  }
0x1a: {  	s8 =	sadd.s32 $0xFFFFE003, lr  }
0x1b: {  	s9 =	sadd.s32 $0xFFFFFEF7, lr;
	s5 =	simm.s32 $0xFFFFFFFF;
	p2 =	slt.u32 s8, $0xFFFFF086  }
0x1c: {  	p1 =	slt.u32 s9, $0xF7A;
	s5 =	simm.s32 @!p2 $0x0  }
0x1d: {  	s5 =	simm.s32 @p1 $0x1;
	p0 =	seq.s32 s7, s2  }
0x1e: {  	s7 =	smul.u32 @!p0 $0xF7A, s2;
	p2 =	seq.s32 @!p0 s5, $0x0  }
0x1f: {  	s9 =	smul.u32 $0xF7A, s1;
	s8 =	simm.s32 @!p0 $0x1BF5;
	p2 =	por !p2, p0  }
0x20: {  	[sflag:s8] =	ssyncset.s32 @!p0 $0xFFFFF086;
	s6 =	sadd.s32 @!p0 s3, s7;
	s7 =	simm.s32 @!p0 $0x108  }
0x21: {  	s3 =	sadd.s32 s3, s9;
	s6 =	sadd.s32 @!p0 $0x88, s6;
	s7 =	simm.s32 @p2 $0x1082  }
0x22: {  	[simem:s7], [sflag:s8] =	dma.local @!p0 [hbm:s6], $0xF7A  }
0x23: {  	s9 =	sor.u32 $0xD0000000, s2;
	s6 =	simm.s32 $0x108;
	_ =	swait.ge @!p0 [sflag:s8], $0x0  }
0x24: {  	s3 =	sadd.s32 $0x88, s3;
	s6 =	simm.s32 @!p1 $0x1082;
	[sflag:s4] =	ssyncset.s32 $0xFFFFF086  }
0x25: {  	[simem:s6], [sflag:s4] =	dma.local [hbm:s3], $0xF7A  }
0x26: {  	[smem:$0x3F9F] =	sst s1;
	(tag) =	ssettag s2;
	_ =	strace s9  }
0x27: {  	s1 =	sld [smem:$0x3FAF]  }
0x28: {  	s2 =	sld [smem:$0x3FB0]  }
0x29: {  	s4 =	sld [smem:$0x3FB2]  }
0x2a: {  	p0 =	seq.s32 s5, $0x0;
	s5 =	sld [smem:$0x3FB3]  }
0x2b: {  	s6 =	sld [smem:$0x3FB4]  }
0x2c: {  	s7 =	sld [smem:$0x3FB5]  }
0x2d: {  	s3 =	simm.s32 $0x108;
	s8 =	sld [smem:$0x3FB6]  }
0x2e: {  	s3 =	simm.s32 @!p0 $0x1082;
	s9 =	sld [smem:$0x3FB7]  }
0x2f: {  	lr =	sadd.s32 s0, s3;
	s0 =	sld [smem:$0x3FAE]  }
0x30: {  	s3 =	sld [smem:$0x3FB1]  }
0x31: {  	[smem:$0x3FBA] =	sst s10  }
0x32: {  	s10 =	sld [smem:$0x3FB8];
	_ =	sdelay $0x3  }
0x33: {  	p0 =	seq.s32 s10, $0x1;
	s10 =	sld [smem:$0x3FBA];
	_ =	sdelay $0x3  }
0x34: {  	[smem:$0x3FBA] =	sst s10  }
0x35: {  	s10 =	sld [smem:$0x3FB9];
	_ =	sdelay $0x3  }
0x36: {  	p1 =	seq.s32 s10, $0x1;
	s10 =	sld [smem:$0x3FBA];
	_ =	sdelay $0x3  }
0x37: {  	[smem:$0x3FBA] =	sst s10  }
0x38: {  	s10 =	sld [smem:$0x3FBB]  }
0x39: {  	_ = 	snop;
	(pc) =	sbr.ind lr, $3  }
0x3a: {  	_ = 	snop  }
0x3b: {  	_ = 	snop  }
0x3c: {  	p2 =	seq.s32 s10, $0x1;
	s10 =	sld [smem:$0x3FBA]  }
0x3d: {  	_ =	shalt  }
0x3e: {  	_ =	shalt  }
0x3f: {  	_ =	shalt  }
0x40: {  	_ =	shalt  }
0x41: {  	_ =	shalt  }
0x42: {  	_ =	shalt  }
0x43: {  	_ =	shalt  }
0x44: {  	_ =	shalt  }
0x45: {  	_ =	shalt  }
0x46: {  	_ =	shalt  }
0x47: {  	_ =	shalt  }
0x48: {  	_ =	shalt  }
0x49: {  	_ =	shalt  }
0x4a: {  	_ =	shalt  }
0x4b: {  	_ =	shalt  }
0x4c: {  	_ =	shalt  }
0x4d: {  	_ =	shalt  }
0x4e: {  	_ =	shalt  }
0x4f: {  	_ =	shalt  }
0x50: {  	_ =	shalt  }
0x51: {  	_ =	shalt  }
0x52: {  	_ =	shalt  }
0x53: {  	_ =	shalt  }
0x54: {  	_ =	shalt  }
0x55: {  	_ =	shalt  }
0x56: {  	_ =	shalt  }
0x57: {  	_ =	shalt  }
0x58: {  	_ =	shalt  }
0x59: {  	_ =	shalt  }
0x5a: {  	_ =	shalt  }
0x5b: {  	_ =	shalt  }
0x5c: {  	_ =	shalt  }
0x5d: {  	_ =	shalt  }
0x5e: {  	_ =	shalt  }
0x5f: {  	_ =	shalt  }
0x60: {  	_ =	shalt  }
0x61: {  	_ =	shalt  }
0x62: {  	_ =	shalt  }
0x63: {  	_ =	shalt  }
0x64: {  	_ =	shalt  }
0x65: {  	_ =	shalt  }
0x66: {  	_ =	shalt  }
0x67: {  	_ =	shalt  }
0x68: {  	_ =	shalt  }
0x69: {  	_ =	shalt  }
0x6a: {  	_ =	shalt  }
0x6b: {  	_ =	shalt  }
0x6c: {  	_ =	shalt  }
0x6d: {  	_ =	shalt  }
0x6e: {  	_ =	shalt  }
0x6f: {  	_ =	shalt  }
0x70: {  	_ =	shalt  }
0x71: {  	_ =	shalt  }
0x72: {  	_ =	shalt  }
0x73: {  	_ =	shalt  }
0x74: {  	_ =	shalt  }
0x75: {  	_ =	shalt  }
0x76: {  	_ =	shalt  }
0x77: {  	_ =	shalt  }
0x78: {  	_ =	shalt  }
0x79: {  	_ =	shalt  }
0x7a: {  	_ =	shalt  }
0x7b: {  	_ =	shalt  }
0x7c: {  	_ =	shalt  }
0x7d: {  	_ =	shalt  }
0x7e: {  	_ =	shalt  }
0x7f: {  	_ =	shalt  }
0x80: {  	_ =	shalt  }
0x81: {  	_ =	shalt  }
0x82: {  	_ =	shalt  }
0x83: {  	_ =	shalt  }
0x84: {  	_ =	shalt  }
0x85: {  	_ =	shalt  }
0x86: {  	_ =	shalt  }
0x87: {  	_ =	shalt  }
.Lfunc_end0:
.L_simem_size_0:
called_computation.1_lowered:
.L_overlay_start_0:
0x88: {  	s2 =	sld [smem:$0x3FD9]  }
0x89: {  	s3 =	sld [smem:$0x3FFE];
	_ =	sdelay $0x1  }
0x8a: {  	s1 =	srdreg.scid  }
0x8b: {  	s0 =	sand.u32 $0x1, s1  }
0x8c: {  	s14 =	sshll.u32 s0, $0xA;
	s2 =	sadd.s32 s3, s2  }
0x8d: {  	s2 =	sadd.s32 s2, s14  }
0x8e: {  	[smem:$0x3FC6] =	sst s2  }
0x8f: {  	_ = 	snop  }
0x90: {  	s2 =	sld [smem:$0x3FD0];
	_ =	sdelay $0x2  }
0x91: {  	s15 =	simm.s32 $0xA;
	s4 =	simm.s32 $0x10  }
0x92: {  	[smem:s4], [sflag:s15] =	dma.local [hbm:s2], $0x1  }
0x93: {  	_ =	swait.eq [sflag:s15], $0x1  }
0x94: {  	[sflag:s15] =	ssyncset.done $0x0  }
0x95: {  	[sflag:s15] =	ssyncadd.s32 $0xFFFFFFFF  }
0x96: {  	s16 =	sld [smem:$0x12];
	(tm) =	ssettm $0x1  }
0x97: {  	s17 =	sld [smem:$0x3FFB];
	_ =	sdelay $0x3  }
0x98: {  	_ =	strace s17  }
0x99: {  	s3 =	sld [smem:$0x3FFC];
	_ =	sdelay $0x3  }
0x9a: {  	_ =	strace s3  }
0x9b: {  	s3 =	sld [smem:$0x3FFD];
	_ =	sdelay $0x3  }
0x9c: {  	_ =	strace s3  }
0x9d: {  	_ =	strace $0x8FFFFFFF  }
0x9e: {  	s18 =	sld [smem:$0x3FDB];
	_ =	sdelay $0x1  }
0x9f: {  	s19 =	simm.s32 $_scs_section_size  }
0xa0: {  	s5 =	simm.s32 $_size__tile_overlayer_lowered;
	s6 =	simm.s32 $_tile_overlayer_lowered  }
0xa1: {  	s22 =	simm.s32 $0x1BFF;
	s21 =	sshll.u32 s6, $0x1;
	s3 =	sadd.s32 s19, s18  }
0xa2: {  	s7 =	simm.s32 $0x0;
	s20 =	sshll.u32 s5, $0x1;
	s5 =	sadd.s32 s21, s3  }
0xa3: {  	[timem:s7], [sflag:s22] =	dma.local [hbm:s5], s20  }
0xa4: {  	_ =	swait.ge [sflag:s22], s20  }
0xa5: {  	s4 =	ssub.s32 $0x0, s20;
	[sflag:s22] =	ssyncset.done $0x0  }
0xa6: {  	[sflag:s22] =	ssyncadd.s32 s4;
	_ =	sdelay $0x1  }
0xa7: {  	s23 =	simm.s32 $0x1B8B  }
0xa8: {  	_ =	swait.ge [sflag:s23], $0x1  }
0xa9: {  	[sflag:s23] =	ssyncset.done $0x0  }
0xaa: {  	s25 =	simm.s32 $0x1B8E;
	s24 =	sld [smem:$0x3FFE];
	[sflag:s23] =	ssyncadd.s32 $0xFFFFFFFF  }
0xab: {  	s26 =	simm.s32 $execute0_lowered;
	[smem:$0x3FD2] =	sst s25  }
0xac: {  	s5 =	sshll.u32 s26, $0x1;
	_ =	strace $0x80000049;
	[dreg:$0x1] =	wrdreg $0xFFFFFFFF  }
0xad: {  	s28 =	simm.s32 $_size_execute0_lowered;
	s3 =	sadd.s32 s3, s5;
	[dreg:$0x0] =	wrdreg $0x0  }
0xae: {  	s5 =	sshll.u32 s28, $0x1;
	[dreg:$0x2] =	wrdreg s3  }
0xaf: {  	[dreg:$0x3] =	wrdreg s5  }
0xb0: {  	[dreg:$0x4] =	wrdreg $0xC0  }
0xb1: {  	_ =	task [dreg:s7], $0x5FFFF  }
0xb2: {  	[dreg:$0x1] =	wrdreg $0xFFFFFFFF  }
0xb3: {  	[dreg:$0x0] =	wrdreg $0x60  }
0xb4: {  	[dreg:$0x2] =	wrdreg s24  }
0xb5: {  	[dreg:$0x3] =	wrdreg s16  }
0xb6: {  	[dreg:$0x4] =	wrdreg $0x9  }
0xb7: {  	_ =	task.clear_ibuf [dreg:s7], $0x5FFFF;
	_ =	strace $0x90000049  }
0xb8: {  	s29 =	simm.s32 $0x9;
	_ =	strace $0x8000004B  }
0xb9: {  	_ =	swait.ge [sflag:s29], $0x1  }
0xba: {  	[sflag:s29] =	ssyncadd.s32 $0xFFFFFFFF  }
0xbb: {  	_ =	strace $0x9000004B  }
0xbc: {  	_ =	sfence  }
0xbd: {  	s30 =	sld [smem:$0x0];
	_ =	sdelay $0x2  }
0xbe: {  	s31 =	sshll.u32 s1, $0xD;
	s1 =	sshrl.u32 s1, $0x2  }
0xbf: {  	s3 =	sand.u32 $0x4000, s31;
	s1 =	sadd.s32 s1, s30  }
0xc0: {  	s0 =	sor.u32 s3, s0;
	s1 =	sshll.u32 s1, $0x11  }
0xc1: {  	s0 =	sor.u32 s1, s0  }
0xc2: {  	s0 =	sadd.s32 $0x8F2B, s0  }
0xc3: {  	[sflag:s0] =	ssyncadd.remote.s32 $0x1  }
0xc4: {  	_ =	sfence.sel $0xFFFF  }
0xc5: {  	[dreg:$0x0] =	wrdreg $0xFFFFFFFF;
	(pc) =	sbr.abs _section_cstart, $3  }
0xc6: {  	[dreg:$0x1] =	wrdreg $0xFFFFFFFF  }
0xc7: {  	_ =	task.clear_ibuf [dreg:s7], $0x2FFFF;
	_ =	strace $0x9FFFFFFF  }
0xc8: {  	(tm) =	ssettm $0x7FFFFFFF  }
0xc9: {  	_ =	shalt  }
tec
execute0_lowered:
.L_overlay_start_1:
0x0: {  	(tag) =	ssettag $0x1  }
0x1: {  	s4 =	rddreg [dreg:$0x0]  }
0x2: {  	s5 =	rddreg [dreg:$0x1]  }
0x3: {  	s0 =	rddreg [dreg:$0x2]  }
0x4: {  	s2 =	simm.s32 $0x0;
	s3 =	srdreg.scid;
	s1 =	stileid.u32  }
0x5: {  	s10 =	simm.s32 $0x80;
	s11 =	simm.s32 $0x100;
	s12 =	simm.s32 $0x4100  }
0x6: {  	s13 =	simm.s32 $0x0;
	[smem:$0x7FF] =	sst s2;
	s3 =	sand.u32 $0x1, s3  }
0x7: {  	s6 =	sshll.u32 s1, $0x1;
	_ =	strace $0x8000004A;
	s7 =	ssub.s32 $0x2, s3  }
0x8: {  	s6 =	sor.u32 s3, s6;
	s3 =	sadd.s32 $0x140000, s4;
	s8 =	sshrl.u32 s7, $0x1  }
0x9: {  	s9 =	sshll.u32 s6, $0xC;
	s6 =	sshll.u32 s6, $0x5;
	s7 =	ssub.s32 s7, s8  }
0xa: {  	s4 =	sadd.s32 s4, s9;
	s5 =	sadd.s32 s5, s6;
	s8 =	simm.s32 $0x1  }
0xb: {  	s9 =	simm.s32 $0x8100;
	s6 =	sadd.s32 $0x120000, s4;
	s7 =	smax.u32 s7, $0x1  }
.LBB2_1:
0xc: {  	[tilespmem:s2], [sflag:$0x1] =	stream.linear.gather [hbm4b:s5+s2], $0x100, $0x38;
	[tilespmem:$0x10100] =	vst v63  }
0xd: {  	_ =	swait.ge [sflag:s8], $0x100  }
0xe: {  	[sflag:s8] =	ssyncset.done $0x0  }
0xf: {  	[sflag:s8] =	ssyncadd.s32 $0xFFFFFF00  }
0x10: {  	[tilespmem:s9], [sflag:$0x1] =	stream.linear.gather [hbm4b:s4+s2], $0x8000, $0x38;
	[tilespmem:$0x10100] =	vst v63  }
0x11: {  	_ =	swait.ge [sflag:s8], $0x8000  }
0x12: {  	[sflag:s8] =	ssyncset.done $0x0  }
0x13: {  	[sflag:s8] =	ssyncadd.s32 $0xFFFF8000  }
0x14: {  	[tilespmem:s11], [sflag:$0x1] =	stream.indirect.gather [hbm4b:s3+s10], $0x80, s2, s10, $0xb8;
	[tilespmem:$0x10100] =	vst v63  }
0x15: {  	_ =	swait.ge [sflag:s8], $0x4000  }
0x16: {  	[sflag:s8] =	ssyncset.done $0x0  }
0x17: {  	[sflag:s8] =	ssyncadd.s32 $0xFFFFC000  }
0x18: {  	[tilespmem:s12], [sflag:$0x1] =	stream.indirect.gather [hbm4b:s3+s10], $0x80, s10, s10, $0xb8;
	[tilespmem:$0x10100] =	vst v63  }
0x19: {  	_ =	swait.ge [sflag:s8], $0x4000  }
0x1a: {  	[sflag:s8] =	ssyncset.done $0x0  }
0x1b: {  	s14 =	simm.s32 $0x0;
	[sflag:s8] =	ssyncadd.s32 $0xFFFFC000  }
0x1c: {  	v0 =	vld [tilespmem:s14+$0x100]  }
0x1d: {  	v1 =	vld [tilespmem:s14+$0x110]  }
0x1e: {  	s15 =	simm.s32 $0x200;
	v2 =	vld [tilespmem:s14+$0x8100]  }
.LBB2_2:
0x1f: {  	p0 =	sne.s32 s15, $0x1FE00;
	v3 =	vld [tilespmem:s14+$0x8110];
	_ =	sdelay $0x2  }
.Ltmp0:
0x20: {  	(pc) =	sbr.rel @p0 .LBB2_2-.Ltmp0, $4  }
0x21: {  	s16 =	sshra.s32 s15, $0x2;
	v2 =	vsub.f32 v2, v0  }
0x22: {  	v0 =	vld [tilespmem:s16+$0x100];
	v3 =	vsub.f32 v3, v1  }
0x23: {  	v1 =	vld [tilespmem:s16+$0x110];
	[tilespmem:s14+$0x8100] =	vst v2  }
0x24: {  	s15 =	sadd.s32 $0x200, s15;
	v2 =	vld [tilespmem:s16+$0x8100];
	[tilespmem:s14+$0x8110] =	vst v3;
	s14 =	smov.u32 s16  }
0x25: {  	v3 =	vld [tilespmem:s14+$0x8110];
	_ =	sdelay $0x3  }
0x26: {  	v0 =	vsub.f32 v2, v0  }
0x27: {  	s13 =	sadd.s32 $0x1, s13;
	v1 =	vsub.f32 v3, v1  }
0x28: {  	p0 =	sne.s32 s13, s7;
	[tilespmem:s14+$0x8100] =	vst v0  }
.Ltmp1:
0x29: {  	[tilespmem:s14+$0x8110] =	vst v1;
	(pc) =	sbr.rel @p0 .LBB2_1-.Ltmp1, $4  }
0x2a: {  	[hbm4b:s6+s2] =	stream.linear.scatter [tilespmem:s9], [sflag:$0x1], $0x8000, $0x38;
	[tilespmem:$0x10100] =	vst v63  }
0x2b: {  	_ =	swait.ge [sflag:s8], $0x8000  }
0x2c: {  	[sflag:s8] =	ssyncset.done $0x0  }
0x2d: {  	[sflag:s8] =	ssyncadd.s32 $0xFFFF8000  }
0x2e: {  	_ =	sfence.sel $0x180000  }
0x2f: {  	[bflag:$0x0] =	sbarrier.arrive $0xFFFF  }
0x30: {  	p0 =	sne.s32 s1, $0x0;
	_ =	strace $0x9000004A  }
0x31: {  	s0 =	sadd.s32 @!p0 $0x100000, s0;
	[bflag:$0x2] =	sbarrier.arrive $0xFFFF  }
0x32: {  	[sflag:s0] =	ssyncadd.tile.s32 @!p0 $0x1;
	_ =	shalt  }
.Lfunc_end2:
_tile_overlayer_lowered:
.L_overlay_start_2:
0x33: {  	(tag) =	ssettag $0x2  }
0x34: {  	s0 =	rddreg [dreg:$0x0];
	s2 =	stileid.u32  }
0x35: {  	s1 =	rddreg [dreg:$0x1];
	p0 =	sne.s32 s2, $0x0  }
0x36: {  	s3 =	rddreg [dreg:$0x2];
	[bflag:$0x3] =	sbarrier.arrive $0xFFFF;
	s2 =	simm.s32 @!p0 $0x1C01  }
0x37: {  	[timem:s3], [sflag:s2] =	dma.local @!p0 [hbm:s0], s1  }
0x38: {  	s0 =	simm.s32 @!p0 $0x1  }
0x39: {  	_ =	swait.ge @!p0 [sflag:s0], s1  }
0x3a: {  	s1 =	ssub.s32 @!p0 $0x0, s1;
	[sflag:s0] =	ssyncset.done @!p0 $0x0  }
0x3b: {  	[sflag:s0] =	ssyncadd.s32 @!p0 s1  }
0x3c: {  	[bflag:$0x3] =	sbarrier.arrive $0xFFFF  }
0x3d: {  	_ =	shalt  }

// kernel: kernel.24.cloned.1.call-start
scs
__scs_entry_jumppad:
0x0: {  	(pc) =	sbr.rel $0x88, $3  }
0x1: {  	(tag) =	ssettag $0x0;
	lr =	simm.s32 $0x1  }
0x2: {  	[smem:$0x3F9F] =	sst lr;
	_ =	strace $0xD0000000  }
0x3: {  	_ = 	snop  }
0x4: {  	_ = 	snop  }
0x5: {  	_ = 	snop  }
0x6: {  	_ = 	snop  }
0x7: {  	_ = 	snop  }
__scs_overlays_trampoline_lowered:
0x8: {  	[smem:$0x3FAE] =	sst s0  }
0x9: {  	[smem:$0x3FAF] =	sst s1  }
0xa: {  	[smem:$0x3FB0] =	sst s2  }
0xb: {  	[smem:$0x3FB1] =	sst s3  }
0xc: {  	[smem:$0x3FB2] =	sst s4  }
0xd: {  	[smem:$0x3FB3] =	sst s5  }
0xe: {  	[smem:$0x3FB4] =	sst s6  }
0xf: {  	[smem:$0x3FB5] =	sst s7  }
0x10: {  	[smem:$0x3FB6] =	sst s8  }
0x11: {  	[smem:$0x3FB7] =	sst s9;
	s0 =	simm.s32 @!p0 $0x0  }
0x12: {  	s1 =	sld [smem:$0x3F9D];
	s0 =	simm.s32 @p0 $0x1  }
0x13: {  	[smem:$0x3FB8] =	sst s0;
	s0 =	simm.s32 @!p1 $0x0  }
0x14: {  	s2 =	sld [smem:$0x3F9C];
	s0 =	simm.s32 @p1 $0x1  }
0x15: {  	[smem:$0x3FB9] =	sst s0;
	s0 =	simm.s32 @!p2 $0x0  }
0x16: {  	s3 =	sld [smem:$0x3FDB];
	s0 =	simm.s32 @p2 $0x1  }
0x17: {  	s4 =	simm.s32 $0x1BF5;
	[smem:$0x3FBB] =	sst s0  }
0x18: {  	s0 =	sld [smem:$0x3F9E];
	_ =	swait.ge [sflag:s4], $0x0  }
0x19: {  	s7 =	sld [smem:$0x3F9F]  }
0x1a: {  	s8 =	sadd.s32 $0xFFFFE003, lr  }
0x1b: {  	s9 =	sadd.s32 $0xFFFFFEF7, lr;
	s5 =	simm.s32 $0xFFFFFFFF;
	p2 =	slt.u32 s8, $0xFFFFF086  }
0x1c: {  	p1 =	slt.u32 s9, $0xF7A;
	s5 =	simm.s32 @!p2 $0x0  }
0x1d: {  	s5 =	simm.s32 @p1 $0x1;
	p0 =	seq.s32 s7, s2  }
0x1e: {  	s7 =	smul.u32 @!p0 $0xF7A, s2;
	p2 =	seq.s32 @!p0 s5, $0x0  }
0x1f: {  	s9 =	smul.u32 $0xF7A, s1;
	s8 =	simm.s32 @!p0 $0x1BF5;
	p2 =	por !p2, p0  }
0x20: {  	[sflag:s8] =	ssyncset.s32 @!p0 $0xFFFFF086;
	s6 =	sadd.s32 @!p0 s3, s7;
	s7 =	simm.s32 @!p0 $0x108  }
0x21: {  	s3 =	sadd.s32 s3, s9;
	s6 =	sadd.s32 @!p0 $0x88, s6;
	s7 =	simm.s32 @p2 $0x1082  }
0x22: {  	[simem:s7], [sflag:s8] =	dma.local @!p0 [hbm:s6], $0xF7A  }
0x23: {  	s9 =	sor.u32 $0xD0000000, s2;
	s6 =	simm.s32 $0x108;
	_ =	swait.ge @!p0 [sflag:s8], $0x0  }
0x24: {  	s3 =	sadd.s32 $0x88, s3;
	s6 =	simm.s32 @!p1 $0x1082;
	[sflag:s4] =	ssyncset.s32 $0xFFFFF086  }
0x25: {  	[simem:s6], [sflag:s4] =	dma.local [hbm:s3], $0xF7A  }
0x26: {  	[smem:$0x3F9F] =	sst s1;
	(tag) =	ssettag s2;
	_ =	strace s9  }
0x27: {  	s1 =	sld [smem:$0x3FAF]  }
0x28: {  	s2 =	sld [smem:$0x3FB0]  }
0x29: {  	s4 =	sld [smem:$0x3FB2]  }
0x2a: {  	p0 =	seq.s32 s5, $0x0;
	s5 =	sld [smem:$0x3FB3]  }
0x2b: {  	s6 =	sld [smem:$0x3FB4]  }
0x2c: {  	s7 =	sld [smem:$0x3FB5]  }
0x2d: {  	s3 =	simm.s32 $0x108;
	s8 =	sld [smem:$0x3FB6]  }
0x2e: {  	s3 =	simm.s32 @!p0 $0x1082;
	s9 =	sld [smem:$0x3FB7]  }
0x2f: {  	lr =	sadd.s32 s0, s3;
	s0 =	sld [smem:$0x3FAE]  }
0x30: {  	s3 =	sld [smem:$0x3FB1]  }
0x31: {  	[smem:$0x3FBA] =	sst s10  }
0x32: {  	s10 =	sld [smem:$0x3FB8];
	_ =	sdelay $0x3  }
0x33: {  	p0 =	seq.s32 s10, $0x1;
	s10 =	sld [smem:$0x3FBA];
	_ =	sdelay $0x3  }
0x34: {  	[smem:$0x3FBA] =	sst s10  }
0x35: {  	s10 =	sld [smem:$0x3FB9];
	_ =	sdelay $0x3  }
0x36: {  	p1 =	seq.s32 s10, $0x1;
	s10 =	sld [smem:$0x3FBA];
	_ =	sdelay $0x3  }
0x37: {  	[smem:$0x3FBA] =	sst s10  }
0x38: {  	s10 =	sld [smem:$0x3FBB]  }
0x39: {  	_ = 	snop;
	(pc) =	sbr.ind lr, $3  }
0x3a: {  	_ = 	snop  }
0x3b: {  	_ = 	snop  }
0x3c: {  	p2 =	seq.s32 s10, $0x1;
	s10 =	sld [smem:$0x3FBA]  }
0x3d: {  	_ =	shalt  }
0x3e: {  	_ =	shalt  }
0x3f: {  	_ =	shalt  }
0x40: {  	_ =	shalt  }
0x41: {  	_ =	shalt  }
0x42: {  	_ =	shalt  }
0x43: {  	_ =	shalt  }
0x44: {  	_ =	shalt  }
0x45: {  	_ =	shalt  }
0x46: {  	_ =	shalt  }
0x47: {  	_ =	shalt  }
0x48: {  	_ =	shalt  }
0x49: {  	_ =	shalt  }
0x4a: {  	_ =	shalt  }
0x4b: {  	_ =	shalt  }
0x4c: {  	_ =	shalt  }
0x4d: {  	_ =	shalt  }
0x4e: {  	_ =	shalt  }
0x4f: {  	_ =	shalt  }
0x50: {  	_ =	shalt  }
0x51: {  	_ =	shalt  }
0x52: {  	_ =	shalt  }
0x53: {  	_ =	shalt  }
0x54: {  	_ =	shalt  }
0x55: {  	_ =	shalt  }
0x56: {  	_ =	shalt  }
0x57: {  	_ =	shalt  }
0x58: {  	_ =	shalt  }
0x59: {  	_ =	shalt  }
0x5a: {  	_ =	shalt  }
0x5b: {  	_ =	shalt  }
0x5c: {  	_ =	shalt  }
0x5d: {  	_ =	shalt  }
0x5e: {  	_ =	shalt  }
0x5f: {  	_ =	shalt  }
0x60: {  	_ =	shalt  }
0x61: {  	_ =	shalt  }
0x62: {  	_ =	shalt  }
0x63: {  	_ =	shalt  }
0x64: {  	_ =	shalt  }
0x65: {  	_ =	shalt  }
0x66: {  	_ =	shalt  }
0x67: {  	_ =	shalt  }
0x68: {  	_ =	shalt  }
0x69: {  	_ =	shalt  }
0x6a: {  	_ =	shalt  }
0x6b: {  	_ =	shalt  }
0x6c: {  	_ =	shalt  }
0x6d: {  	_ =	shalt  }
0x6e: {  	_ =	shalt  }
0x6f: {  	_ =	shalt  }
0x70: {  	_ =	shalt  }
0x71: {  	_ =	shalt  }
0x72: {  	_ =	shalt  }
0x73: {  	_ =	shalt  }
0x74: {  	_ =	shalt  }
0x75: {  	_ =	shalt  }
0x76: {  	_ =	shalt  }
0x77: {  	_ =	shalt  }
0x78: {  	_ =	shalt  }
0x79: {  	_ =	shalt  }
0x7a: {  	_ =	shalt  }
0x7b: {  	_ =	shalt  }
0x7c: {  	_ =	shalt  }
0x7d: {  	_ =	shalt  }
0x7e: {  	_ =	shalt  }
0x7f: {  	_ =	shalt  }
0x80: {  	_ =	shalt  }
0x81: {  	_ =	shalt  }
0x82: {  	_ =	shalt  }
0x83: {  	_ =	shalt  }
0x84: {  	_ =	shalt  }
0x85: {  	_ =	shalt  }
0x86: {  	_ =	shalt  }
0x87: {  	_ =	shalt  }
.Lfunc_end0:
.L_simem_size_0:
called_computation.2_lowered:
.L_overlay_start_0:
0x88: {  	s2 =	sld [smem:$0x3FD9]  }
0x89: {  	s3 =	sld [smem:$0x3FFE];
	_ =	sdelay $0x1  }
0x8a: {  	s1 =	srdreg.scid  }
0x8b: {  	s0 =	sand.u32 $0x1, s1  }
0x8c: {  	s14 =	sshll.u32 s0, $0xA;
	s2 =	sadd.s32 s3, s2  }
0x8d: {  	s2 =	sadd.s32 s2, s14  }
0x8e: {  	[smem:$0x3FC6] =	sst s2  }
0x8f: {  	_ = 	snop  }
0x90: {  	s2 =	sld [smem:$0x3FD0];
	_ =	sdelay $0x2  }
0x91: {  	s15 =	simm.s32 $0xA;
	s4 =	simm.s32 $0x10  }
0x92: {  	[smem:s4], [sflag:s15] =	dma.local [hbm:s2], $0x1  }
0x93: {  	_ =	swait.eq [sflag:s15], $0x1  }
0x94: {  	[sflag:s15] =	ssyncset.done $0x0  }
0x95: {  	[sflag:s15] =	ssyncadd.s32 $0xFFFFFFFF  }
0x96: {  	s16 =	sld [smem:$0x12];
	(tm) =	ssettm $0x1  }
0x97: {  	s17 =	sld [smem:$0x3FFB];
	_ =	sdelay $0x3  }
0x98: {  	_ =	strace s17  }
0x99: {  	s3 =	sld [smem:$0x3FFC];
	_ =	sdelay $0x3  }
0x9a: {  	_ =	strace s3  }
0x9b: {  	s3 =	sld [smem:$0x3FFD];
	_ =	sdelay $0x3  }
0x9c: {  	_ =	strace s3  }
0x9d: {  	_ =	strace $0x8FFFFFFF  }
0x9e: {  	s18 =	sld [smem:$0x3FDB];
	_ =	sdelay $0x1  }
0x9f: {  	s19 =	simm.s32 $_scs_section_size  }
0xa0: {  	s5 =	simm.s32 $_size__tile_overlayer_lowered;
	s6 =	simm.s32 $_tile_overlayer_lowered  }
0xa1: {  	s22 =	simm.s32 $0x1BFF;
	s21 =	sshll.u32 s6, $0x1;
	s3 =	sadd.s32 s19, s18  }
0xa2: {  	s7 =	simm.s32 $0x0;
	s20 =	sshll.u32 s5, $0x1;
	s5 =	sadd.s32 s21, s3  }
0xa3: {  	[timem:s7], [sflag:s22] =	dma.local [hbm:s5], s20  }
0xa4: {  	_ =	swait.ge [sflag:s22], s20  }
0xa5: {  	s4 =	ssub.s32 $0x0, s20;
	[sflag:s22] =	ssyncset.done $0x0  }
0xa6: {  	[sflag:s22] =	ssyncadd.s32 s4;
	_ =	sdelay $0x1  }
0xa7: {  	s23 =	simm.s32 $0x1B8B  }
0xa8: {  	_ =	swait.ge [sflag:s23], $0x1  }
0xa9: {  	[sflag:s23] =	ssyncset.done $0x0  }
0xaa: {  	s25 =	simm.s32 $0x1B8E;
	s24 =	sld [smem:$0x3FFE];
	[sflag:s23] =	ssyncadd.s32 $0xFFFFFFFF  }
0xab: {  	s26 =	simm.s32 $execute0_lowered;
	[smem:$0x3FD2] =	sst s25  }
0xac: {  	s5 =	sshll.u32 s26, $0x1;
	_ =	strace $0x8000004C;
	[dreg:$0x1] =	wrdreg $0xFFFFFFFF  }
0xad: {  	s28 =	simm.s32 $_size_execute0_lowered;
	s3 =	sadd.s32 s3, s5;
	[dreg:$0x0] =	wrdreg $0x0  }
0xae: {  	s5 =	sshll.u32 s28, $0x1;
	[dreg:$0x2] =	wrdreg s3  }
0xaf: {  	[dreg:$0x3] =	wrdreg s5  }
0xb0: {  	[dreg:$0x4] =	wrdreg $0xC0  }
0xb1: {  	_ =	task [dreg:s7], $0x5FFFF  }
0xb2: {  	[dreg:$0x1] =	wrdreg $0xFFFFFFFF  }
0xb3: {  	[dreg:$0x0] =	wrdreg $0x60  }
0xb4: {  	[dreg:$0x2] =	wrdreg s24  }
0xb5: {  	[dreg:$0x3] =	wrdreg s16  }
0xb6: {  	[dreg:$0x4] =	wrdreg $0x9  }
0xb7: {  	_ =	task.clear_ibuf [dreg:s7], $0x5FFFF;
	_ =	strace $0x9000004C  }
0xb8: {  	s29 =	simm.s32 $0x9;
	_ =	strace $0x8000004E  }
0xb9: {  	_ =	swait.ge [sflag:s29], $0x1  }
0xba: {  	[sflag:s29] =	ssyncadd.s32 $0xFFFFFFFF  }
0xbb: {  	_ =	strace $0x9000004E  }
0xbc: {  	_ =	sfence  }
0xbd: {  	s30 =	sld [smem:$0x0];
	_ =	sdelay $0x2  }
0xbe: {  	s31 =	sshll.u32 s1, $0xD;
	s1 =	sshrl.u32 s1, $0x2  }
0xbf: {  	s3 =	sand.u32 $0x4000, s31;
	s1 =	sadd.s32 s1, s30  }
0xc0: {  	s0 =	sor.u32 s3, s0;
	s1 =	sshll.u32 s1, $0x11  }
0xc1: {  	s0 =	sor.u32 s1, s0  }
0xc2: {  	s0 =	sadd.s32 $0x8F2B, s0  }
0xc3: {  	[sflag:s0] =	ssyncadd.remote.s32 $0x1  }
0xc4: {  	_ =	sfence.sel $0xFFFF  }
0xc5: {  	[dreg:$0x0] =	wrdreg $0xFFFFFFFF;
	(pc) =	sbr.abs _section_cstart, $3  }
0xc6: {  	[dreg:$0x1] =	wrdreg $0xFFFFFFFF  }
0xc7: {  	_ =	task.clear_ibuf [dreg:s7], $0x2FFFF;
	_ =	strace $0x9FFFFFFF  }
0xc8: {  	(tm) =	ssettm $0x7FFFFFFF  }
0xc9: {  	_ =	shalt  }
tec
execute0_lowered:
.L_overlay_start_1:
0x0: {  	(tag) =	ssettag $0x1  }
0x1: {  	s4 =	rddreg [dreg:$0x0]  }
0x2: {  	s5 =	rddreg [dreg:$0x1]  }
0x3: {  	s0 =	rddreg [dreg:$0x2];
	s2 =	simm.s32 $0x0  }
0x4: {  	s3 =	srdreg.scid;
	s1 =	stileid.u32;
	s10 =	simm.s32 $0x80  }
0x5: {  	s11 =	simm.s32 $0x100;
	s12 =	simm.s32 $0x4100;
	s13 =	simm.s32 $0x0  }
0x6: {  	[smem:$0x7FF] =	sst s2;
	s6 =	sand.u32 $0x1, s3;
	s7 =	sshll.u32 s1, $0x1  }
0x7: {  	s3 =	sadd.s32 $0x160000, s4;
	s7 =	sor.u32 s6, s7;
	s6 =	ssub.s32 $0x2, s6  }
0x8: {  	_ =	strace $0x8000004D;
	s8 =	sshll.u32 s7, $0xC;
	s9 =	sshrl.u32 s6, $0x1  }
0x9: {  	s7 =	sshll.u32 s7, $0x5;
	s8 =	sadd.s32 s8, s4;
	s9 =	ssub.s32 s6, s9  }
0xa: {  	s4 =	sadd.s32 s5, s7;
	s5 =	sadd.s32 $0x120000, s8;
	s6 =	sadd.s32 $0x140000, s8  }
0xb: {  	s7 =	smax.u32 s9, $0x1;
	s8 =	simm.s32 $0x1;
	s9 =	simm.s32 $0x8100  }
.LBB2_1:
0xc: {  	[tilespmem:s2], [sflag:$0x1] =	stream.linear.gather [hbm4b:s4+s2], $0x100, $0x38;
	[tilespmem:$0x10100] =	vst v63  }
0xd: {  	_ =	swait.ge [sflag:s8], $0x100  }
0xe: {  	[sflag:s8] =	ssyncset.done $0x0  }
0xf: {  	[sflag:s8] =	ssyncadd.s32 $0xFFFFFF00  }
0x10: {  	[tilespmem:s9], [sflag:$0x1] =	stream.linear.gather [hbm4b:s5+s2], $0x8000, $0x38;
	[tilespmem:$0x10100] =	vst v63  }
0x11: {  	_ =	swait.ge [sflag:s8], $0x8000  }
0x12: {  	[sflag:s8] =	ssyncset.done $0x0  }
0x13: {  	[sflag:s8] =	ssyncadd.s32 $0xFFFF8000  }
0x14: {  	[tilespmem:s11], [sflag:$0x1] =	stream.indirect.gather [hbm4b:s3+s10], $0x80, s2, s10, $0xb8;
	[tilespmem:$0x10100] =	vst v63  }
0x15: {  	_ =	swait.ge [sflag:s8], $0x4000  }
0x16: {  	[sflag:s8] =	ssyncset.done $0x0  }
0x17: {  	[sflag:s8] =	ssyncadd.s32 $0xFFFFC000  }
0x18: {  	[tilespmem:s12], [sflag:$0x1] =	stream.indirect.gather [hbm4b:s3+s10], $0x80, s10, s10, $0xb8;
	[tilespmem:$0x10100] =	vst v63  }
0x19: {  	_ =	swait.ge [sflag:s8], $0x4000  }
0x1a: {  	[sflag:s8] =	ssyncset.done $0x0  }
0x1b: {  	s14 =	simm.s32 $0x0;
	[sflag:s8] =	ssyncadd.s32 $0xFFFFC000  }
0x1c: {  	v0 =	vld [tilespmem:s14+$0x100]  }
0x1d: {  	v1 =	vld [tilespmem:s14+$0x110]  }
0x1e: {  	s15 =	simm.s32 $0x200;
	v2 =	vld [tilespmem:s14+$0x8100]  }
.LBB2_2:
0x1f: {  	p0 =	sne.s32 s15, $0x1FE00;
	v3 =	vld [tilespmem:s14+$0x8110];
	_ =	sdelay $0x2  }
.Ltmp0:
0x20: {  	(pc) =	sbr.rel @p0 .LBB2_2-.Ltmp0, $4  }
0x21: {  	s16 =	sshra.s32 s15, $0x2;
	v2 =	vsub.f32 v2, v0  }
0x22: {  	v0 =	vld [tilespmem:s16+$0x100];
	v3 =	vsub.f32 v3, v1  }
0x23: {  	v1 =	vld [tilespmem:s16+$0x110];
	[tilespmem:s14+$0x8100] =	vst v2  }
0x24: {  	s15 =	sadd.s32 $0x200, s15;
	v2 =	vld [tilespmem:s16+$0x8100];
	[tilespmem:s14+$0x8110] =	vst v3;
	s14 =	smov.u32 s16  }
0x25: {  	v3 =	vld [tilespmem:s14+$0x8110];
	_ =	sdelay $0x3  }
0x26: {  	v0 =	vsub.f32 v2, v0  }
0x27: {  	s13 =	sadd.s32 $0x1, s13;
	v1 =	vsub.f32 v3, v1  }
0x28: {  	p0 =	sne.s32 s13, s7;
	[tilespmem:s14+$0x8100] =	vst v0  }
.Ltmp1:
0x29: {  	[tilespmem:s14+$0x8110] =	vst v1;
	(pc) =	sbr.rel @p0 .LBB2_1-.Ltmp1, $4  }
0x2a: {  	[hbm4b:s6+s2] =	stream.linear.scatter [tilespmem:s9], [sflag:$0x1], $0x8000, $0x38;
	[tilespmem:$0x10100] =	vst v63  }
0x2b: {  	_ =	swait.ge [sflag:s8], $0x8000  }
0x2c: {  	[sflag:s8] =	ssyncset.done $0x0  }
0x2d: {  	[sflag:s8] =	ssyncadd.s32 $0xFFFF8000  }
0x2e: {  	_ =	sfence.sel $0x180000  }
0x2f: {  	[bflag:$0x0] =	sbarrier.arrive $0xFFFF  }
0x30: {  	p0 =	sne.s32 s1, $0x0;
	_ =	strace $0x9000004D  }
0x31: {  	s0 =	sadd.s32 @!p0 $0x100000, s0;
	[bflag:$0x2] =	sbarrier.arrive $0xFFFF  }
0x32: {  	[sflag:s0] =	ssyncadd.tile.s32 @!p0 $0x1;
	_ =	shalt  }
.Lfunc_end2:
_tile_overlayer_lowered:
.L_overlay_start_2:
0x33: {  	(tag) =	ssettag $0x2  }
0x34: {  	s0 =	rddreg [dreg:$0x0];
	s2 =	stileid.u32  }
0x35: {  	s1 =	rddreg [dreg:$0x1];
	p0 =	sne.s32 s2, $0x0  }
0x36: {  	s3 =	rddreg [dreg:$0x2];
	[bflag:$0x3] =	sbarrier.arrive $0xFFFF;
	s2 =	simm.s32 @!p0 $0x1C01  }
0x37: {  	[timem:s3], [sflag:s2] =	dma.local @!p0 [hbm:s0], s1  }
0x38: {  	s0 =	simm.s32 @!p0 $0x1  }
0x39: {  	_ =	swait.ge @!p0 [sflag:s0], s1  }
0x3a: {  	s1 =	ssub.s32 @!p0 $0x0, s1;
	[sflag:s0] =	ssyncset.done @!p0 $0x0  }
0x3b: {  	[sflag:s0] =	ssyncadd.s32 @!p0 s1  }
0x3c: {  	[bflag:$0x3] =	sbarrier.arrive $0xFFFF  }
0x3d: {  	_ =	shalt  }

// kernel: kernel.27.cloned.1.call-start
scs
__scs_entry_jumppad:
0x0: {  	(pc) =	sbr.rel $0x88, $3  }
0x1: {  	(tag) =	ssettag $0x0;
	lr =	simm.s32 $0x1  }
0x2: {  	[smem:$0x3F9F] =	sst lr;
	_ =	strace $0xD0000000  }
0x3: {  	_ = 	snop  }
0x4: {  	_ = 	snop  }
0x5: {  	_ = 	snop  }
0x6: {  	_ = 	snop  }
0x7: {  	_ = 	snop  }
__scs_overlays_trampoline_lowered:
0x8: {  	[smem:$0x3FAE] =	sst s0  }
0x9: {  	[smem:$0x3FAF] =	sst s1  }
0xa: {  	[smem:$0x3FB0] =	sst s2  }
0xb: {  	[smem:$0x3FB1] =	sst s3  }
0xc: {  	[smem:$0x3FB2] =	sst s4  }
0xd: {  	[smem:$0x3FB3] =	sst s5  }
0xe: {  	[smem:$0x3FB4] =	sst s6  }
0xf: {  	[smem:$0x3FB5] =	sst s7  }
0x10: {  	[smem:$0x3FB6] =	sst s8  }
0x11: {  	[smem:$0x3FB7] =	sst s9;
	s0 =	simm.s32 @!p0 $0x0  }
0x12: {  	s1 =	sld [smem:$0x3F9D];
	s0 =	simm.s32 @p0 $0x1  }
0x13: {  	[smem:$0x3FB8] =	sst s0;
	s0 =	simm.s32 @!p1 $0x0  }
0x14: {  	s2 =	sld [smem:$0x3F9C];
	s0 =	simm.s32 @p1 $0x1  }
0x15: {  	[smem:$0x3FB9] =	sst s0;
	s0 =	simm.s32 @!p2 $0x0  }
0x16: {  	s3 =	sld [smem:$0x3FDB];
	s0 =	simm.s32 @p2 $0x1  }
0x17: {  	s4 =	simm.s32 $0x1BF5;
	[smem:$0x3FBB] =	sst s0  }
0x18: {  	s0 =	sld [smem:$0x3F9E];
	_ =	swait.ge [sflag:s4], $0x0  }
0x19: {  	s7 =	sld [smem:$0x3F9F]  }
0x1a: {  	s8 =	sadd.s32 $0xFFFFE003, lr  }
0x1b: {  	s9 =	sadd.s32 $0xFFFFFEF7, lr;
	s5 =	simm.s32 $0xFFFFFFFF;
	p2 =	slt.u32 s8, $0xFFFFF086  }
0x1c: {  	p1 =	slt.u32 s9, $0xF7A;
	s5 =	simm.s32 @!p2 $0x0  }
0x1d: {  	s5 =	simm.s32 @p1 $0x1;
	p0 =	seq.s32 s7, s2  }
0x1e: {  	s7 =	smul.u32 @!p0 $0xF7A, s2;
	p2 =	seq.s32 @!p0 s5, $0x0  }
0x1f: {  	s9 =	smul.u32 $0xF7A, s1;
	s8 =	simm.s32 @!p0 $0x1BF5;
	p2 =	por !p2, p0  }
0x20: {  	[sflag:s8] =	ssyncset.s32 @!p0 $0xFFFFF086;
	s6 =	sadd.s32 @!p0 s3, s7;
	s7 =	simm.s32 @!p0 $0x108  }
0x21: {  	s3 =	sadd.s32 s3, s9;
	s6 =	sadd.s32 @!p0 $0x88, s6;
	s7 =	simm.s32 @p2 $0x1082  }
0x22: {  	[simem:s7], [sflag:s8] =	dma.local @!p0 [hbm:s6], $0xF7A  }
0x23: {  	s9 =	sor.u32 $0xD0000000, s2;
	s6 =	simm.s32 $0x108;
	_ =	swait.ge @!p0 [sflag:s8], $0x0  }
0x24: {  	s3 =	sadd.s32 $0x88, s3;
	s6 =	simm.s32 @!p1 $0x1082;
	[sflag:s4] =	ssyncset.s32 $0xFFFFF086  }
0x25: {  	[simem:s6], [sflag:s4] =	dma.local [hbm:s3], $0xF7A  }
0x26: {  	[smem:$0x3F9F] =	sst s1;
	(tag) =	ssettag s2;
	_ =	strace s9  }
0x27: {  	s1 =	sld [smem:$0x3FAF]  }
0x28: {  	s2 =	sld [smem:$0x3FB0]  }
0x29: {  	s4 =	sld [smem:$0x3FB2]  }
0x2a: {  	p0 =	seq.s32 s5, $0x0;
	s5 =	sld [smem:$0x3FB3]  }
0x2b: {  	s6 =	sld [smem:$0x3FB4]  }
0x2c: {  	s7 =	sld [smem:$0x3FB5]  }
0x2d: {  	s3 =	simm.s32 $0x108;
	s8 =	sld [smem:$0x3FB6]  }
0x2e: {  	s3 =	simm.s32 @!p0 $0x1082;
	s9 =	sld [smem:$0x3FB7]  }
0x2f: {  	lr =	sadd.s32 s0, s3;
	s0 =	sld [smem:$0x3FAE]  }
0x30: {  	s3 =	sld [smem:$0x3FB1]  }
0x31: {  	[smem:$0x3FBA] =	sst s10  }
0x32: {  	s10 =	sld [smem:$0x3FB8];
	_ =	sdelay $0x3  }
0x33: {  	p0 =	seq.s32 s10, $0x1;
	s10 =	sld [smem:$0x3FBA];
	_ =	sdelay $0x3  }
0x34: {  	[smem:$0x3FBA] =	sst s10  }
0x35: {  	s10 =	sld [smem:$0x3FB9];
	_ =	sdelay $0x3  }
0x36: {  	p1 =	seq.s32 s10, $0x1;
	s10 =	sld [smem:$0x3FBA];
	_ =	sdelay $0x3  }
0x37: {  	[smem:$0x3FBA] =	sst s10  }
0x38: {  	s10 =	sld [smem:$0x3FBB]  }
0x39: {  	_ = 	snop;
	(pc) =	sbr.ind lr, $3  }
0x3a: {  	_ = 	snop  }
0x3b: {  	_ = 	snop  }
0x3c: {  	p2 =	seq.s32 s10, $0x1;
	s10 =	sld [smem:$0x3FBA]  }
0x3d: {  	_ =	shalt  }
0x3e: {  	_ =	shalt  }
0x3f: {  	_ =	shalt  }
0x40: {  	_ =	shalt  }
0x41: {  	_ =	shalt  }
0x42: {  	_ =	shalt  }
0x43: {  	_ =	shalt  }
0x44: {  	_ =	shalt  }
0x45: {  	_ =	shalt  }
0x46: {  	_ =	shalt  }
0x47: {  	_ =	shalt  }
0x48: {  	_ =	shalt  }
0x49: {  	_ =	shalt  }
0x4a: {  	_ =	shalt  }
0x4b: {  	_ =	shalt  }
0x4c: {  	_ =	shalt  }
0x4d: {  	_ =	shalt  }
0x4e: {  	_ =	shalt  }
0x4f: {  	_ =	shalt  }
0x50: {  	_ =	shalt  }
0x51: {  	_ =	shalt  }
0x52: {  	_ =	shalt  }
0x53: {  	_ =	shalt  }
0x54: {  	_ =	shalt  }
0x55: {  	_ =	shalt  }
0x56: {  	_ =	shalt  }
0x57: {  	_ =	shalt  }
0x58: {  	_ =	shalt  }
0x59: {  	_ =	shalt  }
0x5a: {  	_ =	shalt  }
0x5b: {  	_ =	shalt  }
0x5c: {  	_ =	shalt  }
0x5d: {  	_ =	shalt  }
0x5e: {  	_ =	shalt  }
0x5f: {  	_ =	shalt  }
0x60: {  	_ =	shalt  }
0x61: {  	_ =	shalt  }
0x62: {  	_ =	shalt  }
0x63: {  	_ =	shalt  }
0x64: {  	_ =	shalt  }
0x65: {  	_ =	shalt  }
0x66: {  	_ =	shalt  }
0x67: {  	_ =	shalt  }
0x68: {  	_ =	shalt  }
0x69: {  	_ =	shalt  }
0x6a: {  	_ =	shalt  }
0x6b: {  	_ =	shalt  }
0x6c: {  	_ =	shalt  }
0x6d: {  	_ =	shalt  }
0x6e: {  	_ =	shalt  }
0x6f: {  	_ =	shalt  }
0x70: {  	_ =	shalt  }
0x71: {  	_ =	shalt  }
0x72: {  	_ =	shalt  }
0x73: {  	_ =	shalt  }
0x74: {  	_ =	shalt  }
0x75: {  	_ =	shalt  }
0x76: {  	_ =	shalt  }
0x77: {  	_ =	shalt  }
0x78: {  	_ =	shalt  }
0x79: {  	_ =	shalt  }
0x7a: {  	_ =	shalt  }
0x7b: {  	_ =	shalt  }
0x7c: {  	_ =	shalt  }
0x7d: {  	_ =	shalt  }
0x7e: {  	_ =	shalt  }
0x7f: {  	_ =	shalt  }
0x80: {  	_ =	shalt  }
0x81: {  	_ =	shalt  }
0x82: {  	_ =	shalt  }
0x83: {  	_ =	shalt  }
0x84: {  	_ =	shalt  }
0x85: {  	_ =	shalt  }
0x86: {  	_ =	shalt  }
0x87: {  	_ =	shalt  }
.Lfunc_end0:
.L_simem_size_0:
called_computation.3_lowered:
.L_overlay_start_0:
0x88: {  	s2 =	sld [smem:$0x3FD9]  }
0x89: {  	s3 =	sld [smem:$0x3FFE];
	_ =	sdelay $0x1  }
0x8a: {  	s1 =	srdreg.scid  }
0x8b: {  	s0 =	sand.u32 $0x1, s1  }
0x8c: {  	s14 =	sshll.u32 s0, $0xA;
	s2 =	sadd.s32 s3, s2  }
0x8d: {  	s2 =	sadd.s32 s2, s14  }
0x8e: {  	[smem:$0x3FC6] =	sst s2  }
0x8f: {  	_ = 	snop  }
0x90: {  	s2 =	sld [smem:$0x3FD0];
	_ =	sdelay $0x2  }
0x91: {  	s15 =	simm.s32 $0xA;
	s4 =	simm.s32 $0x10  }
0x92: {  	[smem:s4], [sflag:s15] =	dma.local [hbm:s2], $0x1  }
0x93: {  	_ =	swait.eq [sflag:s15], $0x1  }
0x94: {  	[sflag:s15] =	ssyncset.done $0x0  }
0x95: {  	[sflag:s15] =	ssyncadd.s32 $0xFFFFFFFF  }
0x96: {  	s16 =	sld [smem:$0x12];
	(tm) =	ssettm $0x1  }
0x97: {  	s17 =	sld [smem:$0x3FFB];
	_ =	sdelay $0x3  }
0x98: {  	_ =	strace s17  }
0x99: {  	s3 =	sld [smem:$0x3FFC];
	_ =	sdelay $0x3  }
0x9a: {  	_ =	strace s3  }
0x9b: {  	s3 =	sld [smem:$0x3FFD];
	_ =	sdelay $0x3  }
0x9c: {  	_ =	strace s3  }
0x9d: {  	_ =	strace $0x8FFFFFFF  }
0x9e: {  	s18 =	sld [smem:$0x3FDB];
	_ =	sdelay $0x1  }
0x9f: {  	s19 =	simm.s32 $_scs_section_size  }
0xa0: {  	s5 =	simm.s32 $_size__tile_overlayer_lowered;
	s6 =	simm.s32 $_tile_overlayer_lowered  }
0xa1: {  	s22 =	simm.s32 $0x1BFF;
	s21 =	sshll.u32 s6, $0x1;
	s3 =	sadd.s32 s19, s18  }
0xa2: {  	s7 =	simm.s32 $0x0;
	s20 =	sshll.u32 s5, $0x1;
	s5 =	sadd.s32 s21, s3  }
0xa3: {  	[timem:s7], [sflag:s22] =	dma.local [hbm:s5], s20  }
0xa4: {  	_ =	swait.ge [sflag:s22], s20  }
0xa5: {  	s4 =	ssub.s32 $0x0, s20;
	[sflag:s22] =	ssyncset.done $0x0  }
0xa6: {  	[sflag:s22] =	ssyncadd.s32 s4;
	_ =	sdelay $0x1  }
0xa7: {  	s23 =	simm.s32 $0x1B8B  }
0xa8: {  	_ =	swait.ge [sflag:s23], $0x1  }
0xa9: {  	[sflag:s23] =	ssyncset.done $0x0  }
0xaa: {  	s25 =	simm.s32 $0x1B8E;
	s24 =	sld [smem:$0x3FFE];
	[sflag:s23] =	ssyncadd.s32 $0xFFFFFFFF  }
0xab: {  	s26 =	simm.s32 $execute0_lowered;
	[smem:$0x3FD2] =	sst s25  }
0xac: {  	s5 =	sshll.u32 s26, $0x1;
	_ =	strace $0x8000004F;
	[dreg:$0x1] =	wrdreg $0xFFFFFFFF  }
0xad: {  	s28 =	simm.s32 $_size_execute0_lowered;
	s3 =	sadd.s32 s3, s5;
	[dreg:$0x0] =	wrdreg $0x0  }
0xae: {  	s5 =	sshll.u32 s28, $0x1;
	[dreg:$0x2] =	wrdreg s3  }
0xaf: {  	[dreg:$0x3] =	wrdreg s5  }
0xb0: {  	[dreg:$0x4] =	wrdreg $0xC0  }
0xb1: {  	_ =	task [dreg:s7], $0x5FFFF  }
0xb2: {  	[dreg:$0x1] =	wrdreg $0xFFFFFFFF  }
0xb3: {  	[dreg:$0x0] =	wrdreg $0x60  }
0xb4: {  	[dreg:$0x2] =	wrdreg s24  }
0xb5: {  	[dreg:$0x3] =	wrdreg s16  }
0xb6: {  	[dreg:$0x4] =	wrdreg $0x9  }
0xb7: {  	_ =	task.clear_ibuf [dreg:s7], $0x5FFFF;
	_ =	strace $0x9000004F  }
0xb8: {  	s29 =	simm.s32 $0x9;
	_ =	strace $0x80000051  }
0xb9: {  	_ =	swait.ge [sflag:s29], $0x1  }
0xba: {  	[sflag:s29] =	ssyncadd.s32 $0xFFFFFFFF  }
0xbb: {  	_ =	strace $0x90000051  }
0xbc: {  	_ =	sfence  }
0xbd: {  	s30 =	sld [smem:$0x0];
	_ =	sdelay $0x2  }
0xbe: {  	s31 =	sshll.u32 s1, $0xD;
	s1 =	sshrl.u32 s1, $0x2  }
0xbf: {  	s3 =	sand.u32 $0x4000, s31;
	s1 =	sadd.s32 s1, s30  }
0xc0: {  	s0 =	sor.u32 s3, s0;
	s1 =	sshll.u32 s1, $0x11  }
0xc1: {  	s0 =	sor.u32 s1, s0  }
0xc2: {  	s0 =	sadd.s32 $0x8F2B, s0  }
0xc3: {  	[sflag:s0] =	ssyncadd.remote.s32 $0x1  }
0xc4: {  	_ =	sfence.sel $0xFFFF  }
0xc5: {  	[dreg:$0x0] =	wrdreg $0xFFFFFFFF;
	(pc) =	sbr.abs _section_cstart, $3  }
0xc6: {  	[dreg:$0x1] =	wrdreg $0xFFFFFFFF  }
0xc7: {  	_ =	task.clear_ibuf [dreg:s7], $0x2FFFF;
	_ =	strace $0x9FFFFFFF  }
0xc8: {  	(tm) =	ssettm $0x7FFFFFFF  }
0xc9: {  	_ =	shalt  }
tec
execute0_lowered:
.L_overlay_start_1:
0x0: {  	(tag) =	ssettag $0x1  }
0x1: {  	s4 =	rddreg [dreg:$0x0]  }
0x2: {  	s5 =	rddreg [dreg:$0x1]  }
0x3: {  	s0 =	rddreg [dreg:$0x2];
	s2 =	simm.s32 $0x0  }
0x4: {  	s3 =	srdreg.scid;
	s1 =	stileid.u32;
	s10 =	simm.s32 $0x80  }
0x5: {  	s11 =	simm.s32 $0x100;
	s12 =	simm.s32 $0x4100;
	s13 =	simm.s32 $0x0  }
0x6: {  	[smem:$0x7FF] =	sst s2;
	s6 =	sand.u32 $0x1, s3;
	s7 =	sshll.u32 s1, $0x1  }
0x7: {  	s3 =	sadd.s32 $0x180000, s4;
	s7 =	sor.u32 s6, s7;
	s6 =	ssub.s32 $0x2, s6  }
0x8: {  	_ =	strace $0x80000050;
	s8 =	sshll.u32 s7, $0xC;
	s9 =	sshrl.u32 s6, $0x1  }
0x9: {  	s7 =	sshll.u32 s7, $0x5;
	s8 =	sadd.s32 s8, s4;
	s9 =	ssub.s32 s6, s9  }
0xa: {  	s4 =	sadd.s32 s5, s7;
	s5 =	sadd.s32 $0x140000, s8;
	s6 =	sadd.s32 $0x120000, s8  }
0xb: {  	s7 =	smax.u32 s9, $0x1;
	s8 =	simm.s32 $0x1;
	s9 =	simm.s32 $0x8100  }
.LBB2_1:
0xc: {  	[tilespmem:s2], [sflag:$0x1] =	stream.linear.gather [hbm4b:s4+s2], $0x100, $0x38;
	[tilespmem:$0x10100] =	vst v63  }
0xd: {  	_ =	swait.ge [sflag:s8], $0x100  }
0xe: {  	[sflag:s8] =	ssyncset.done $0x0  }
0xf: {  	[sflag:s8] =	ssyncadd.s32 $0xFFFFFF00  }
0x10: {  	[tilespmem:s9], [sflag:$0x1] =	stream.linear.gather [hbm4b:s5+s2], $0x8000, $0x38;
	[tilespmem:$0x10100] =	vst v63  }
0x11: {  	_ =	swait.ge [sflag:s8], $0x8000  }
0x12: {  	[sflag:s8] =	ssyncset.done $0x0  }
0x13: {  	[sflag:s8] =	ssyncadd.s32 $0xFFFF8000  }
0x14: {  	[tilespmem:s11], [sflag:$0x1] =	stream.indirect.gather [hbm4b:s3+s10], $0x80, s2, s10, $0xb8;
	[tilespmem:$0x10100] =	vst v63  }
0x15: {  	_ =	swait.ge [sflag:s8], $0x4000  }
0x16: {  	[sflag:s8] =	ssyncset.done $0x0  }
0x17: {  	[sflag:s8] =	ssyncadd.s32 $0xFFFFC000  }
0x18: {  	[tilespmem:s12], [sflag:$0x1] =	stream.indirect.gather [hbm4b:s3+s10], $0x80, s10, s10, $0xb8;
	[tilespmem:$0x10100] =	vst v63  }
0x19: {  	_ =	swait.ge [sflag:s8], $0x4000  }
0x1a: {  	[sflag:s8] =	ssyncset.done $0x0  }
0x1b: {  	s14 =	simm.s32 $0x0;
	[sflag:s8] =	ssyncadd.s32 $0xFFFFC000  }
0x1c: {  	v0 =	vld [tilespmem:s14+$0x100]  }
0x1d: {  	v1 =	vld [tilespmem:s14+$0x110]  }
0x1e: {  	s15 =	simm.s32 $0x200;
	v2 =	vld [tilespmem:s14+$0x8100]  }
.LBB2_2:
0x1f: {  	p0 =	sne.s32 s15, $0x1FE00;
	v3 =	vld [tilespmem:s14+$0x8110];
	_ =	sdelay $0x2  }
.Ltmp0:
0x20: {  	(pc) =	sbr.rel @p0 .LBB2_2-.Ltmp0, $4  }
0x21: {  	s16 =	sshra.s32 s15, $0x2;
	v2 =	vsub.f32 v2, v0  }
0x22: {  	v0 =	vld [tilespmem:s16+$0x100];
	v3 =	vsub.f32 v3, v1  }
0x23: {  	v1 =	vld [tilespmem:s16+$0x110];
	[tilespmem:s14+$0x8100] =	vst v2  }
0x24: {  	s15 =	sadd.s32 $0x200, s15;
	v2 =	vld [tilespmem:s16+$0x8100];
	[tilespmem:s14+$0x8110] =	vst v3;
	s14 =	smov.u32 s16  }
0x25: {  	v3 =	vld [tilespmem:s14+$0x8110];
	_ =	sdelay $0x3  }
0x26: {  	v0 =	vsub.f32 v2, v0  }
0x27: {  	s13 =	sadd.s32 $0x1, s13;
	v1 =	vsub.f32 v3, v1  }
0x28: {  	p0 =	sne.s32 s13, s7;
	[tilespmem:s14+$0x8100] =	vst v0  }
.Ltmp1:
0x29: {  	[tilespmem:s14+$0x8110] =	vst v1;
	(pc) =	sbr.rel @p0 .LBB2_1-.Ltmp1, $4  }
0x2a: {  	[hbm4b:s6+s2] =	stream.linear.scatter [tilespmem:s9], [sflag:$0x1], $0x8000, $0x38;
	[tilespmem:$0x10100] =	vst v63  }
0x2b: {  	_ =	swait.ge [sflag:s8], $0x8000  }
0x2c: {  	[sflag:s8] =	ssyncset.done $0x0  }
0x2d: {  	[sflag:s8] =	ssyncadd.s32 $0xFFFF8000  }
0x2e: {  	_ =	sfence.sel $0x180000  }
0x2f: {  	[bflag:$0x0] =	sbarrier.arrive $0xFFFF  }
0x30: {  	p0 =	sne.s32 s1, $0x0;
	_ =	strace $0x90000050  }
0x31: {  	s0 =	sadd.s32 @!p0 $0x100000, s0;
	[bflag:$0x2] =	sbarrier.arrive $0xFFFF  }
0x32: {  	[sflag:s0] =	ssyncadd.tile.s32 @!p0 $0x1;
	_ =	shalt  }
.Lfunc_end2:
_tile_overlayer_lowered:
.L_overlay_start_2:
0x33: {  	(tag) =	ssettag $0x2  }
0x34: {  	s0 =	rddreg [dreg:$0x0];
	s2 =	stileid.u32  }
0x35: {  	s1 =	rddreg [dreg:$0x1];
	p0 =	sne.s32 s2, $0x0  }
0x36: {  	s3 =	rddreg [dreg:$0x2];
	[bflag:$0x3] =	sbarrier.arrive $0xFFFF;
	s2 =	simm.s32 @!p0 $0x1C01  }
0x37: {  	[timem:s3], [sflag:s2] =	dma.local @!p0 [hbm:s0], s1  }
0x38: {  	s0 =	simm.s32 @!p0 $0x1  }
0x39: {  	_ =	swait.ge @!p0 [sflag:s0], s1  }
0x3a: {  	s1 =	ssub.s32 @!p0 $0x0, s1;
	[sflag:s0] =	ssyncset.done @!p0 $0x0  }
0x3b: {  	[sflag:s0] =	ssyncadd.s32 @!p0 s1  }
0x3c: {  	[bflag:$0x3] =	sbarrier.arrive $0xFFFF  }
0x3d: {  	_ =	shalt  }

// kernel: kernel.30.cloned.1.call-start
scs
__scs_entry_jumppad:
0x0: {  	(pc) =	sbr.rel $0x88, $3  }
0x1: {  	(tag) =	ssettag $0x0;
	lr =	simm.s32 $0x1  }
0x2: {  	[smem:$0x3F9F] =	sst lr;
	_ =	strace $0xD0000000  }
0x3: {  	_ = 	snop  }
0x4: {  	_ = 	snop  }
0x5: {  	_ = 	snop  }
0x6: {  	_ = 	snop  }
0x7: {  	_ = 	snop  }
__scs_overlays_trampoline_lowered:
0x8: {  	[smem:$0x3FAE] =	sst s0  }
0x9: {  	[smem:$0x3FAF] =	sst s1  }
0xa: {  	[smem:$0x3FB0] =	sst s2  }
0xb: {  	[smem:$0x3FB1] =	sst s3  }
0xc: {  	[smem:$0x3FB2] =	sst s4  }
0xd: {  	[smem:$0x3FB3] =	sst s5  }
0xe: {  	[smem:$0x3FB4] =	sst s6  }
0xf: {  	[smem:$0x3FB5] =	sst s7  }
0x10: {  	[smem:$0x3FB6] =	sst s8  }
0x11: {  	[smem:$0x3FB7] =	sst s9;
	s0 =	simm.s32 @!p0 $0x0  }
0x12: {  	s1 =	sld [smem:$0x3F9D];
	s0 =	simm.s32 @p0 $0x1  }
0x13: {  	[smem:$0x3FB8] =	sst s0;
	s0 =	simm.s32 @!p1 $0x0  }
0x14: {  	s2 =	sld [smem:$0x3F9C];
	s0 =	simm.s32 @p1 $0x1  }
0x15: {  	[smem:$0x3FB9] =	sst s0;
	s0 =	simm.s32 @!p2 $0x0  }
0x16: {  	s3 =	sld [smem:$0x3FDB];
	s0 =	simm.s32 @p2 $0x1  }
0x17: {  	s4 =	simm.s32 $0x1BF5;
	[smem:$0x3FBB] =	sst s0  }
0x18: {  	s0 =	sld [smem:$0x3F9E];
	_ =	swait.ge [sflag:s4], $0x0  }
0x19: {  	s7 =	sld [smem:$0x3F9F]  }
0x1a: {  	s8 =	sadd.s32 $0xFFFFE003, lr  }
0x1b: {  	s9 =	sadd.s32 $0xFFFFFEF7, lr;
	s5 =	simm.s32 $0xFFFFFFFF;
	p2 =	slt.u32 s8, $0xFFFFF086  }
0x1c: {  	p1 =	slt.u32 s9, $0xF7A;
	s5 =	simm.s32 @!p2 $0x0  }
0x1d: {  	s5 =	simm.s32 @p1 $0x1;
	p0 =	seq.s32 s7, s2  }
0x1e: {  	s7 =	smul.u32 @!p0 $0xF7A, s2;
	p2 =	seq.s32 @!p0 s5, $0x0  }
0x1f: {  	s9 =	smul.u32 $0xF7A, s1;
	s8 =	simm.s32 @!p0 $0x1BF5;
	p2 =	por !p2, p0  }
0x20: {  	[sflag:s8] =	ssyncset.s32 @!p0 $0xFFFFF086;
	s6 =	sadd.s32 @!p0 s3, s7;
	s7 =	simm.s32 @!p0 $0x108  }
0x21: {  	s3 =	sadd.s32 s3, s9;
	s6 =	sadd.s32 @!p0 $0x88, s6;
	s7 =	simm.s32 @p2 $0x1082  }
0x22: {  	[simem:s7], [sflag:s8] =	dma.local @!p0 [hbm:s6], $0xF7A  }
0x23: {  	s9 =	sor.u32 $0xD0000000, s2;
	s6 =	simm.s32 $0x108;
	_ =	swait.ge @!p0 [sflag:s8], $0x0  }
0x24: {  	s3 =	sadd.s32 $0x88, s3;
	s6 =	simm.s32 @!p1 $0x1082;
	[sflag:s4] =	ssyncset.s32 $0xFFFFF086  }
0x25: {  	[simem:s6], [sflag:s4] =	dma.local [hbm:s3], $0xF7A  }
0x26: {  	[smem:$0x3F9F] =	sst s1;
	(tag) =	ssettag s2;
	_ =	strace s9  }
0x27: {  	s1 =	sld [smem:$0x3FAF]  }
0x28: {  	s2 =	sld [smem:$0x3FB0]  }
0x29: {  	s4 =	sld [smem:$0x3FB2]  }
0x2a: {  	p0 =	seq.s32 s5, $0x0;
	s5 =	sld [smem:$0x3FB3]  }
0x2b: {  	s6 =	sld [smem:$0x3FB4]  }
0x2c: {  	s7 =	sld [smem:$0x3FB5]  }
0x2d: {  	s3 =	simm.s32 $0x108;
	s8 =	sld [smem:$0x3FB6]  }
0x2e: {  	s3 =	simm.s32 @!p0 $0x1082;
	s9 =	sld [smem:$0x3FB7]  }
0x2f: {  	lr =	sadd.s32 s0, s3;
	s0 =	sld [smem:$0x3FAE]  }
0x30: {  	s3 =	sld [smem:$0x3FB1]  }
0x31: {  	[smem:$0x3FBA] =	sst s10  }
0x32: {  	s10 =	sld [smem:$0x3FB8];
	_ =	sdelay $0x3  }
0x33: {  	p0 =	seq.s32 s10, $0x1;
	s10 =	sld [smem:$0x3FBA];
	_ =	sdelay $0x3  }
0x34: {  	[smem:$0x3FBA] =	sst s10  }
0x35: {  	s10 =	sld [smem:$0x3FB9];
	_ =	sdelay $0x3  }
0x36: {  	p1 =	seq.s32 s10, $0x1;
	s10 =	sld [smem:$0x3FBA];
	_ =	sdelay $0x3  }
0x37: {  	[smem:$0x3FBA] =	sst s10  }
0x38: {  	s10 =	sld [smem:$0x3FBB]  }
0x39: {  	_ = 	snop;
	(pc) =	sbr.ind lr, $3  }
0x3a: {  	_ = 	snop  }
0x3b: {  	_ = 	snop  }
0x3c: {  	p2 =	seq.s32 s10, $0x1;
	s10 =	sld [smem:$0x3FBA]  }
0x3d: {  	_ =	shalt  }
0x3e: {  	_ =	shalt  }
0x3f: {  	_ =	shalt  }
0x40: {  	_ =	shalt  }
0x41: {  	_ =	shalt  }
0x42: {  	_ =	shalt  }
0x43: {  	_ =	shalt  }
0x44: {  	_ =	shalt  }
0x45: {  	_ =	shalt  }
0x46: {  	_ =	shalt  }
0x47: {  	_ =	shalt  }
0x48: {  	_ =	shalt  }
0x49: {  	_ =	shalt  }
0x4a: {  	_ =	shalt  }
0x4b: {  	_ =	shalt  }
0x4c: {  	_ =	shalt  }
0x4d: {  	_ =	shalt  }
0x4e: {  	_ =	shalt  }
0x4f: {  	_ =	shalt  }
0x50: {  	_ =	shalt  }
0x51: {  	_ =	shalt  }
0x52: {  	_ =	shalt  }
0x53: {  	_ =	shalt  }
0x54: {  	_ =	shalt  }
0x55: {  	_ =	shalt  }
0x56: {  	_ =	shalt  }
0x57: {  	_ =	shalt  }
0x58: {  	_ =	shalt  }
0x59: {  	_ =	shalt  }
0x5a: {  	_ =	shalt  }
0x5b: {  	_ =	shalt  }
0x5c: {  	_ =	shalt  }
0x5d: {  	_ =	shalt  }
0x5e: {  	_ =	shalt  }
0x5f: {  	_ =	shalt  }
0x60: {  	_ =	shalt  }
0x61: {  	_ =	shalt  }
0x62: {  	_ =	shalt  }
0x63: {  	_ =	shalt  }
0x64: {  	_ =	shalt  }
0x65: {  	_ =	shalt  }
0x66: {  	_ =	shalt  }
0x67: {  	_ =	shalt  }
0x68: {  	_ =	shalt  }
0x69: {  	_ =	shalt  }
0x6a: {  	_ =	shalt  }
0x6b: {  	_ =	shalt  }
0x6c: {  	_ =	shalt  }
0x6d: {  	_ =	shalt  }
0x6e: {  	_ =	shalt  }
0x6f: {  	_ =	shalt  }
0x70: {  	_ =	shalt  }
0x71: {  	_ =	shalt  }
0x72: {  	_ =	shalt  }
0x73: {  	_ =	shalt  }
0x74: {  	_ =	shalt  }
0x75: {  	_ =	shalt  }
0x76: {  	_ =	shalt  }
0x77: {  	_ =	shalt  }
0x78: {  	_ =	shalt  }
0x79: {  	_ =	shalt  }
0x7a: {  	_ =	shalt  }
0x7b: {  	_ =	shalt  }
0x7c: {  	_ =	shalt  }
0x7d: {  	_ =	shalt  }
0x7e: {  	_ =	shalt  }
0x7f: {  	_ =	shalt  }
0x80: {  	_ =	shalt  }
0x81: {  	_ =	shalt  }
0x82: {  	_ =	shalt  }
0x83: {  	_ =	shalt  }
0x84: {  	_ =	shalt  }
0x85: {  	_ =	shalt  }
0x86: {  	_ =	shalt  }
0x87: {  	_ =	shalt  }
.Lfunc_end0:
.L_simem_size_0:
called_computation.4_lowered:
.L_overlay_start_0:
0x88: {  	s2 =	sld [smem:$0x3FD9]  }
0x89: {  	s3 =	sld [smem:$0x3FFE];
	_ =	sdelay $0x1  }
0x8a: {  	s1 =	srdreg.scid  }
0x8b: {  	s0 =	sand.u32 $0x1, s1  }
0x8c: {  	s14 =	sshll.u32 s0, $0xA;
	s2 =	sadd.s32 s3, s2  }
0x8d: {  	s2 =	sadd.s32 s2, s14  }
0x8e: {  	[smem:$0x3FC6] =	sst s2  }
0x8f: {  	_ = 	snop  }
0x90: {  	s2 =	sld [smem:$0x3FD0];
	_ =	sdelay $0x2  }
0x91: {  	s15 =	simm.s32 $0xA;
	s4 =	simm.s32 $0x10  }
0x92: {  	[smem:s4], [sflag:s15] =	dma.local [hbm:s2], $0x1  }
0x93: {  	_ =	swait.eq [sflag:s15], $0x1  }
0x94: {  	[sflag:s15] =	ssyncset.done $0x0  }
0x95: {  	[sflag:s15] =	ssyncadd.s32 $0xFFFFFFFF  }
0x96: {  	s16 =	sld [smem:$0x12];
	(tm) =	ssettm $0x1  }
0x97: {  	s17 =	sld [smem:$0x3FFB];
	_ =	sdelay $0x3  }
0x98: {  	_ =	strace s17  }
0x99: {  	s3 =	sld [smem:$0x3FFC];
	_ =	sdelay $0x3  }
0x9a: {  	_ =	strace s3  }
0x9b: {  	s3 =	sld [smem:$0x3FFD];
	_ =	sdelay $0x3  }
0x9c: {  	_ =	strace s3  }
0x9d: {  	_ =	strace $0x8FFFFFFF  }
0x9e: {  	s18 =	sld [smem:$0x3FDB];
	_ =	sdelay $0x1  }
0x9f: {  	s19 =	simm.s32 $_scs_section_size  }
0xa0: {  	s5 =	simm.s32 $_size__tile_overlayer_lowered;
	s6 =	simm.s32 $_tile_overlayer_lowered  }
0xa1: {  	s22 =	simm.s32 $0x1BFF;
	s21 =	sshll.u32 s6, $0x1;
	s3 =	sadd.s32 s19, s18  }
0xa2: {  	s7 =	simm.s32 $0x0;
	s20 =	sshll.u32 s5, $0x1;
	s5 =	sadd.s32 s21, s3  }
0xa3: {  	[timem:s7], [sflag:s22] =	dma.local [hbm:s5], s20  }
0xa4: {  	_ =	swait.ge [sflag:s22], s20  }
0xa5: {  	s4 =	ssub.s32 $0x0, s20;
	[sflag:s22] =	ssyncset.done $0x0  }
0xa6: {  	[sflag:s22] =	ssyncadd.s32 s4;
	_ =	sdelay $0x1  }
0xa7: {  	s23 =	simm.s32 $0x1B8B  }
0xa8: {  	_ =	swait.ge [sflag:s23], $0x1  }
0xa9: {  	[sflag:s23] =	ssyncset.done $0x0  }
0xaa: {  	s25 =	simm.s32 $0x1B8E;
	s24 =	sld [smem:$0x3FFE];
	[sflag:s23] =	ssyncadd.s32 $0xFFFFFFFF  }
0xab: {  	s26 =	simm.s32 $execute0_lowered;
	[smem:$0x3FD2] =	sst s25  }
0xac: {  	s5 =	sshll.u32 s26, $0x1;
	_ =	strace $0x80000052;
	[dreg:$0x1] =	wrdreg $0xFFFFFFFF  }
0xad: {  	s28 =	simm.s32 $_size_execute0_lowered;
	s3 =	sadd.s32 s3, s5;
	[dreg:$0x0] =	wrdreg $0x0  }
0xae: {  	s5 =	sshll.u32 s28, $0x1;
	[dreg:$0x2] =	wrdreg s3  }
0xaf: {  	[dreg:$0x3] =	wrdreg s5  }
0xb0: {  	[dreg:$0x4] =	wrdreg $0xC0  }
0xb1: {  	_ =	task [dreg:s7], $0x5FFFF  }
0xb2: {  	[dreg:$0x1] =	wrdreg $0xFFFFFFFF  }
0xb3: {  	[dreg:$0x0] =	wrdreg $0x60  }
0xb4: {  	[dreg:$0x2] =	wrdreg s24  }
0xb5: {  	[dreg:$0x3] =	wrdreg s16  }
0xb6: {  	[dreg:$0x4] =	wrdreg $0x9  }
0xb7: {  	_ =	task.clear_ibuf [dreg:s7], $0x5FFFF;
	_ =	strace $0x90000052  }
0xb8: {  	s29 =	simm.s32 $0x9;
	_ =	strace $0x80000054  }
0xb9: {  	_ =	swait.ge [sflag:s29], $0x1  }
0xba: {  	[sflag:s29] =	ssyncadd.s32 $0xFFFFFFFF  }
0xbb: {  	_ =	strace $0x90000054  }
0xbc: {  	_ =	sfence  }
0xbd: {  	s30 =	sld [smem:$0x0];
	_ =	sdelay $0x2  }
0xbe: {  	s31 =	sshll.u32 s1, $0xD;
	s1 =	sshrl.u32 s1, $0x2  }
0xbf: {  	s3 =	sand.u32 $0x4000, s31;
	s1 =	sadd.s32 s1, s30  }
0xc0: {  	s0 =	sor.u32 s3, s0;
	s1 =	sshll.u32 s1, $0x11  }
0xc1: {  	s0 =	sor.u32 s1, s0  }
0xc2: {  	s0 =	sadd.s32 $0x8F2B, s0  }
0xc3: {  	[sflag:s0] =	ssyncadd.remote.s32 $0x1  }
0xc4: {  	_ =	sfence.sel $0xFFFF  }
0xc5: {  	[dreg:$0x0] =	wrdreg $0xFFFFFFFF;
	(pc) =	sbr.abs _section_cstart, $3  }
0xc6: {  	[dreg:$0x1] =	wrdreg $0xFFFFFFFF  }
0xc7: {  	_ =	task.clear_ibuf [dreg:s7], $0x2FFFF;
	_ =	strace $0x9FFFFFFF  }
0xc8: {  	(tm) =	ssettm $0x7FFFFFFF  }
0xc9: {  	_ =	shalt  }
tec
execute0_lowered:
.L_overlay_start_1:
0x0: {  	(tag) =	ssettag $0x1  }
0x1: {  	s4 =	rddreg [dreg:$0x0]  }
0x2: {  	s5 =	rddreg [dreg:$0x1]  }
0x3: {  	s0 =	rddreg [dreg:$0x2];
	s2 =	simm.s32 $0x0  }
0x4: {  	s3 =	srdreg.scid;
	s1 =	stileid.u32;
	s10 =	simm.s32 $0x80  }
0x5: {  	s11 =	simm.s32 $0x100;
	s12 =	simm.s32 $0x4100;
	s13 =	simm.s32 $0x0  }
0x6: {  	[smem:$0x7FF] =	sst s2;
	s6 =	sand.u32 $0x1, s3;
	s7 =	sshll.u32 s1, $0x1  }
0x7: {  	s3 =	sadd.s32 $0x1A0000, s4;
	s7 =	sor.u32 s6, s7;
	s6 =	ssub.s32 $0x2, s6  }
0x8: {  	_ =	strace $0x80000053;
	s8 =	sshll.u32 s7, $0xC;
	s9 =	sshrl.u32 s6, $0x1  }
0x9: {  	s7 =	sshll.u32 s7, $0x5;
	s8 =	sadd.s32 s8, s4;
	s9 =	ssub.s32 s6, s9  }
0xa: {  	s4 =	sadd.s32 s5, s7;
	s5 =	sadd.s32 $0x120000, s8;
	s6 =	sadd.s32 $0x140000, s8  }
0xb: {  	s7 =	smax.u32 s9, $0x1;
	s8 =	simm.s32 $0x1;
	s9 =	simm.s32 $0x8100  }
.LBB2_1:
0xc: {  	[tilespmem:s2], [sflag:$0x1] =	stream.linear.gather [hbm4b:s4+s2], $0x100, $0x38;
	[tilespmem:$0x10100] =	vst v63  }
0xd: {  	_ =	swait.ge [sflag:s8], $0x100  }
0xe: {  	[sflag:s8] =	ssyncset.done $0x0  }
0xf: {  	[sflag:s8] =	ssyncadd.s32 $0xFFFFFF00  }
0x10: {  	[tilespmem:s9], [sflag:$0x1] =	stream.linear.gather [hbm4b:s5+s2], $0x8000, $0x38;
	[tilespmem:$0x10100] =	vst v63  }
0x11: {  	_ =	swait.ge [sflag:s8], $0x8000  }
0x12: {  	[sflag:s8] =	ssyncset.done $0x0  }
0x13: {  	[sflag:s8] =	ssyncadd.s32 $0xFFFF8000  }
0x14: {  	[tilespmem:s11], [sflag:$0x1] =	stream.indirect.gather [hbm4b:s3+s10], $0x80, s2, s10, $0xb8;
	[tilespmem:$0x10100] =	vst v63  }
0x15: {  	_ =	swait.ge [sflag:s8], $0x4000  }
0x16: {  	[sflag:s8] =	ssyncset.done $0x0  }
0x17: {  	[sflag:s8] =	ssyncadd.s32 $0xFFFFC000  }
0x18: {  	[tilespmem:s12], [sflag:$0x1] =	stream.indirect.gather [hbm4b:s3+s10], $0x80, s10, s10, $0xb8;
	[tilespmem:$0x10100] =	vst v63  }
0x19: {  	_ =	swait.ge [sflag:s8], $0x4000  }
0x1a: {  	[sflag:s8] =	ssyncset.done $0x0  }
0x1b: {  	s14 =	simm.s32 $0x0;
	[sflag:s8] =	ssyncadd.s32 $0xFFFFC000  }
0x1c: {  	v0 =	vld [tilespmem:s14+$0x100]  }
0x1d: {  	v1 =	vld [tilespmem:s14+$0x110]  }
0x1e: {  	s15 =	simm.s32 $0x200;
	v2 =	vld [tilespmem:s14+$0x8100]  }
.LBB2_2:
0x1f: {  	p0 =	sne.s32 s15, $0x1FE00;
	v3 =	vld [tilespmem:s14+$0x8110];
	_ =	sdelay $0x2  }
.Ltmp0:
0x20: {  	(pc) =	sbr.rel @p0 .LBB2_2-.Ltmp0, $4  }
0x21: {  	s16 =	sshra.s32 s15, $0x2;
	v2 =	vsub.f32 v2, v0  }
0x22: {  	v0 =	vld [tilespmem:s16+$0x100];
	v3 =	vsub.f32 v3, v1  }
0x23: {  	v1 =	vld [tilespmem:s16+$0x110];
	[tilespmem:s14+$0x8100] =	vst v2  }
0x24: {  	s15 =	sadd.s32 $0x200, s15;
	v2 =	vld [tilespmem:s16+$0x8100];
	[tilespmem:s14+$0x8110] =	vst v3;
	s14 =	smov.u32 s16  }
0x25: {  	v3 =	vld [tilespmem:s14+$0x8110];
	_ =	sdelay $0x3  }
0x26: {  	v0 =	vsub.f32 v2, v0  }
0x27: {  	s13 =	sadd.s32 $0x1, s13;
	v1 =	vsub.f32 v3, v1  }
0x28: {  	p0 =	sne.s32 s13, s7;
	[tilespmem:s14+$0x8100] =	vst v0  }
.Ltmp1:
0x29: {  	[tilespmem:s14+$0x8110] =	vst v1;
	(pc) =	sbr.rel @p0 .LBB2_1-.Ltmp1, $4  }
0x2a: {  	[hbm4b:s6+s2] =	stream.linear.scatter [tilespmem:s9], [sflag:$0x1], $0x8000, $0x38;
	[tilespmem:$0x10100] =	vst v63  }
0x2b: {  	_ =	swait.ge [sflag:s8], $0x8000  }
0x2c: {  	[sflag:s8] =	ssyncset.done $0x0  }
0x2d: {  	[sflag:s8] =	ssyncadd.s32 $0xFFFF8000  }
0x2e: {  	_ =	sfence.sel $0x180000  }
0x2f: {  	[bflag:$0x0] =	sbarrier.arrive $0xFFFF  }
0x30: {  	p0 =	sne.s32 s1, $0x0;
	_ =	strace $0x90000053  }
0x31: {  	s0 =	sadd.s32 @!p0 $0x100000, s0;
	[bflag:$0x2] =	sbarrier.arrive $0xFFFF  }
0x32: {  	[sflag:s0] =	ssyncadd.tile.s32 @!p0 $0x1;
	_ =	shalt  }
.Lfunc_end2:
_tile_overlayer_lowered:
.L_overlay_start_2:
0x33: {  	(tag) =	ssettag $0x2  }
0x34: {  	s0 =	rddreg [dreg:$0x0];
	s2 =	stileid.u32  }
0x35: {  	s1 =	rddreg [dreg:$0x1];
	p0 =	sne.s32 s2, $0x0  }
0x36: {  	s3 =	rddreg [dreg:$0x2];
	[bflag:$0x3] =	sbarrier.arrive $0xFFFF;
	s2 =	simm.s32 @!p0 $0x1C01  }
0x37: {  	[timem:s3], [sflag:s2] =	dma.local @!p0 [hbm:s0], s1  }
0x38: {  	s0 =	simm.s32 @!p0 $0x1  }
0x39: {  	_ =	swait.ge @!p0 [sflag:s0], s1  }
0x3a: {  	s1 =	ssub.s32 @!p0 $0x0, s1;
	[sflag:s0] =	ssyncset.done @!p0 $0x0  }
0x3b: {  	[sflag:s0] =	ssyncadd.s32 @!p0 s1  }
0x3c: {  	[bflag:$0x3] =	sbarrier.arrive $0xFFFF  }
0x3d: {  	_ =	shalt  }

// kernel: kernel.33.cloned.1.call-start
scs
__scs_entry_jumppad:
0x0: {  	(pc) =	sbr.rel $0x88, $3  }
0x1: {  	(tag) =	ssettag $0x0;
	lr =	simm.s32 $0x1  }
0x2: {  	[smem:$0x3F9F] =	sst lr;
	_ =	strace $0xD0000000  }
0x3: {  	_ = 	snop  }
0x4: {  	_ = 	snop  }
0x5: {  	_ = 	snop  }
0x6: {  	_ = 	snop  }
0x7: {  	_ = 	snop  }
__scs_overlays_trampoline_lowered:
0x8: {  	[smem:$0x3FAE] =	sst s0  }
0x9: {  	[smem:$0x3FAF] =	sst s1  }
0xa: {  	[smem:$0x3FB0] =	sst s2  }
0xb: {  	[smem:$0x3FB1] =	sst s3  }
0xc: {  	[smem:$0x3FB2] =	sst s4  }
0xd: {  	[smem:$0x3FB3] =	sst s5  }
0xe: {  	[smem:$0x3FB4] =	sst s6  }
0xf: {  	[smem:$0x3FB5] =	sst s7  }
0x10: {  	[smem:$0x3FB6] =	sst s8  }
0x11: {  	[smem:$0x3FB7] =	sst s9;
	s0 =	simm.s32 @!p0 $0x0  }
0x12: {  	s1 =	sld [smem:$0x3F9D];
	s0 =	simm.s32 @p0 $0x1  }
0x13: {  	[smem:$0x3FB8] =	sst s0;
	s0 =	simm.s32 @!p1 $0x0  }
0x14: {  	s2 =	sld [smem:$0x3F9C];
	s0 =	simm.s32 @p1 $0x1  }
0x15: {  	[smem:$0x3FB9] =	sst s0;
	s0 =	simm.s32 @!p2 $0x0  }
0x16: {  	s3 =	sld [smem:$0x3FDB];
	s0 =	simm.s32 @p2 $0x1  }
0x17: {  	s4 =	simm.s32 $0x1BF5;
	[smem:$0x3FBB] =	sst s0  }
0x18: {  	s0 =	sld [smem:$0x3F9E];
	_ =	swait.ge [sflag:s4], $0x0  }
0x19: {  	s7 =	sld [smem:$0x3F9F]  }
0x1a: {  	s8 =	sadd.s32 $0xFFFFE003, lr  }
0x1b: {  	s9 =	sadd.s32 $0xFFFFFEF7, lr;
	s5 =	simm.s32 $0xFFFFFFFF;
	p2 =	slt.u32 s8, $0xFFFFF086  }
0x1c: {  	p1 =	slt.u32 s9, $0xF7A;
	s5 =	simm.s32 @!p2 $0x0  }
0x1d: {  	s5 =	simm.s32 @p1 $0x1;
	p0 =	seq.s32 s7, s2  }
0x1e: {  	s7 =	smul.u32 @!p0 $0xF7A, s2;
	p2 =	seq.s32 @!p0 s5, $0x0  }
0x1f: {  	s9 =	smul.u32 $0xF7A, s1;
	s8 =	simm.s32 @!p0 $0x1BF5;
	p2 =	por !p2, p0  }
0x20: {  	[sflag:s8] =	ssyncset.s32 @!p0 $0xFFFFF086;
	s6 =	sadd.s32 @!p0 s3, s7;
	s7 =	simm.s32 @!p0 $0x108  }
0x21: {  	s3 =	sadd.s32 s3, s9;
	s6 =	sadd.s32 @!p0 $0x88, s6;
	s7 =	simm.s32 @p2 $0x1082  }
0x22: {  	[simem:s7], [sflag:s8] =	dma.local @!p0 [hbm:s6], $0xF7A  }
0x23: {  	s9 =	sor.u32 $0xD0000000, s2;
	s6 =	simm.s32 $0x108;
	_ =	swait.ge @!p0 [sflag:s8], $0x0  }
0x24: {  	s3 =	sadd.s32 $0x88, s3;
	s6 =	simm.s32 @!p1 $0x1082;
	[sflag:s4] =	ssyncset.s32 $0xFFFFF086  }
0x25: {  	[simem:s6], [sflag:s4] =	dma.local [hbm:s3], $0xF7A  }
0x26: {  	[smem:$0x3F9F] =	sst s1;
	(tag) =	ssettag s2;
	_ =	strace s9  }
0x27: {  	s1 =	sld [smem:$0x3FAF]  }
0x28: {  	s2 =	sld [smem:$0x3FB0]  }
0x29: {  	s4 =	sld [smem:$0x3FB2]  }
0x2a: {  	p0 =	seq.s32 s5, $0x0;
	s5 =	sld [smem:$0x3FB3]  }
0x2b: {  	s6 =	sld [smem:$0x3FB4]  }
0x2c: {  	s7 =	sld [smem:$0x3FB5]  }
0x2d: {  	s3 =	simm.s32 $0x108;
	s8 =	sld [smem:$0x3FB6]  }
0x2e: {  	s3 =	simm.s32 @!p0 $0x1082;
	s9 =	sld [smem:$0x3FB7]  }
0x2f: {  	lr =	sadd.s32 s0, s3;
	s0 =	sld [smem:$0x3FAE]  }
0x30: {  	s3 =	sld [smem:$0x3FB1]  }
0x31: {  	[smem:$0x3FBA] =	sst s10  }
0x32: {  	s10 =	sld [smem:$0x3FB8];
	_ =	sdelay $0x3  }
0x33: {  	p0 =	seq.s32 s10, $0x1;
	s10 =	sld [smem:$0x3FBA];
	_ =	sdelay $0x3  }
0x34: {  	[smem:$0x3FBA] =	sst s10  }
0x35: {  	s10 =	sld [smem:$0x3FB9];
	_ =	sdelay $0x3  }
0x36: {  	p1 =	seq.s32 s10, $0x1;
	s10 =	sld [smem:$0x3FBA];
	_ =	sdelay $0x3  }
0x37: {  	[smem:$0x3FBA] =	sst s10  }
0x38: {  	s10 =	sld [smem:$0x3FBB]  }
0x39: {  	_ = 	snop;
	(pc) =	sbr.ind lr, $3  }
0x3a: {  	_ = 	snop  }
0x3b: {  	_ = 	snop  }
0x3c: {  	p2 =	seq.s32 s10, $0x1;
	s10 =	sld [smem:$0x3FBA]  }
0x3d: {  	_ =	shalt  }
0x3e: {  	_ =	shalt  }
0x3f: {  	_ =	shalt  }
0x40: {  	_ =	shalt  }
0x41: {  	_ =	shalt  }
0x42: {  	_ =	shalt  }
0x43: {  	_ =	shalt  }
0x44: {  	_ =	shalt  }
0x45: {  	_ =	shalt  }
0x46: {  	_ =	shalt  }
0x47: {  	_ =	shalt  }
0x48: {  	_ =	shalt  }
0x49: {  	_ =	shalt  }
0x4a: {  	_ =	shalt  }
0x4b: {  	_ =	shalt  }
0x4c: {  	_ =	shalt  }
0x4d: {  	_ =	shalt  }
0x4e: {  	_ =	shalt  }
0x4f: {  	_ =	shalt  }
0x50: {  	_ =	shalt  }
0x51: {  	_ =	shalt  }
0x52: {  	_ =	shalt  }
0x53: {  	_ =	shalt  }
0x54: {  	_ =	shalt  }
0x55: {  	_ =	shalt  }
0x56: {  	_ =	shalt  }
0x57: {  	_ =	shalt  }
0x58: {  	_ =	shalt  }
0x59: {  	_ =	shalt  }
0x5a: {  	_ =	shalt  }
0x5b: {  	_ =	shalt  }
0x5c: {  	_ =	shalt  }
0x5d: {  	_ =	shalt  }
0x5e: {  	_ =	shalt  }
0x5f: {  	_ =	shalt  }
0x60: {  	_ =	shalt  }
0x61: {  	_ =	shalt  }
0x62: {  	_ =	shalt  }
0x63: {  	_ =	shalt  }
0x64: {  	_ =	shalt  }
0x65: {  	_ =	shalt  }
0x66: {  	_ =	shalt  }
0x67: {  	_ =	shalt  }
0x68: {  	_ =	shalt  }
0x69: {  	_ =	shalt  }
0x6a: {  	_ =	shalt  }
0x6b: {  	_ =	shalt  }
0x6c: {  	_ =	shalt  }
0x6d: {  	_ =	shalt  }
0x6e: {  	_ =	shalt  }
0x6f: {  	_ =	shalt  }
0x70: {  	_ =	shalt  }
0x71: {  	_ =	shalt  }
0x72: {  	_ =	shalt  }
0x73: {  	_ =	shalt  }
0x74: {  	_ =	shalt  }
0x75: {  	_ =	shalt  }
0x76: {  	_ =	shalt  }
0x77: {  	_ =	shalt  }
0x78: {  	_ =	shalt  }
0x79: {  	_ =	shalt  }
0x7a: {  	_ =	shalt  }
0x7b: {  	_ =	shalt  }
0x7c: {  	_ =	shalt  }
0x7d: {  	_ =	shalt  }
0x7e: {  	_ =	shalt  }
0x7f: {  	_ =	shalt  }
0x80: {  	_ =	shalt  }
0x81: {  	_ =	shalt  }
0x82: {  	_ =	shalt  }
0x83: {  	_ =	shalt  }
0x84: {  	_ =	shalt  }
0x85: {  	_ =	shalt  }
0x86: {  	_ =	shalt  }
0x87: {  	_ =	shalt  }
.Lfunc_end0:
.L_simem_size_0:
called_computation.5_lowered:
.L_overlay_start_0:
0x88: {  	s2 =	sld [smem:$0x3FD9]  }
0x89: {  	s3 =	sld [smem:$0x3FFE];
	_ =	sdelay $0x1  }
0x8a: {  	s1 =	srdreg.scid  }
0x8b: {  	s0 =	sand.u32 $0x1, s1  }
0x8c: {  	s14 =	sshll.u32 s0, $0xA;
	s2 =	sadd.s32 s3, s2  }
0x8d: {  	s2 =	sadd.s32 s2, s14  }
0x8e: {  	[smem:$0x3FC6] =	sst s2  }
0x8f: {  	_ = 	snop  }
0x90: {  	s2 =	sld [smem:$0x3FD0];
	_ =	sdelay $0x2  }
0x91: {  	s15 =	simm.s32 $0xA;
	s4 =	simm.s32 $0x10  }
0x92: {  	[smem:s4], [sflag:s15] =	dma.local [hbm:s2], $0x1  }
0x93: {  	_ =	swait.eq [sflag:s15], $0x1  }
0x94: {  	[sflag:s15] =	ssyncset.done $0x0  }
0x95: {  	[sflag:s15] =	ssyncadd.s32 $0xFFFFFFFF  }
0x96: {  	s16 =	sld [smem:$0x12];
	(tm) =	ssettm $0x1  }
0x97: {  	s17 =	sld [smem:$0x3FFB];
	_ =	sdelay $0x3  }
0x98: {  	_ =	strace s17  }
0x99: {  	s3 =	sld [smem:$0x3FFC];
	_ =	sdelay $0x3  }
0x9a: {  	_ =	strace s3  }
0x9b: {  	s3 =	sld [smem:$0x3FFD];
	_ =	sdelay $0x3  }
0x9c: {  	_ =	strace s3  }
0x9d: {  	_ =	strace $0x8FFFFFFF  }
0x9e: {  	s18 =	sld [smem:$0x3FDB];
	_ =	sdelay $0x1  }
0x9f: {  	s19 =	simm.s32 $_scs_section_size  }
0xa0: {  	s5 =	simm.s32 $_size__tile_overlayer_lowered;
	s6 =	simm.s32 $_tile_overlayer_lowered  }
0xa1: {  	s22 =	simm.s32 $0x1BFF;
	s21 =	sshll.u32 s6, $0x1;
	s3 =	sadd.s32 s19, s18  }
0xa2: {  	s7 =	simm.s32 $0x0;
	s20 =	sshll.u32 s5, $0x1;
	s5 =	sadd.s32 s21, s3  }
0xa3: {  	[timem:s7], [sflag:s22] =	dma.local [hbm:s5], s20  }
0xa4: {  	_ =	swait.ge [sflag:s22], s20  }
0xa5: {  	s4 =	ssub.s32 $0x0, s20;
	[sflag:s22] =	ssyncset.done $0x0  }
0xa6: {  	[sflag:s22] =	ssyncadd.s32 s4;
	_ =	sdelay $0x1  }
0xa7: {  	s23 =	simm.s32 $0x1B8B  }
0xa8: {  	_ =	swait.ge [sflag:s23], $0x1  }
0xa9: {  	[sflag:s23] =	ssyncset.done $0x0  }
0xaa: {  	s25 =	simm.s32 $0x1B8E;
	s24 =	sld [smem:$0x3FFE];
	[sflag:s23] =	ssyncadd.s32 $0xFFFFFFFF  }
0xab: {  	s26 =	simm.s32 $execute0_lowered;
	[smem:$0x3FD2] =	sst s25  }
0xac: {  	s5 =	sshll.u32 s26, $0x1;
	_ =	strace $0x80000055;
	[dreg:$0x1] =	wrdreg $0xFFFFFFFF  }
0xad: {  	s28 =	simm.s32 $_size_execute0_lowered;
	s3 =	sadd.s32 s3, s5;
	[dreg:$0x0] =	wrdreg $0x0  }
0xae: {  	s5 =	sshll.u32 s28, $0x1;
	[dreg:$0x2] =	wrdreg s3  }
0xaf: {  	[dreg:$0x3] =	wrdreg s5  }
0xb0: {  	[dreg:$0x4] =	wrdreg $0xC0  }
0xb1: {  	_ =	task [dreg:s7], $0x5FFFF  }
0xb2: {  	[dreg:$0x1] =	wrdreg $0xFFFFFFFF  }
0xb3: {  	[dreg:$0x0] =	wrdreg $0x60  }
0xb4: {  	[dreg:$0x2] =	wrdreg s24  }
0xb5: {  	[dreg:$0x3] =	wrdreg s16  }
0xb6: {  	[dreg:$0x4] =	wrdreg $0x9  }
0xb7: {  	_ =	task.clear_ibuf [dreg:s7], $0x5FFFF;
	_ =	strace $0x90000055  }
0xb8: {  	s29 =	simm.s32 $0x9;
	_ =	strace $0x80000057  }
0xb9: {  	_ =	swait.ge [sflag:s29], $0x1  }
0xba: {  	[sflag:s29] =	ssyncadd.s32 $0xFFFFFFFF  }
0xbb: {  	_ =	strace $0x90000057  }
0xbc: {  	_ =	sfence  }
0xbd: {  	s30 =	sld [smem:$0x0];
	_ =	sdelay $0x2  }
0xbe: {  	s31 =	sshll.u32 s1, $0xD;
	s1 =	sshrl.u32 s1, $0x2  }
0xbf: {  	s3 =	sand.u32 $0x4000, s31;
	s1 =	sadd.s32 s1, s30  }
0xc0: {  	s0 =	sor.u32 s3, s0;
	s1 =	sshll.u32 s1, $0x11  }
0xc1: {  	s0 =	sor.u32 s1, s0  }
0xc2: {  	s0 =	sadd.s32 $0x8F2B, s0  }
0xc3: {  	[sflag:s0] =	ssyncadd.remote.s32 $0x1  }
0xc4: {  	_ =	sfence.sel $0xFFFF  }
0xc5: {  	[dreg:$0x0] =	wrdreg $0xFFFFFFFF;
	(pc) =	sbr.abs _section_cstart, $3  }
0xc6: {  	[dreg:$0x1] =	wrdreg $0xFFFFFFFF  }
0xc7: {  	_ =	task.clear_ibuf [dreg:s7], $0x2FFFF;
	_ =	strace $0x9FFFFFFF  }
0xc8: {  	(tm) =	ssettm $0x7FFFFFFF  }
0xc9: {  	_ =	shalt  }
tec
execute0_lowered:
.L_overlay_start_1:
0x0: {  	(tag) =	ssettag $0x1  }
0x1: {  	s4 =	rddreg [dreg:$0x0]  }
0x2: {  	s5 =	rddreg [dreg:$0x1]  }
0x3: {  	s0 =	rddreg [dreg:$0x2];
	s2 =	simm.s32 $0x0  }
0x4: {  	s3 =	srdreg.scid;
	s1 =	stileid.u32;
	s10 =	simm.s32 $0x80  }
0x5: {  	s11 =	simm.s32 $0x100;
	s12 =	simm.s32 $0x4100;
	s13 =	simm.s32 $0x0  }
0x6: {  	[smem:$0x7FF] =	sst s2;
	s6 =	sand.u32 $0x1, s3;
	s7 =	sshll.u32 s1, $0x1  }
0x7: {  	s3 =	sadd.s32 $0x1C0000, s4;
	s7 =	sor.u32 s6, s7;
	s6 =	ssub.s32 $0x2, s6  }
0x8: {  	_ =	strace $0x80000056;
	s8 =	sshll.u32 s7, $0xC;
	s9 =	sshrl.u32 s6, $0x1  }
0x9: {  	s7 =	sshll.u32 s7, $0x5;
	s8 =	sadd.s32 s8, s4;
	s9 =	ssub.s32 s6, s9  }
0xa: {  	s4 =	sadd.s32 s5, s7;
	s5 =	sadd.s32 $0x140000, s8;
	s6 =	sadd.s32 $0x120000, s8  }
0xb: {  	s7 =	smax.u32 s9, $0x1;
	s8 =	simm.s32 $0x1;
	s9 =	simm.s32 $0x8100  }
.LBB2_1:
0xc: {  	[tilespmem:s2], [sflag:$0x1] =	stream.linear.gather [hbm4b:s4+s2], $0x100, $0x38;
	[tilespmem:$0x10100] =	vst v63  }
0xd: {  	_ =	swait.ge [sflag:s8], $0x100  }
0xe: {  	[sflag:s8] =	ssyncset.done $0x0  }
0xf: {  	[sflag:s8] =	ssyncadd.s32 $0xFFFFFF00  }
0x10: {  	[tilespmem:s9], [sflag:$0x1] =	stream.linear.gather [hbm4b:s5+s2], $0x8000, $0x38;
	[tilespmem:$0x10100] =	vst v63  }
0x11: {  	_ =	swait.ge [sflag:s8], $0x8000  }
0x12: {  	[sflag:s8] =	ssyncset.done $0x0  }
0x13: {  	[sflag:s8] =	ssyncadd.s32 $0xFFFF8000  }
0x14: {  	[tilespmem:s11], [sflag:$0x1] =	stream.indirect.gather [hbm4b:s3+s10], $0x80, s2, s10, $0xb8;
	[tilespmem:$0x10100] =	vst v63  }
0x15: {  	_ =	swait.ge [sflag:s8], $0x4000  }
0x16: {  	[sflag:s8] =	ssyncset.done $0x0  }
0x17: {  	[sflag:s8] =	ssyncadd.s32 $0xFFFFC000  }
0x18: {  	[tilespmem:s12], [sflag:$0x1] =	stream.indirect.gather [hbm4b:s3+s10], $0x80, s10, s10, $0xb8;
	[tilespmem:$0x10100] =	vst v63  }
0x19: {  	_ =	swait.ge [sflag:s8], $0x4000  }
0x1a: {  	[sflag:s8] =	ssyncset.done $0x0  }
0x1b: {  	s14 =	simm.s32 $0x0;
	[sflag:s8] =	ssyncadd.s32 $0xFFFFC000  }
0x1c: {  	v0 =	vld [tilespmem:s14+$0x100]  }
0x1d: {  	v1 =	vld [tilespmem:s14+$0x110]  }
0x1e: {  	s15 =	simm.s32 $0x200;
	v2 =	vld [tilespmem:s14+$0x8100]  }
.LBB2_2:
0x1f: {  	p0 =	sne.s32 s15, $0x1FE00;
	v3 =	vld [tilespmem:s14+$0x8110];
	_ =	sdelay $0x2  }
.Ltmp0:
0x20: {  	(pc) =	sbr.rel @p0 .LBB2_2-.Ltmp0, $4  }
0x21: {  	s16 =	sshra.s32 s15, $0x2;
	v2 =	vsub.f32 v2, v0  }
0x22: {  	v0 =	vld [tilespmem:s16+$0x100];
	v3 =	vsub.f32 v3, v1  }
0x23: {  	v1 =	vld [tilespmem:s16+$0x110];
	[tilespmem:s14+$0x8100] =	vst v2  }
0x24: {  	s15 =	sadd.s32 $0x200, s15;
	v2 =	vld [tilespmem:s16+$0x8100];
	[tilespmem:s14+$0x8110] =	vst v3;
	s14 =	smov.u32 s16  }
0x25: {  	v3 =	vld [tilespmem:s14+$0x8110];
	_ =	sdelay $0x3  }
0x26: {  	v0 =	vsub.f32 v2, v0  }
0x27: {  	s13 =	sadd.s32 $0x1, s13;
	v1 =	vsub.f32 v3, v1  }
0x28: {  	p0 =	sne.s32 s13, s7;
	[tilespmem:s14+$0x8100] =	vst v0  }
.Ltmp1:
0x29: {  	[tilespmem:s14+$0x8110] =	vst v1;
	(pc) =	sbr.rel @p0 .LBB2_1-.Ltmp1, $4  }
0x2a: {  	[hbm4b:s6+s2] =	stream.linear.scatter [tilespmem:s9], [sflag:$0x1], $0x8000, $0x38;
	[tilespmem:$0x10100] =	vst v63  }
0x2b: {  	_ =	swait.ge [sflag:s8], $0x8000  }
0x2c: {  	[sflag:s8] =	ssyncset.done $0x0  }
0x2d: {  	[sflag:s8] =	ssyncadd.s32 $0xFFFF8000  }
0x2e: {  	_ =	sfence.sel $0x180000  }
0x2f: {  	[bflag:$0x0] =	sbarrier.arrive $0xFFFF  }
0x30: {  	p0 =	sne.s32 s1, $0x0;
	_ =	strace $0x90000056  }
0x31: {  	s0 =	sadd.s32 @!p0 $0x100000, s0;
	[bflag:$0x2] =	sbarrier.arrive $0xFFFF  }
0x32: {  	[sflag:s0] =	ssyncadd.tile.s32 @!p0 $0x1;
	_ =	shalt  }
.Lfunc_end2:
_tile_overlayer_lowered:
.L_overlay_start_2:
0x33: {  	(tag) =	ssettag $0x2  }
0x34: {  	s0 =	rddreg [dreg:$0x0];
	s2 =	stileid.u32  }
0x35: {  	s1 =	rddreg [dreg:$0x1];
	p0 =	sne.s32 s2, $0x0  }
0x36: {  	s3 =	rddreg [dreg:$0x2];
	[bflag:$0x3] =	sbarrier.arrive $0xFFFF;
	s2 =	simm.s32 @!p0 $0x1C01  }
0x37: {  	[timem:s3], [sflag:s2] =	dma.local @!p0 [hbm:s0], s1  }
0x38: {  	s0 =	simm.s32 @!p0 $0x1  }
0x39: {  	_ =	swait.ge @!p0 [sflag:s0], s1  }
0x3a: {  	s1 =	ssub.s32 @!p0 $0x0, s1;
	[sflag:s0] =	ssyncset.done @!p0 $0x0  }
0x3b: {  	[sflag:s0] =	ssyncadd.s32 @!p0 s1  }
0x3c: {  	[bflag:$0x3] =	sbarrier.arrive $0xFFFF  }
0x3d: {  	_ =	shalt  }

// kernel: kernel.36.cloned.1.call-start
scs
__scs_entry_jumppad:
0x0: {  	(pc) =	sbr.rel $0x88, $3  }
0x1: {  	(tag) =	ssettag $0x0;
	lr =	simm.s32 $0x1  }
0x2: {  	[smem:$0x3F9F] =	sst lr;
	_ =	strace $0xD0000000  }
0x3: {  	_ = 	snop  }
0x4: {  	_ = 	snop  }
0x5: {  	_ = 	snop  }
0x6: {  	_ = 	snop  }
0x7: {  	_ = 	snop  }
__scs_overlays_trampoline_lowered:
0x8: {  	[smem:$0x3FAE] =	sst s0  }
0x9: {  	[smem:$0x3FAF] =	sst s1  }
0xa: {  	[smem:$0x3FB0] =	sst s2  }
0xb: {  	[smem:$0x3FB1] =	sst s3  }
0xc: {  	[smem:$0x3FB2] =	sst s4  }
0xd: {  	[smem:$0x3FB3] =	sst s5  }
0xe: {  	[smem:$0x3FB4] =	sst s6  }
0xf: {  	[smem:$0x3FB5] =	sst s7  }
0x10: {  	[smem:$0x3FB6] =	sst s8  }
0x11: {  	[smem:$0x3FB7] =	sst s9;
	s0 =	simm.s32 @!p0 $0x0  }
0x12: {  	s1 =	sld [smem:$0x3F9D];
	s0 =	simm.s32 @p0 $0x1  }
0x13: {  	[smem:$0x3FB8] =	sst s0;
	s0 =	simm.s32 @!p1 $0x0  }
0x14: {  	s2 =	sld [smem:$0x3F9C];
	s0 =	simm.s32 @p1 $0x1  }
0x15: {  	[smem:$0x3FB9] =	sst s0;
	s0 =	simm.s32 @!p2 $0x0  }
0x16: {  	s3 =	sld [smem:$0x3FDB];
	s0 =	simm.s32 @p2 $0x1  }
0x17: {  	s4 =	simm.s32 $0x1BF5;
	[smem:$0x3FBB] =	sst s0  }
0x18: {  	s0 =	sld [smem:$0x3F9E];
	_ =	swait.ge [sflag:s4], $0x0  }
0x19: {  	s7 =	sld [smem:$0x3F9F]  }
0x1a: {  	s8 =	sadd.s32 $0xFFFFE003, lr  }
0x1b: {  	s9 =	sadd.s32 $0xFFFFFEF7, lr;
	s5 =	simm.s32 $0xFFFFFFFF;
	p2 =	slt.u32 s8, $0xFFFFF086  }
0x1c: {  	p1 =	slt.u32 s9, $0xF7A;
	s5 =	simm.s32 @!p2 $0x0  }
0x1d: {  	s5 =	simm.s32 @p1 $0x1;
	p0 =	seq.s32 s7, s2  }
0x1e: {  	s7 =	smul.u32 @!p0 $0xF7A, s2;
	p2 =	seq.s32 @!p0 s5, $0x0  }
0x1f: {  	s9 =	smul.u32 $0xF7A, s1;
	s8 =	simm.s32 @!p0 $0x1BF5;
	p2 =	por !p2, p0  }
0x20: {  	[sflag:s8] =	ssyncset.s32 @!p0 $0xFFFFF086;
	s6 =	sadd.s32 @!p0 s3, s7;
	s7 =	simm.s32 @!p0 $0x108  }
0x21: {  	s3 =	sadd.s32 s3, s9;
	s6 =	sadd.s32 @!p0 $0x88, s6;
	s7 =	simm.s32 @p2 $0x1082  }
0x22: {  	[simem:s7], [sflag:s8] =	dma.local @!p0 [hbm:s6], $0xF7A  }
0x23: {  	s9 =	sor.u32 $0xD0000000, s2;
	s6 =	simm.s32 $0x108;
	_ =	swait.ge @!p0 [sflag:s8], $0x0  }
0x24: {  	s3 =	sadd.s32 $0x88, s3;
	s6 =	simm.s32 @!p1 $0x1082;
	[sflag:s4] =	ssyncset.s32 $0xFFFFF086  }
0x25: {  	[simem:s6], [sflag:s4] =	dma.local [hbm:s3], $0xF7A  }
0x26: {  	[smem:$0x3F9F] =	sst s1;
	(tag) =	ssettag s2;
	_ =	strace s9  }
0x27: {  	s1 =	sld [smem:$0x3FAF]  }
0x28: {  	s2 =	sld [smem:$0x3FB0]  }
0x29: {  	s4 =	sld [smem:$0x3FB2]  }
0x2a: {  	p0 =	seq.s32 s5, $0x0;
	s5 =	sld [smem:$0x3FB3]  }
0x2b: {  	s6 =	sld [smem:$0x3FB4]  }
0x2c: {  	s7 =	sld [smem:$0x3FB5]  }
0x2d: {  	s3 =	simm.s32 $0x108;
	s8 =	sld [smem:$0x3FB6]  }
0x2e: {  	s3 =	simm.s32 @!p0 $0x1082;
	s9 =	sld [smem:$0x3FB7]  }
0x2f: {  	lr =	sadd.s32 s0, s3;
	s0 =	sld [smem:$0x3FAE]  }
0x30: {  	s3 =	sld [smem:$0x3FB1]  }
0x31: {  	[smem:$0x3FBA] =	sst s10  }
0x32: {  	s10 =	sld [smem:$0x3FB8];
	_ =	sdelay $0x3  }
0x33: {  	p0 =	seq.s32 s10, $0x1;
	s10 =	sld [smem:$0x3FBA];
	_ =	sdelay $0x3  }
0x34: {  	[smem:$0x3FBA] =	sst s10  }
0x35: {  	s10 =	sld [smem:$0x3FB9];
	_ =	sdelay $0x3  }
0x36: {  	p1 =	seq.s32 s10, $0x1;
	s10 =	sld [smem:$0x3FBA];
	_ =	sdelay $0x3  }
0x37: {  	[smem:$0x3FBA] =	sst s10  }
0x38: {  	s10 =	sld [smem:$0x3FBB]  }
0x39: {  	_ = 	snop;
	(pc) =	sbr.ind lr, $3  }
0x3a: {  	_ = 	snop  }
0x3b: {  	_ = 	snop  }
0x3c: {  	p2 =	seq.s32 s10, $0x1;
	s10 =	sld [smem:$0x3FBA]  }
0x3d: {  	_ =	shalt  }
0x3e: {  	_ =	shalt  }
0x3f: {  	_ =	shalt  }
0x40: {  	_ =	shalt  }
0x41: {  	_ =	shalt  }
0x42: {  	_ =	shalt  }
0x43: {  	_ =	shalt  }
0x44: {  	_ =	shalt  }
0x45: {  	_ =	shalt  }
0x46: {  	_ =	shalt  }
0x47: {  	_ =	shalt  }
0x48: {  	_ =	shalt  }
0x49: {  	_ =	shalt  }
0x4a: {  	_ =	shalt  }
0x4b: {  	_ =	shalt  }
0x4c: {  	_ =	shalt  }
0x4d: {  	_ =	shalt  }
0x4e: {  	_ =	shalt  }
0x4f: {  	_ =	shalt  }
0x50: {  	_ =	shalt  }
0x51: {  	_ =	shalt  }
0x52: {  	_ =	shalt  }
0x53: {  	_ =	shalt  }
0x54: {  	_ =	shalt  }
0x55: {  	_ =	shalt  }
0x56: {  	_ =	shalt  }
0x57: {  	_ =	shalt  }
0x58: {  	_ =	shalt  }
0x59: {  	_ =	shalt  }
0x5a: {  	_ =	shalt  }
0x5b: {  	_ =	shalt  }
0x5c: {  	_ =	shalt  }
0x5d: {  	_ =	shalt  }
0x5e: {  	_ =	shalt  }
0x5f: {  	_ =	shalt  }
0x60: {  	_ =	shalt  }
0x61: {  	_ =	shalt  }
0x62: {  	_ =	shalt  }
0x63: {  	_ =	shalt  }
0x64: {  	_ =	shalt  }
0x65: {  	_ =	shalt  }
0x66: {  	_ =	shalt  }
0x67: {  	_ =	shalt  }
0x68: {  	_ =	shalt  }
0x69: {  	_ =	shalt  }
0x6a: {  	_ =	shalt  }
0x6b: {  	_ =	shalt  }
0x6c: {  	_ =	shalt  }
0x6d: {  	_ =	shalt  }
0x6e: {  	_ =	shalt  }
0x6f: {  	_ =	shalt  }
0x70: {  	_ =	shalt  }
0x71: {  	_ =	shalt  }
0x72: {  	_ =	shalt  }
0x73: {  	_ =	shalt  }
0x74: {  	_ =	shalt  }
0x75: {  	_ =	shalt  }
0x76: {  	_ =	shalt  }
0x77: {  	_ =	shalt  }
0x78: {  	_ =	shalt  }
0x79: {  	_ =	shalt  }
0x7a: {  	_ =	shalt  }
0x7b: {  	_ =	shalt  }
0x7c: {  	_ =	shalt  }
0x7d: {  	_ =	shalt  }
0x7e: {  	_ =	shalt  }
0x7f: {  	_ =	shalt  }
0x80: {  	_ =	shalt  }
0x81: {  	_ =	shalt  }
0x82: {  	_ =	shalt  }
0x83: {  	_ =	shalt  }
0x84: {  	_ =	shalt  }
0x85: {  	_ =	shalt  }
0x86: {  	_ =	shalt  }
0x87: {  	_ =	shalt  }
.Lfunc_end0:
.L_simem_size_0:
called_computation.6_lowered:
.L_overlay_start_0:
0x88: {  	s2 =	sld [smem:$0x3FD9]  }
0x89: {  	s3 =	sld [smem:$0x3FFE];
	_ =	sdelay $0x1  }
0x8a: {  	s1 =	srdreg.scid  }
0x8b: {  	s0 =	sand.u32 $0x1, s1  }
0x8c: {  	s14 =	sshll.u32 s0, $0xA;
	s2 =	sadd.s32 s3, s2  }
0x8d: {  	s2 =	sadd.s32 s2, s14  }
0x8e: {  	[smem:$0x3FC6] =	sst s2  }
0x8f: {  	_ = 	snop  }
0x90: {  	s2 =	sld [smem:$0x3FD0];
	_ =	sdelay $0x2  }
0x91: {  	s15 =	simm.s32 $0xA;
	s4 =	simm.s32 $0x10  }
0x92: {  	[smem:s4], [sflag:s15] =	dma.local [hbm:s2], $0x1  }
0x93: {  	_ =	swait.eq [sflag:s15], $0x1  }
0x94: {  	[sflag:s15] =	ssyncset.done $0x0  }
0x95: {  	[sflag:s15] =	ssyncadd.s32 $0xFFFFFFFF  }
0x96: {  	s16 =	sld [smem:$0x12];
	(tm) =	ssettm $0x1  }
0x97: {  	s17 =	sld [smem:$0x3FFB];
	_ =	sdelay $0x3  }
0x98: {  	_ =	strace s17  }
0x99: {  	s3 =	sld [smem:$0x3FFC];
	_ =	sdelay $0x3  }
0x9a: {  	_ =	strace s3  }
0x9b: {  	s3 =	sld [smem:$0x3FFD];
	_ =	sdelay $0x3  }
0x9c: {  	_ =	strace s3  }
0x9d: {  	_ =	strace $0x8FFFFFFF  }
0x9e: {  	s18 =	sld [smem:$0x3FDB];
	_ =	sdelay $0x1  }
0x9f: {  	s19 =	simm.s32 $_scs_section_size  }
0xa0: {  	s5 =	simm.s32 $_size__tile_overlayer_lowered;
	s6 =	simm.s32 $_tile_overlayer_lowered  }
0xa1: {  	s22 =	simm.s32 $0x1BFF;
	s21 =	sshll.u32 s6, $0x1;
	s3 =	sadd.s32 s19, s18  }
0xa2: {  	s7 =	simm.s32 $0x0;
	s20 =	sshll.u32 s5, $0x1;
	s5 =	sadd.s32 s21, s3  }
0xa3: {  	[timem:s7], [sflag:s22] =	dma.local [hbm:s5], s20  }
0xa4: {  	_ =	swait.ge [sflag:s22], s20  }
0xa5: {  	s4 =	ssub.s32 $0x0, s20;
	[sflag:s22] =	ssyncset.done $0x0  }
0xa6: {  	[sflag:s22] =	ssyncadd.s32 s4;
	_ =	sdelay $0x1  }
0xa7: {  	s23 =	simm.s32 $0x1B8B  }
0xa8: {  	_ =	swait.ge [sflag:s23], $0x1  }
0xa9: {  	[sflag:s23] =	ssyncset.done $0x0  }
0xaa: {  	s25 =	simm.s32 $0x1B8E;
	s24 =	sld [smem:$0x3FFE];
	[sflag:s23] =	ssyncadd.s32 $0xFFFFFFFF  }
0xab: {  	s26 =	simm.s32 $execute0_lowered;
	[smem:$0x3FD2] =	sst s25  }
0xac: {  	s5 =	sshll.u32 s26, $0x1;
	_ =	strace $0x80000058;
	[dreg:$0x1] =	wrdreg $0xFFFFFFFF  }
0xad: {  	s28 =	simm.s32 $_size_execute0_lowered;
	s3 =	sadd.s32 s3, s5;
	[dreg:$0x0] =	wrdreg $0x0  }
0xae: {  	s5 =	sshll.u32 s28, $0x1;
	[dreg:$0x2] =	wrdreg s3  }
0xaf: {  	[dreg:$0x3] =	wrdreg s5  }
0xb0: {  	[dreg:$0x4] =	wrdreg $0xC0  }
0xb1: {  	_ =	task [dreg:s7], $0x5FFFF  }
0xb2: {  	[dreg:$0x1] =	wrdreg $0xFFFFFFFF  }
0xb3: {  	[dreg:$0x0] =	wrdreg $0x60  }
0xb4: {  	[dreg:$0x2] =	wrdreg s24  }
0xb5: {  	[dreg:$0x3] =	wrdreg s16  }
0xb6: {  	[dreg:$0x4] =	wrdreg $0x9  }
0xb7: {  	_ =	task.clear_ibuf [dreg:s7], $0x5FFFF;
	_ =	strace $0x90000058  }
0xb8: {  	s29 =	simm.s32 $0x9;
	_ =	strace $0x8000005A  }
0xb9: {  	_ =	swait.ge [sflag:s29], $0x1  }
0xba: {  	[sflag:s29] =	ssyncadd.s32 $0xFFFFFFFF  }
0xbb: {  	_ =	strace $0x9000005A  }
0xbc: {  	_ =	sfence  }
0xbd: {  	s30 =	sld [smem:$0x0];
	_ =	sdelay $0x2  }
0xbe: {  	s31 =	sshll.u32 s1, $0xD;
	s1 =	sshrl.u32 s1, $0x2  }
0xbf: {  	s3 =	sand.u32 $0x4000, s31;
	s1 =	sadd.s32 s1, s30  }
0xc0: {  	s0 =	sor.u32 s3, s0;
	s1 =	sshll.u32 s1, $0x11  }
0xc1: {  	s0 =	sor.u32 s1, s0  }
0xc2: {  	s0 =	sadd.s32 $0x8F2B, s0  }
0xc3: {  	[sflag:s0] =	ssyncadd.remote.s32 $0x1  }
0xc4: {  	_ =	sfence.sel $0xFFFF  }
0xc5: {  	[dreg:$0x0] =	wrdreg $0xFFFFFFFF;
	(pc) =	sbr.abs _section_cstart, $3  }
0xc6: {  	[dreg:$0x1] =	wrdreg $0xFFFFFFFF  }
0xc7: {  	_ =	task.clear_ibuf [dreg:s7], $0x2FFFF;
	_ =	strace $0x9FFFFFFF  }
0xc8: {  	(tm) =	ssettm $0x7FFFFFFF  }
0xc9: {  	_ =	shalt  }
tec
execute0_lowered:
.L_overlay_start_1:
0x0: {  	(tag) =	ssettag $0x1  }
0x1: {  	s4 =	rddreg [dreg:$0x0]  }
0x2: {  	s5 =	rddreg [dreg:$0x1]  }
0x3: {  	s0 =	rddreg [dreg:$0x2];
	s2 =	simm.s32 $0x0  }
0x4: {  	s3 =	srdreg.scid;
	s1 =	stileid.u32;
	s10 =	simm.s32 $0x80  }
0x5: {  	s11 =	simm.s32 $0x100;
	s12 =	simm.s32 $0x4100;
	s13 =	simm.s32 $0x0  }
0x6: {  	[smem:$0x7FF] =	sst s2;
	s6 =	sand.u32 $0x1, s3;
	s7 =	sshll.u32 s1, $0x1  }
0x7: {  	s3 =	sadd.s32 $0x1E0000, s4;
	s7 =	sor.u32 s6, s7;
	s6 =	ssub.s32 $0x2, s6  }
0x8: {  	_ =	strace $0x80000059;
	s8 =	sshll.u32 s7, $0xC;
	s9 =	sshrl.u32 s6, $0x1  }
0x9: {  	s7 =	sshll.u32 s7, $0x5;
	s8 =	sadd.s32 s8, s4;
	s9 =	ssub.s32 s6, s9  }
0xa: {  	s4 =	sadd.s32 s5, s7;
	s5 =	sadd.s32 $0x120000, s8;
	s6 =	sadd.s32 $0x140000, s8  }
0xb: {  	s7 =	smax.u32 s9, $0x1;
	s8 =	simm.s32 $0x1;
	s9 =	simm.s32 $0x8100  }
.LBB2_1:
0xc: {  	[tilespmem:s2], [sflag:$0x1] =	stream.linear.gather [hbm4b:s4+s2], $0x100, $0x38;
	[tilespmem:$0x10100] =	vst v63  }
0xd: {  	_ =	swait.ge [sflag:s8], $0x100  }
0xe: {  	[sflag:s8] =	ssyncset.done $0x0  }
0xf: {  	[sflag:s8] =	ssyncadd.s32 $0xFFFFFF00  }
0x10: {  	[tilespmem:s9], [sflag:$0x1] =	stream.linear.gather [hbm4b:s5+s2], $0x8000, $0x38;
	[tilespmem:$0x10100] =	vst v63  }
0x11: {  	_ =	swait.ge [sflag:s8], $0x8000  }
0x12: {  	[sflag:s8] =	ssyncset.done $0x0  }
0x13: {  	[sflag:s8] =	ssyncadd.s32 $0xFFFF8000  }
0x14: {  	[tilespmem:s11], [sflag:$0x1] =	stream.indirect.gather [hbm4b:s3+s10], $0x80, s2, s10, $0xb8;
	[tilespmem:$0x10100] =	vst v63  }
0x15: {  	_ =	swait.ge [sflag:s8], $0x4000  }
0x16: {  	[sflag:s8] =	ssyncset.done $0x0  }
0x17: {  	[sflag:s8] =	ssyncadd.s32 $0xFFFFC000  }
0x18: {  	[tilespmem:s12], [sflag:$0x1] =	stream.indirect.gather [hbm4b:s3+s10], $0x80, s10, s10, $0xb8;
	[tilespmem:$0x10100] =	vst v63  }
0x19: {  	_ =	swait.ge [sflag:s8], $0x4000  }
0x1a: {  	[sflag:s8] =	ssyncset.done $0x0  }
0x1b: {  	s14 =	simm.s32 $0x0;
	[sflag:s8] =	ssyncadd.s32 $0xFFFFC000  }
0x1c: {  	v0 =	vld [tilespmem:s14+$0x100]  }
0x1d: {  	v1 =	vld [tilespmem:s14+$0x110]  }
0x1e: {  	s15 =	simm.s32 $0x200;
	v2 =	vld [tilespmem:s14+$0x8100]  }
.LBB2_2:
0x1f: {  	p0 =	sne.s32 s15, $0x1FE00;
	v3 =	vld [tilespmem:s14+$0x8110];
	_ =	sdelay $0x2  }
.Ltmp0:
0x20: {  	(pc) =	sbr.rel @p0 .LBB2_2-.Ltmp0, $4  }
0x21: {  	s16 =	sshra.s32 s15, $0x2;
	v2 =	vsub.f32 v2, v0  }
0x22: {  	v0 =	vld [tilespmem:s16+$0x100];
	v3 =	vsub.f32 v3, v1  }
0x23: {  	v1 =	vld [tilespmem:s16+$0x110];
	[tilespmem:s14+$0x8100] =	vst v2  }
0x24: {  	s15 =	sadd.s32 $0x200, s15;
	v2 =	vld [tilespmem:s16+$0x8100];
	[tilespmem:s14+$0x8110] =	vst v3;
	s14 =	smov.u32 s16  }
0x25: {  	v3 =	vld [tilespmem:s14+$0x8110];
	_ =	sdelay $0x3  }
0x26: {  	v0 =	vsub.f32 v2, v0  }
0x27: {  	s13 =	sadd.s32 $0x1, s13;
	v1 =	vsub.f32 v3, v1  }
0x28: {  	p0 =	sne.s32 s13, s7;
	[tilespmem:s14+$0x8100] =	vst v0  }
.Ltmp1:
0x29: {  	[tilespmem:s14+$0x8110] =	vst v1;
	(pc) =	sbr.rel @p0 .LBB2_1-.Ltmp1, $4  }
0x2a: {  	[hbm4b:s6+s2] =	stream.linear.scatter [tilespmem:s9], [sflag:$0x1], $0x8000, $0x38;
	[tilespmem:$0x10100] =	vst v63  }
0x2b: {  	_ =	swait.ge [sflag:s8], $0x8000  }
0x2c: {  	[sflag:s8] =	ssyncset.done $0x0  }
0x2d: {  	[sflag:s8] =	ssyncadd.s32 $0xFFFF8000  }
0x2e: {  	_ =	sfence.sel $0x180000  }
0x2f: {  	[bflag:$0x0] =	sbarrier.arrive $0xFFFF  }
0x30: {  	p0 =	sne.s32 s1, $0x0;
	_ =	strace $0x90000059  }
0x31: {  	s0 =	sadd.s32 @!p0 $0x100000, s0;
	[bflag:$0x2] =	sbarrier.arrive $0xFFFF  }
0x32: {  	[sflag:s0] =	ssyncadd.tile.s32 @!p0 $0x1;
	_ =	shalt  }
.Lfunc_end2:
_tile_overlayer_lowered:
.L_overlay_start_2:
0x33: {  	(tag) =	ssettag $0x2  }
0x34: {  	s0 =	rddreg [dreg:$0x0];
	s2 =	stileid.u32  }
0x35: {  	s1 =	rddreg [dreg:$0x1];
	p0 =	sne.s32 s2, $0x0  }
0x36: {  	s3 =	rddreg [dreg:$0x2];
	[bflag:$0x3] =	sbarrier.arrive $0xFFFF;
	s2 =	simm.s32 @!p0 $0x1C01  }
0x37: {  	[timem:s3], [sflag:s2] =	dma.local @!p0 [hbm:s0], s1  }
0x38: {  	s0 =	simm.s32 @!p0 $0x1  }
0x39: {  	_ =	swait.ge @!p0 [sflag:s0], s1  }
0x3a: {  	s1 =	ssub.s32 @!p0 $0x0, s1;
	[sflag:s0] =	ssyncset.done @!p0 $0x0  }
0x3b: {  	[sflag:s0] =	ssyncadd.s32 @!p0 s1  }
0x3c: {  	[bflag:$0x3] =	sbarrier.arrive $0xFFFF  }
0x3d: {  	_ =	shalt  }

// kernel: kernel.39.cloned.1.call-start
scs
__scs_entry_jumppad:
0x0: {  	(pc) =	sbr.rel $0x88, $3  }
0x1: {  	(tag) =	ssettag $0x0;
	lr =	simm.s32 $0x1  }
0x2: {  	[smem:$0x3F9F] =	sst lr;
	_ =	strace $0xD0000000  }
0x3: {  	_ = 	snop  }
0x4: {  	_ = 	snop  }
0x5: {  	_ = 	snop  }
0x6: {  	_ = 	snop  }
0x7: {  	_ = 	snop  }
__scs_overlays_trampoline_lowered:
0x8: {  	[smem:$0x3FAE] =	sst s0  }
0x9: {  	[smem:$0x3FAF] =	sst s1  }
0xa: {  	[smem:$0x3FB0] =	sst s2  }
0xb: {  	[smem:$0x3FB1] =	sst s3  }
0xc: {  	[smem:$0x3FB2] =	sst s4  }
0xd: {  	[smem:$0x3FB3] =	sst s5  }
0xe: {  	[smem:$0x3FB4] =	sst s6  }
0xf: {  	[smem:$0x3FB5] =	sst s7  }
0x10: {  	[smem:$0x3FB6] =	sst s8  }
0x11: {  	[smem:$0x3FB7] =	sst s9;
	s0 =	simm.s32 @!p0 $0x0  }
0x12: {  	s1 =	sld [smem:$0x3F9D];
	s0 =	simm.s32 @p0 $0x1  }
0x13: {  	[smem:$0x3FB8] =	sst s0;
	s0 =	simm.s32 @!p1 $0x0  }
0x14: {  	s2 =	sld [smem:$0x3F9C];
	s0 =	simm.s32 @p1 $0x1  }
0x15: {  	[smem:$0x3FB9] =	sst s0;
	s0 =	simm.s32 @!p2 $0x0  }
0x16: {  	s3 =	sld [smem:$0x3FDB];
	s0 =	simm.s32 @p2 $0x1  }
0x17: {  	s4 =	simm.s32 $0x1BF5;
	[smem:$0x3FBB] =	sst s0  }
0x18: {  	s0 =	sld [smem:$0x3F9E];
	_ =	swait.ge [sflag:s4], $0x0  }
0x19: {  	s7 =	sld [smem:$0x3F9F]  }
0x1a: {  	s8 =	sadd.s32 $0xFFFFE003, lr  }
0x1b: {  	s9 =	sadd.s32 $0xFFFFFEF7, lr;
	s5 =	simm.s32 $0xFFFFFFFF;
	p2 =	slt.u32 s8, $0xFFFFF086  }
0x1c: {  	p1 =	slt.u32 s9, $0xF7A;
	s5 =	simm.s32 @!p2 $0x0  }
0x1d: {  	s5 =	simm.s32 @p1 $0x1;
	p0 =	seq.s32 s7, s2  }
0x1e: {  	s7 =	smul.u32 @!p0 $0xF7A, s2;
	p2 =	seq.s32 @!p0 s5, $0x0  }
0x1f: {  	s9 =	smul.u32 $0xF7A, s1;
	s8 =	simm.s32 @!p0 $0x1BF5;
	p2 =	por !p2, p0  }
0x20: {  	[sflag:s8] =	ssyncset.s32 @!p0 $0xFFFFF086;
	s6 =	sadd.s32 @!p0 s3, s7;
	s7 =	simm.s32 @!p0 $0x108  }
0x21: {  	s3 =	sadd.s32 s3, s9;
	s6 =	sadd.s32 @!p0 $0x88, s6;
	s7 =	simm.s32 @p2 $0x1082  }
0x22: {  	[simem:s7], [sflag:s8] =	dma.local @!p0 [hbm:s6], $0xF7A  }
0x23: {  	s9 =	sor.u32 $0xD0000000, s2;
	s6 =	simm.s32 $0x108;
	_ =	swait.ge @!p0 [sflag:s8], $0x0  }
0x24: {  	s3 =	sadd.s32 $0x88, s3;
	s6 =	simm.s32 @!p1 $0x1082;
	[sflag:s4] =	ssyncset.s32 $0xFFFFF086  }
0x25: {  	[simem:s6], [sflag:s4] =	dma.local [hbm:s3], $0xF7A  }
0x26: {  	[smem:$0x3F9F] =	sst s1;
	(tag) =	ssettag s2;
	_ =	strace s9  }
0x27: {  	s1 =	sld [smem:$0x3FAF]  }
0x28: {  	s2 =	sld [smem:$0x3FB0]  }
0x29: {  	s4 =	sld [smem:$0x3FB2]  }
0x2a: {  	p0 =	seq.s32 s5, $0x0;
	s5 =	sld [smem:$0x3FB3]  }
0x2b: {  	s6 =	sld [smem:$0x3FB4]  }
0x2c: {  	s7 =	sld [smem:$0x3FB5]  }
0x2d: {  	s3 =	simm.s32 $0x108;
	s8 =	sld [smem:$0x3FB6]  }
0x2e: {  	s3 =	simm.s32 @!p0 $0x1082;
	s9 =	sld [smem:$0x3FB7]  }
0x2f: {  	lr =	sadd.s32 s0, s3;
	s0 =	sld [smem:$0x3FAE]  }
0x30: {  	s3 =	sld [smem:$0x3FB1]  }
0x31: {  	[smem:$0x3FBA] =	sst s10  }
0x32: {  	s10 =	sld [smem:$0x3FB8];
	_ =	sdelay $0x3  }
0x33: {  	p0 =	seq.s32 s10, $0x1;
	s10 =	sld [smem:$0x3FBA];
	_ =	sdelay $0x3  }
0x34: {  	[smem:$0x3FBA] =	sst s10  }
0x35: {  	s10 =	sld [smem:$0x3FB9];
	_ =	sdelay $0x3  }
0x36: {  	p1 =	seq.s32 s10, $0x1;
	s10 =	sld [smem:$0x3FBA];
	_ =	sdelay $0x3  }
0x37: {  	[smem:$0x3FBA] =	sst s10  }
0x38: {  	s10 =	sld [smem:$0x3FBB]  }
0x39: {  	_ = 	snop;
	(pc) =	sbr.ind lr, $3  }
0x3a: {  	_ = 	snop  }
0x3b: {  	_ = 	snop  }
0x3c: {  	p2 =	seq.s32 s10, $0x1;
	s10 =	sld [smem:$0x3FBA]  }
0x3d: {  	_ =	shalt  }
0x3e: {  	_ =	shalt  }
0x3f: {  	_ =	shalt  }
0x40: {  	_ =	shalt  }
0x41: {  	_ =	shalt  }
0x42: {  	_ =	shalt  }
0x43: {  	_ =	shalt  }
0x44: {  	_ =	shalt  }
0x45: {  	_ =	shalt  }
0x46: {  	_ =	shalt  }
0x47: {  	_ =	shalt  }
0x48: {  	_ =	shalt  }
0x49: {  	_ =	shalt  }
0x4a: {  	_ =	shalt  }
0x4b: {  	_ =	shalt  }
0x4c: {  	_ =	shalt  }
0x4d: {  	_ =	shalt  }
0x4e: {  	_ =	shalt  }
0x4f: {  	_ =	shalt  }
0x50: {  	_ =	shalt  }
0x51: {  	_ =	shalt  }
0x52: {  	_ =	shalt  }
0x53: {  	_ =	shalt  }
0x54: {  	_ =	shalt  }
0x55: {  	_ =	shalt  }
0x56: {  	_ =	shalt  }
0x57: {  	_ =	shalt  }
0x58: {  	_ =	shalt  }
0x59: {  	_ =	shalt  }
0x5a: {  	_ =	shalt  }
0x5b: {  	_ =	shalt  }
0x5c: {  	_ =	shalt  }
0x5d: {  	_ =	shalt  }
0x5e: {  	_ =	shalt  }
0x5f: {  	_ =	shalt  }
0x60: {  	_ =	shalt  }
0x61: {  	_ =	shalt  }
0x62: {  	_ =	shalt  }
0x63: {  	_ =	shalt  }
0x64: {  	_ =	shalt  }
0x65: {  	_ =	shalt  }
0x66: {  	_ =	shalt  }
0x67: {  	_ =	shalt  }
0x68: {  	_ =	shalt  }
0x69: {  	_ =	shalt  }
0x6a: {  	_ =	shalt  }
0x6b: {  	_ =	shalt  }
0x6c: {  	_ =	shalt  }
0x6d: {  	_ =	shalt  }
0x6e: {  	_ =	shalt  }
0x6f: {  	_ =	shalt  }
0x70: {  	_ =	shalt  }
0x71: {  	_ =	shalt  }
0x72: {  	_ =	shalt  }
0x73: {  	_ =	shalt  }
0x74: {  	_ =	shalt  }
0x75: {  	_ =	shalt  }
0x76: {  	_ =	shalt  }
0x77: {  	_ =	shalt  }
0x78: {  	_ =	shalt  }
0x79: {  	_ =	shalt  }
0x7a: {  	_ =	shalt  }
0x7b: {  	_ =	shalt  }
0x7c: {  	_ =	shalt  }
0x7d: {  	_ =	shalt  }
0x7e: {  	_ =	shalt  }
0x7f: {  	_ =	shalt  }
0x80: {  	_ =	shalt  }
0x81: {  	_ =	shalt  }
0x82: {  	_ =	shalt  }
0x83: {  	_ =	shalt  }
0x84: {  	_ =	shalt  }
0x85: {  	_ =	shalt  }
0x86: {  	_ =	shalt  }
0x87: {  	_ =	shalt  }
.Lfunc_end0:
.L_simem_size_0:
called_computation.7_lowered:
.L_overlay_start_0:
0x88: {  	s2 =	sld [smem:$0x3FD9]  }
0x89: {  	s3 =	sld [smem:$0x3FFE];
	_ =	sdelay $0x1  }
0x8a: {  	s1 =	srdreg.scid  }
0x8b: {  	s0 =	sand.u32 $0x1, s1  }
0x8c: {  	s14 =	sshll.u32 s0, $0xA;
	s2 =	sadd.s32 s3, s2  }
0x8d: {  	s2 =	sadd.s32 s2, s14  }
0x8e: {  	[smem:$0x3FC6] =	sst s2  }
0x8f: {  	_ = 	snop  }
0x90: {  	s2 =	sld [smem:$0x3FD0];
	_ =	sdelay $0x2  }
0x91: {  	s15 =	simm.s32 $0xA;
	s4 =	simm.s32 $0x10  }
0x92: {  	[smem:s4], [sflag:s15] =	dma.local [hbm:s2], $0x1  }
0x93: {  	_ =	swait.eq [sflag:s15], $0x1  }
0x94: {  	[sflag:s15] =	ssyncset.done $0x0  }
0x95: {  	[sflag:s15] =	ssyncadd.s32 $0xFFFFFFFF  }
0x96: {  	s16 =	sld [smem:$0x10];
	(tm) =	ssettm $0x1  }
0x97: {  	s17 =	sld [smem:$0x3FFB];
	_ =	sdelay $0x3  }
0x98: {  	_ =	strace s17  }
0x99: {  	s3 =	sld [smem:$0x3FFC];
	_ =	sdelay $0x3  }
0x9a: {  	_ =	strace s3  }
0x9b: {  	s3 =	sld [smem:$0x3FFD];
	_ =	sdelay $0x3  }
0x9c: {  	_ =	strace s3  }
0x9d: {  	_ =	strace $0x8FFFFFFF  }
0x9e: {  	s18 =	sld [smem:$0x3FDB];
	_ =	sdelay $0x1  }
0x9f: {  	s19 =	simm.s32 $_scs_section_size  }
0xa0: {  	s5 =	simm.s32 $_size__tile_overlayer_lowered;
	s6 =	simm.s32 $_tile_overlayer_lowered  }
0xa1: {  	s22 =	simm.s32 $0x1BFF;
	s21 =	sshll.u32 s6, $0x1;
	s3 =	sadd.s32 s19, s18  }
0xa2: {  	s7 =	simm.s32 $0x0;
	s20 =	sshll.u32 s5, $0x1;
	s5 =	sadd.s32 s21, s3  }
0xa3: {  	[timem:s7], [sflag:s22] =	dma.local [hbm:s5], s20  }
0xa4: {  	_ =	swait.ge [sflag:s22], s20  }
0xa5: {  	s4 =	ssub.s32 $0x0, s20;
	[sflag:s22] =	ssyncset.done $0x0  }
0xa6: {  	[sflag:s22] =	ssyncadd.s32 s4;
	_ =	sdelay $0x1  }
0xa7: {  	s23 =	simm.s32 $0x1B8B  }
0xa8: {  	_ =	swait.ge [sflag:s23], $0x1  }
0xa9: {  	[sflag:s23] =	ssyncset.done $0x0  }
0xaa: {  	s25 =	simm.s32 $0x1B8E;
	s24 =	sld [smem:$0x3FFE];
	[sflag:s23] =	ssyncadd.s32 $0xFFFFFFFF  }
0xab: {  	s26 =	simm.s32 $execute0_lowered;
	[smem:$0x3FD2] =	sst s25  }
0xac: {  	s5 =	sshll.u32 s26, $0x1;
	_ =	strace $0x8000005B;
	[dreg:$0x1] =	wrdreg $0xFFFFFFFF  }
0xad: {  	s28 =	simm.s32 $_size_execute0_lowered;
	s3 =	sadd.s32 s3, s5;
	[dreg:$0x0] =	wrdreg $0x0  }
0xae: {  	s5 =	sshll.u32 s28, $0x1;
	[dreg:$0x2] =	wrdreg s3  }
0xaf: {  	[dreg:$0x3] =	wrdreg s5  }
0xb0: {  	[dreg:$0x4] =	wrdreg $0xC0  }
0xb1: {  	_ =	task [dreg:s7], $0x5FFFF  }
0xb2: {  	[dreg:$0x1] =	wrdreg $0xFFFFFFFF  }
0xb3: {  	[dreg:$0x0] =	wrdreg $0x60  }
0xb4: {  	[dreg:$0x2] =	wrdreg s24  }
0xb5: {  	[dreg:$0x3] =	wrdreg s16  }
0xb6: {  	[dreg:$0x4] =	wrdreg $0x9  }
0xb7: {  	_ =	task.clear_ibuf [dreg:s7], $0x5FFFF;
	_ =	strace $0x9000005B  }
0xb8: {  	s29 =	simm.s32 $0x9;
	_ =	strace $0x8000005D  }
0xb9: {  	_ =	swait.ge [sflag:s29], $0x1  }
0xba: {  	[sflag:s29] =	ssyncadd.s32 $0xFFFFFFFF  }
0xbb: {  	_ =	strace $0x9000005D  }
0xbc: {  	_ =	sfence  }
0xbd: {  	s30 =	sld [smem:$0x0];
	_ =	sdelay $0x2  }
0xbe: {  	s31 =	sshll.u32 s1, $0xD;
	s1 =	sshrl.u32 s1, $0x2  }
0xbf: {  	s3 =	sand.u32 $0x4000, s31;
	s1 =	sadd.s32 s1, s30  }
0xc0: {  	s0 =	sor.u32 s3, s0;
	s1 =	sshll.u32 s1, $0x11  }
0xc1: {  	s0 =	sor.u32 s1, s0  }
0xc2: {  	s0 =	sadd.s32 $0x8F2B, s0  }
0xc3: {  	[sflag:s0] =	ssyncadd.remote.s32 $0x1  }
0xc4: {  	_ =	sfence.sel $0xFFFF  }
0xc5: {  	[dreg:$0x0] =	wrdreg $0xFFFFFFFF;
	(pc) =	sbr.abs _section_cstart, $3  }
0xc6: {  	[dreg:$0x1] =	wrdreg $0xFFFFFFFF  }
0xc7: {  	_ =	task.clear_ibuf [dreg:s7], $0x2FFFF;
	_ =	strace $0x9FFFFFFF  }
0xc8: {  	(tm) =	ssettm $0x7FFFFFFF  }
0xc9: {  	_ =	shalt  }
tec
execute0_lowered:
.L_overlay_start_1:
0x0: {  	(tag) =	ssettag $0x1  }
0x1: {  	s4 =	rddreg [dreg:$0x0]  }
0x2: {  	s5 =	rddreg [dreg:$0x1]  }
0x3: {  	s0 =	rddreg [dreg:$0x2]  }
0x4: {  	s2 =	simm.s32 $0x0;
	s3 =	srdreg.scid;
	s1 =	stileid.u32  }
0x5: {  	s10 =	simm.s32 $0x8100;
	s11 =	simm.s32 $0x10100;
	s12 =	simm.s32 $0x80  }
0x6: {  	s13 =	simm.s32 $0x100;
	s14 =	simm.s32 $0x4100;
	s15 =	simm.s32 $0x0  }
0x7: {  	[smem:$0x7FF] =	sst s2;
	s3 =	sand.u32 $0x1, s3;
	s6 =	sshll.u32 s1, $0x1  }
0x8: {  	_ =	strace $0x8000005C;
	s6 =	sor.u32 s3, s6;
	s7 =	ssub.s32 $0x2, s3  }
0x9: {  	s3 =	sadd.s32 $0x200000, s4;
	s8 =	sshll.u32 s6, $0xC;
	s9 =	sshrl.u32 s7, $0x1  }
0xa: {  	s31 =	sshll.u32 s6, $0x5;
	s8 =	sadd.s32 s8, s4;
	s9 =	ssub.s32 s7, s9  }
0xb: {  	s4 =	sadd.s32 s5, s31;
	s5 =	sadd.s32 $0x140000, s8;
	s6 =	sadd.s32 $0x100000, s8  }
0xc: {  	s7 =	sadd.s32 $0x120000, s8;
	s8 =	smax.u32 s9, $0x1;
	s9 =	simm.s32 $0x1  }
.LBB2_1:
0xd: {  	[tilespmem:s2], [sflag:$0x1] =	stream.linear.gather [hbm4b:s4+s2], $0x100, $0x38;
	[tilespmem:$0x18100] =	vst v63  }
0xe: {  	_ =	swait.ge [sflag:s9], $0x100  }
0xf: {  	[sflag:s9] =	ssyncset.done $0x0  }
0x10: {  	[sflag:s9] =	ssyncadd.s32 $0xFFFFFF00  }
0x11: {  	[tilespmem:s10], [sflag:$0x1] =	stream.linear.gather [hbm4b:s5+s2], $0x8000, $0x38;
	[tilespmem:$0x18100] =	vst v63  }
0x12: {  	_ =	swait.ge [sflag:s9], $0x8000  }
0x13: {  	[sflag:s9] =	ssyncset.done $0x0  }
0x14: {  	[sflag:s9] =	ssyncadd.s32 $0xFFFF8000  }
0x15: {  	[tilespmem:s11], [sflag:$0x1] =	stream.linear.gather [hbm4b:s6+s2], $0x8000, $0x38;
	[tilespmem:$0x18100] =	vst v63  }
0x16: {  	_ =	swait.ge [sflag:s9], $0x8000  }
0x17: {  	[sflag:s9] =	ssyncset.done $0x0  }
0x18: {  	[sflag:s9] =	ssyncadd.s32 $0xFFFF8000  }
0x19: {  	[tilespmem:s13], [sflag:$0x1] =	stream.indirect.gather [hbm4b:s3+s12], $0x80, s2, s12, $0xb8;
	[tilespmem:$0x18100] =	vst v63  }
0x1a: {  	_ =	swait.ge [sflag:s9], $0x4000  }
0x1b: {  	[sflag:s9] =	ssyncset.done $0x0  }
0x1c: {  	[sflag:s9] =	ssyncadd.s32 $0xFFFFC000  }
0x1d: {  	[tilespmem:s14], [sflag:$0x1] =	stream.indirect.gather [hbm4b:s3+s12], $0x80, s12, s12, $0xb8;
	[tilespmem:$0x18100] =	vst v63  }
0x1e: {  	_ =	swait.ge [sflag:s9], $0x4000  }
0x1f: {  	[sflag:s9] =	ssyncset.done $0x0  }
0x20: {  	s16 =	simm.s32 $0x0;
	[sflag:s9] =	ssyncadd.s32 $0xFFFFC000  }
0x21: {  	v0 =	vld [tilespmem:s16+$0x100]  }
0x22: {  	v1 =	vld [tilespmem:s16+$0x110]  }
0x23: {  	s17 =	simm.s32 $0x200;
	v2 =	vld [tilespmem:s16+$0x8100]  }
.LBB2_2:
0x24: {  	p0 =	sne.s32 s17, $0x1FE00;
	v3 =	vld [tilespmem:s16+$0x8110]  }
0x25: {  	v4 =	vld [tilespmem:s16+$0x10100]  }
0x26: {  	v5 =	vld [tilespmem:s16+$0x10110];
	_ =	sdelay $0x1  }
0x27: {  	v0 =	vsub.f32 v2, v0  }
.Ltmp0:
0x28: {  	v1 =	vsub.f32 v3, v1;
	(pc) =	sbr.rel @p0 .LBB2_2-.Ltmp0, $4  }
0x29: {  	s18 =	sshra.s32 s17, $0x2;
	v2 =	vsub.f32 v4, v0  }
0x2a: {  	v0 =	vld [tilespmem:s18+$0x100];
	v3 =	vsub.f32 v5, v1  }
0x2b: {  	v1 =	vld [tilespmem:s18+$0x110];
	[tilespmem:s16+$0x8100] =	vst v2  }
0x2c: {  	s17 =	sadd.s32 $0x200, s17;
	v2 =	vld [tilespmem:s18+$0x8100];
	[tilespmem:s16+$0x8110] =	vst v3;
	s16 =	smov.u32 s18  }
0x2d: {  	v3 =	vld [tilespmem:s16+$0x8110]  }
0x2e: {  	v4 =	vld [tilespmem:s16+$0x10100]  }
0x2f: {  	v5 =	vld [tilespmem:s16+$0x10110];
	_ =	sdelay $0x1  }
0x30: {  	v0 =	vsub.f32 v2, v0  }
0x31: {  	v1 =	vsub.f32 v3, v1  }
0x32: {  	v0 =	vsub.f32 v4, v0  }
0x33: {  	s15 =	sadd.s32 $0x1, s15;
	v1 =	vsub.f32 v5, v1  }
0x34: {  	p0 =	sne.s32 s15, s8;
	[tilespmem:s16+$0x8100] =	vst v0  }
.Ltmp1:
0x35: {  	[tilespmem:s16+$0x8110] =	vst v1;
	(pc) =	sbr.rel @p0 .LBB2_1-.Ltmp1, $4  }
0x36: {  	[hbm4b:s7+s2] =	stream.linear.scatter [tilespmem:s10], [sflag:$0x1], $0x8000, $0x38;
	[tilespmem:$0x18100] =	vst v63  }
0x37: {  	_ =	swait.ge [sflag:s9], $0x8000  }
0x38: {  	[sflag:s9] =	ssyncset.done $0x0  }
0x39: {  	[sflag:s9] =	ssyncadd.s32 $0xFFFF8000  }
0x3a: {  	_ =	sfence.sel $0x180000  }
0x3b: {  	[bflag:$0x0] =	sbarrier.arrive $0xFFFF  }
0x3c: {  	p0 =	sne.s32 s1, $0x0;
	_ =	strace $0x9000005C  }
0x3d: {  	s0 =	sadd.s32 @!p0 $0x100000, s0;
	[bflag:$0x2] =	sbarrier.arrive $0xFFFF  }
0x3e: {  	[sflag:s0] =	ssyncadd.tile.s32 @!p0 $0x1;
	_ =	shalt  }
.Lfunc_end2:
_tile_overlayer_lowered:
.L_overlay_start_2:
0x3f: {  	(tag) =	ssettag $0x2  }
0x40: {  	s0 =	rddreg [dreg:$0x0];
	s2 =	stileid.u32  }
0x41: {  	s1 =	rddreg [dreg:$0x1];
	p0 =	sne.s32 s2, $0x0  }
0x42: {  	s3 =	rddreg [dreg:$0x2];
	[bflag:$0x3] =	sbarrier.arrive $0xFFFF;
	s2 =	simm.s32 @!p0 $0x1C01  }
0x43: {  	[timem:s3], [sflag:s2] =	dma.local @!p0 [hbm:s0], s1  }
0x44: {  	s0 =	simm.s32 @!p0 $0x1  }
0x45: {  	_ =	swait.ge @!p0 [sflag:s0], s1  }
0x46: {  	s1 =	ssub.s32 @!p0 $0x0, s1;
	[sflag:s0] =	ssyncset.done @!p0 $0x0  }
0x47: {  	[sflag:s0] =	ssyncadd.s32 @!p0 s1  }
0x48: {  	[bflag:$0x3] =	sbarrier.arrive $0xFFFF  }
0x49: {  	_ =	shalt  }

</sc_bundles>
